<compile_context>
chip_gen: v7x
topology: tpu7x:2x2x1
jax: 0.10.2.dev20260603
libtpu: 0.0.44.dev20260713+nightly
codegen_flags: <defaults>
</compile_context>

<pallas_src>
import functools

import jax
import jax.numpy as jnp
from jax import lax
from jax.experimental import pallas as pl
from jax.experimental.pallas import tpu as pltpu
from jax.experimental.pallas import tpu_sc as plsc

NC = 2
NS = 16
NW = NC * NS
LANES = 16
CHUNK = 320
NBUF = 2
NUM_SEG = 10000


def _ceil_div(a, b):
  return (a + b - 1) // b


@jax.jit
def _segment_max_sc(x_flat, batch_i32, starts):
  feat = 128
  n_rows = x_flat.shape[0] // feat
  assert n_rows % LANES == 0 and (n_rows - CHUNK) % LANES == 0
  nvec = feat // LANES
  spw = _ceil_div(_ceil_div(NUM_SEG, NW), 8) * 8
  out_rows = spw * NW

  mesh = plsc.VectorSubcoreMesh(core_axis_name="c", subcore_axis_name="s")

  @functools.partial(
      pl.kernel,
      out_type=jax.ShapeDtypeStruct((out_rows * feat,), jnp.float32),
      mesh=mesh,
      compiler_params=pltpu.CompilerParams(needs_layout_passes=False),
      scratch_types=(
          [pltpu.VMEM((64,), jnp.int32)]
          + [pltpu.VMEM((CHUNK * feat,), jnp.float32)] * NBUF
          + [pltpu.VMEM((CHUNK,), jnp.int32)] * NBUF
          + [
              pltpu.VMEM((spw * feat,), jnp.float32),
              pltpu.VMEM((CHUNK + LANES,), jnp.int32),
              pltpu.VMEM((CHUNK + LANES,), jnp.int32),
          ]
          + [pltpu.SemaphoreType.DMA] * NBUF
      ),
  )
  def k(x_hbm, b_hbm, starts_hbm, out_hbm, starts_v,
        xb0, xb1, ib0, ib1, obuf, posbuf, segbuf, sm0, sm1):
    bufs = ((xb0, ib0, sm0), (xb1, ib1, sm1))
    wid = lax.axis_index("s") * NC + lax.axis_index("c")
    s0 = wid * spw

    pltpu.sync_copy(starts_hbm, starts_v)
    r0 = starts_v[pl.ds(wid, LANES)][0]
    r1 = starts_v[pl.ds(wid + 1, LANES)][0]

    zeros = jnp.zeros((LANES,), jnp.float32)

    def zero_body(i, _):
      for kf in range(nvec):
        obuf[pl.ds(i * feat + kf * LANES, LANES)] = zeros
      return 0

    lax.fori_loop(0, spw, zero_body, 0, unroll=False)

    a0 = pl.multiple_of((r0 // LANES) * LANES, LANES)
    a1 = pl.multiple_of(((r1 + LANES - 1) // LANES) * LANES, LANES)
    n_chunks = (a1 - a0 + CHUNK - 1) // CHUNK
    clamp_max = ((n_rows - CHUNK) // LANES) * LANES

    def store_row(cur, acc):
      cl = cur - s0
      for kf in range(nvec):
        obuf[pl.ds(cl * feat + kf * LANES, LANES)] = acc[kf]

    def chunk_offset(c):
      o_raw = a0 + c * CHUNK
      o = pl.multiple_of(jnp.minimum(o_raw, clamp_max), LANES)
      return o_raw, o

    def start_fill(c, i):
      xbuf, idbuf, sem = bufs[i]
      _, o = chunk_offset(c)

      @pl.when(c < n_chunks)
      def _():
        pltpu.async_copy(x_hbm.at[pl.ds(o * feat, CHUNK * feat)], xbuf, sem)
        pltpu.async_copy(b_hbm.at[pl.ds(o, CHUNK)], idbuf, sem)

    def wait_fill(c, i):
      xbuf, idbuf, sem = bufs[i]

      @pl.when(c < n_chunks)
      def _():
        pltpu.make_async_copy(
            x_hbm.at[pl.ds(0, CHUNK * feat)], xbuf, sem).wait()
        pltpu.make_async_copy(b_hbm.at[pl.ds(0, CHUNK)], idbuf, sem).wait()

    iota = lax.iota(jnp.int32, LANES)
    perm_prev = (iota + (LANES - 1)) & (LANES - 1)
    perm_last = jnp.full((LANES,), LANES - 1, jnp.int32)
    gdn = lax.GatherDimensionNumbers(
        offset_dims=(), collapsed_slice_dims=(0,), start_index_map=(0,))

    def lane_gather(v, perm):
      return lax.gather(v, perm[:, None], gdn, slice_sizes=(1,),
                        mode=lax.GatherScatterMode.PROMISE_IN_BOUNDS)

    neg_inf = jnp.full((LANES,), -jnp.inf, jnp.float32)

    def compute_chunk(c, xbuf, idbuf, carry):
      cur0, acc0 = carry
      o_raw, o = chunk_offset(c)
      d = o_raw - o
      m = jnp.maximum(jnp.minimum(CHUNK, a1 - o_raw), 0)
      nb = m // LANES

      one_vec = jnp.full((LANES,), 1, jnp.int32)
      zero_vec = jnp.zeros((LANES,), jnp.int32)

      def pre_body(b, pc):
        off_vec, prev_last = pc
        ids16 = idbuf[pl.ds(d + b * LANES, LANES)]
        prev = jnp.where(iota == 0, prev_last, lane_gather(ids16, perm_prev))
        mask = ids16 != prev
        csum = plsc.cumsum(jnp.where(mask, one_vec, zero_vec))
        dest = off_vec + csum - 1
        plsc.store_scatter(posbuf, [dest], b * LANES + iota, mask=mask)
        plsc.store_scatter(segbuf, [dest], ids16, mask=mask)
        off_vec = off_vec + lane_gather(csum, perm_last)
        return off_vec, lane_gather(ids16, perm_last)

      off_vec, _ = lax.fori_loop(
          0, nb, pre_body,
          (jnp.zeros((LANES,), jnp.int32), jnp.full((LANES,), cur0)))
      kbound = off_vec[0]

      def piece_body(j, st):
        cur, acc, start, nseg = st
        jj = jnp.minimum(j, jnp.maximum(kbound - 1, 0))
        end = jnp.where(j < kbound, posbuf[pl.ds(jj, LANES)][0], m)
        nseg_next = segbuf[pl.ds(jj, LANES)][0]
        first = j == 0
        owned = (cur - s0).astype(jnp.uint32) < jnp.uint32(spw)

        @pl.when(jnp.logical_not(first) & owned)
        def _():
          store_row(cur, acc)

        cur = jnp.where(first, cur, nseg)
        acc = tuple(jnp.where(first, a, neg_inf) for a in acc)

        @plsc.parallel_loop(start, end, unroll=8, carry=acc)
        def row_body(r, a):
          base = (d + r) * feat
          return tuple(
              jnp.maximum(a[kf], xbuf[pl.ds(base + kf * LANES, LANES)])
              for kf in range(nvec)
          )

        return (cur, row_body, end, nseg_next)

      cur, acc, _, _ = lax.fori_loop(
          0, kbound + 1, piece_body, (cur0, acc0, jnp.int32(0), jnp.int32(0)))
      return (cur, acc)

    n_rounds = (n_chunks + NBUF - 1) // NBUF
    for i in range(NBUF):
      start_fill(i, i)

    def round_body(q, carry):
      c_base = NBUF * q
      for i in range(NBUF):
        wait_fill(c_base + i, i)
        carry = compute_chunk(c_base + i, bufs[i][0], bufs[i][1], carry)
        start_fill(c_base + i + NBUF, i)
      return carry

    init = (jnp.int32(-1), tuple(zeros for _ in range(nvec)))
    cur, acc = lax.fori_loop(0, n_rounds, round_body, init)
    for i in range(NBUF):
      wait_fill(n_rounds * NBUF + i, i)

    @pl.when((cur - s0).astype(jnp.uint32) < jnp.uint32(spw))
    def _():
      store_row(cur, acc)

    pltpu.sync_copy(obuf, out_hbm.at[pl.ds(s0 * feat, spw * feat)])

  return k(x_flat, batch_i32, starts)


def kernel(x, batch, dim_size):
  del dim_size
  batch_i32 = batch.astype(jnp.int32)
  spw = _ceil_div(_ceil_div(NUM_SEG, NW), 8) * 8
  bounds = jnp.arange(NW + 1, dtype=jnp.int32) * spw
  starts = jnp.searchsorted(batch_i32, bounds).astype(jnp.int32)
  starts = jnp.pad(starts, (0, 64 - (NW + 1)))
  out = _segment_max_sc(x.reshape(-1), batch_i32, starts)
  return out.reshape(-1, x.shape[1])[:NUM_SEG]

# --- scband reference (transcript-rebuilt; emitter-appended) ---
"""Pipeline reference for scband-max-pooling-89781996355962 (READ-ONLY COPY).

The authoritative reference and input builder live on the scoring server;
editing this copy changes nothing except your own understanding.
"""

import jax, jax.numpy as jnp
import numpy as np

NUM_ATOMS = 320000
FEAT = 128
NUM_MOL = 10000

def setup_inputs(seed: int = 0) -> dict:
    key = jax.random.key(seed)
    k1, k2 = jax.random.split(key)
    x = jax.random.normal(k1, (NUM_ATOMS, FEAT), dtype=jnp.float32)
    batch = jnp.sort(jax.random.randint(k2, (NUM_ATOMS,), 0, NUM_MOL, dtype=jnp.int64))
    return {"x": x, "batch": batch, "dim_size": NUM_MOL}

def reference(x, batch, dim_size):
    # MaxPooling.forward: scatter(x, batch, dim=0, dim_size=dim_size, reduce='max')
    out = jax.ops.segment_max(x, batch, num_segments=NUM_MOL)
    # torch_scatter fills empty segments with 0 rather than -inf
    fill = jnp.zeros((), x.dtype) * dim_size
    out = jnp.where(jnp.isneginf(out), fill, out)
    return out

if __name__ == "__main__":
    import jax
    _d = setup_inputs()
    print(jax.jit(kernel)(*tuple(_d.values())))

</pallas_src>

<mosaic_0001>
#map = affine_map<(d0, d1) -> (0)>
module attributes {stable_mosaic.version = 14 : i64} {
  func.func @k(%arg0: i32, %arg1: i32, %arg2: memref<40960000xf32, #tpu.memory_space<hbm>>, %arg3: memref<320000xi32, #tpu.memory_space<hbm>>, %arg4: memref<64xi32, #tpu.memory_space<hbm>>, %arg5: memref<1310720xf32, #tpu.memory_space<hbm>>, %arg6: memref<64xi32, #tpu.memory_space<vmem>>, %arg7: memref<40960xf32, #tpu.memory_space<vmem>>, %arg8: memref<40960xf32, #tpu.memory_space<vmem>>, %arg9: memref<320xi32, #tpu.memory_space<vmem>>, %arg10: memref<320xi32, #tpu.memory_space<vmem>>, %arg11: memref<40960xf32, #tpu.memory_space<vmem>>, %arg12: memref<336xi32, #tpu.memory_space<vmem>>, %arg13: memref<336xi32, #tpu.memory_space<vmem>>, %arg14: memref<!tpu.dma_semaphore, #tpu.memory_space<semaphore_mem>>, %arg15: memref<!tpu.dma_semaphore, #tpu.memory_space<semaphore_mem>>) attributes {dimension_semantics = [#tpu.dimension_semantics<core_parallel>, #tpu.dimension_semantics<subcore_parallel>], iteration_bounds = array<i64: 2, 16>, scalar_prefetch = 0 : i64, scratch_operands = 10 : i64, tpu.core_type = #tpu.core_type<sc_vector_subcore>, window_params = [{transform_indices = #map}, {transform_indices = #map}, {transform_indices = #map}, {transform_indices = #map}]} {
    %mul3A = arith.constant 2 : i32
    %mul3A_0 = arith.muli %arg1, %mul3A : i32
    %add3A = arith.addi %mul3A_0, %arg0 : i32
    %mul3A_1 = arith.constant 320 : i32
    %mul3A_2 = arith.muli %add3A, %mul3A_1 : i32
    "tpu.region"() ({
      %run_scoped3A = tpu.sem_alloc : memref<!tpu.dma_semaphore, #tpu.memory_space<semaphore_mem>>
      tpu.enqueue_dma source(%arg4 : memref<64xi32, #tpu.memory_space<hbm>>) target(%arg6 : memref<64xi32, #tpu.memory_space<vmem>>) target_semaphore(%run_scoped3A : memref<!tpu.dma_semaphore, #tpu.memory_space<semaphore_mem>>)
      tpu.wait_dma2 semaphore(%run_scoped3A : memref<!tpu.dma_semaphore, #tpu.memory_space<semaphore_mem>>) src(%arg4 : memref<64xi32, #tpu.memory_space<hbm>>) dst(%arg6 : memref<64xi32, #tpu.memory_space<vmem>>)
      tpu.yield
    }) : () -> ()
    %get3A = arith.index_cast %add3A : i32 to index
    %get3A_3 = tpu.vector_load %arg6[%get3A] {strides = array<i32>} : memref<64xi32, #tpu.memory_space<vmem>>, vector<16xi32>,
    %slice3A = vector.extract_strided_slice %get3A_3 {offsets = [0], sizes = [1], strides = [1]} : vector<16xi32> to vector<1xi32>
    %squeeze3A = vector.extract %slice3A[0] : i32 from vector<1xi32>
    %add3A_4 = arith.constant 1 : i32
    %add3A_5 = arith.addi %add3A, %add3A_4 : i32
    %get3A_6 = arith.index_cast %add3A_5 : i32 to index
    %get3A_7 = tpu.vector_load %arg6[%get3A_6] {strides = array<i32>} : memref<64xi32, #tpu.memory_space<vmem>>, vector<16xi32>,
    %slice3A_8 = vector.extract_strided_slice %get3A_7 {offsets = [0], sizes = [1], strides = [1]} : vector<16xi32> to vector<1xi32>
    %squeeze3A_9 = vector.extract %slice3A_8[0] : i32 from vector<1xi32>
    %broadcast_in_dim3A = arith.constant 0.000000e+00 : f32
    %broadcast_in_dim3A_10 = vector.broadcast %broadcast_in_dim3A : f32 to vector<16xf32>
    %scan3A = arith.constant 0 : i32
    %scan3A_11 = arith.constant 0 : i32
    %scan3A_12 = arith.constant 320 : i32
    %scan3A_13 = arith.addi %scan3A_11, %scan3A_12 : i32
    %scan3A_14 = arith.constant 1 : i32
    %scan3A_15 = scf.for %scan3A_183 = %scan3A_11 to %scan3A_13 step %scan3A_14 iter_args(%scan3A_184 = %scan3A) -> (i32)  : i32 {
      %mul3A_185 = arith.constant 128 : i32
      %mul3A_186 = arith.muli %scan3A_183, %mul3A_185 : i32
      %add3A_187 = arith.constant 0 : i32
      %add3A_188 = arith.addi %mul3A_186, %add3A_187 : i32
      %swap3A = arith.index_cast %add3A_188 : i32 to index
      %swap3A_189 = tpu.vector_load %arg11[%swap3A] {strides = array<i32>} : memref<40960xf32, #tpu.memory_space<vmem>>, vector<16xf32>,
      tpu.vector_store %arg11[%swap3A], %broadcast_in_dim3A_10 {strides = array<i32>} : memref<40960xf32, #tpu.memory_space<vmem>>, vector<16xf32>,
      %mul3A_190 = arith.constant 128 : i32
      %mul3A_191 = arith.muli %scan3A_183, %mul3A_190 : i32
      %add3A_192 = arith.constant 16 : i32
      %add3A_193 = arith.addi %mul3A_191, %add3A_192 : i32
      %swap3A_194 = arith.index_cast %add3A_193 : i32 to index
      %swap3A_195 = tpu.vector_load %arg11[%swap3A_194] {strides = array<i32>} : memref<40960xf32, #tpu.memory_space<vmem>>, vector<16xf32>,
      tpu.vector_store %arg11[%swap3A_194], %broadcast_in_dim3A_10 {strides = array<i32>} : memref<40960xf32, #tpu.memory_space<vmem>>, vector<16xf32>,
      %mul3A_196 = arith.constant 128 : i32
      %mul3A_197 = arith.muli %scan3A_183, %mul3A_196 : i32
      %add3A_198 = arith.constant 32 : i32
      %add3A_199 = arith.addi %mul3A_197, %add3A_198 : i32
      %swap3A_200 = arith.index_cast %add3A_199 : i32 to index
      %swap3A_201 = tpu.vector_load %arg11[%swap3A_200] {strides = array<i32>} : memref<40960xf32, #tpu.memory_space<vmem>>, vector<16xf32>,
      tpu.vector_store %arg11[%swap3A_200], %broadcast_in_dim3A_10 {strides = array<i32>} : memref<40960xf32, #tpu.memory_space<vmem>>, vector<16xf32>,
      %mul3A_202 = arith.constant 128 : i32
      %mul3A_203 = arith.muli %scan3A_183, %mul3A_202 : i32
      %add3A_204 = arith.constant 48 : i32
      %add3A_205 = arith.addi %mul3A_203, %add3A_204 : i32
      %swap3A_206 = arith.index_cast %add3A_205 : i32 to index
      %swap3A_207 = tpu.vector_load %arg11[%swap3A_206] {strides = array<i32>} : memref<40960xf32, #tpu.memory_space<vmem>>, vector<16xf32>,
      tpu.vector_store %arg11[%swap3A_206], %broadcast_in_dim3A_10 {strides = array<i32>} : memref<40960xf32, #tpu.memory_space<vmem>>, vector<16xf32>,
      %mul3A_208 = arith.constant 128 : i32
      %mul3A_209 = arith.muli %scan3A_183, %mul3A_208 : i32
      %add3A_210 = arith.constant 64 : i32
      %add3A_211 = arith.addi %mul3A_209, %add3A_210 : i32
      %swap3A_212 = arith.index_cast %add3A_211 : i32 to index
      %swap3A_213 = tpu.vector_load %arg11[%swap3A_212] {strides = array<i32>} : memref<40960xf32, #tpu.memory_space<vmem>>, vector<16xf32>,
      tpu.vector_store %arg11[%swap3A_212], %broadcast_in_dim3A_10 {strides = array<i32>} : memref<40960xf32, #tpu.memory_space<vmem>>, vector<16xf32>,
      %mul3A_214 = arith.constant 128 : i32
      %mul3A_215 = arith.muli %scan3A_183, %mul3A_214 : i32
      %add3A_216 = arith.constant 80 : i32
      %add3A_217 = arith.addi %mul3A_215, %add3A_216 : i32
      %swap3A_218 = arith.index_cast %add3A_217 : i32 to index
      %swap3A_219 = tpu.vector_load %arg11[%swap3A_218] {strides = array<i32>} : memref<40960xf32, #tpu.memory_space<vmem>>, vector<16xf32>,
      tpu.vector_store %arg11[%swap3A_218], %broadcast_in_dim3A_10 {strides = array<i32>} : memref<40960xf32, #tpu.memory_space<vmem>>, vector<16xf32>,
      %mul3A_220 = arith.constant 128 : i32
      %mul3A_221 = arith.muli %scan3A_183, %mul3A_220 : i32
      %add3A_222 = arith.constant 96 : i32
      %add3A_223 = arith.addi %mul3A_221, %add3A_222 : i32
      %swap3A_224 = arith.index_cast %add3A_223 : i32 to index
      %swap3A_225 = tpu.vector_load %arg11[%swap3A_224] {strides = array<i32>} : memref<40960xf32, #tpu.memory_space<vmem>>, vector<16xf32>,
      tpu.vector_store %arg11[%swap3A_224], %broadcast_in_dim3A_10 {strides = array<i32>} : memref<40960xf32, #tpu.memory_space<vmem>>, vector<16xf32>,
      %mul3A_226 = arith.constant 128 : i32
      %mul3A_227 = arith.muli %scan3A_183, %mul3A_226 : i32
      %add3A_228 = arith.constant 112 : i32
      %add3A_229 = arith.addi %mul3A_227, %add3A_228 : i32
      %swap3A_230 = arith.index_cast %add3A_229 : i32 to index
      %swap3A_231 = tpu.vector_load %arg11[%swap3A_230] {strides = array<i32>} : memref<40960xf32, #tpu.memory_space<vmem>>, vector<16xf32>,
      tpu.vector_store %arg11[%swap3A_230], %broadcast_in_dim3A_10 {strides = array<i32>} : memref<40960xf32, #tpu.memory_space<vmem>>, vector<16xf32>,
      %scan3A_232 = arith.constant 0 : i32
      scf.yield %scan3A_232 : i32
    }
    %scan3A_16 = arith.constant 320 : i32
    %jit3A = arith.constant 16 : i32
    %div3A = arith.divsi %squeeze3A, %jit3A : i32
    %sign3A = arith.constant 0 : i32
    %sign3A_17 = arith.cmpi sgt, %squeeze3A, %sign3A : i32
    %sign3A_18 = arith.extui %sign3A_17 : i1 to i32
    %sign3A_19 = arith.constant 0 : i32
    %sign3A_20 = arith.cmpi slt, %squeeze3A, %sign3A_19 : i32
    %sign3A_21 = arith.extui %sign3A_20 : i1 to i32
    %sign3A_22 = arith.subi %sign3A_18, %sign3A_21 : i32
    %sign3A_23 = arith.constant 0 : i32
    %sign3A_24 = arith.cmpi sgt, %jit3A, %sign3A_23 : i32
    %sign3A_25 = arith.extui %sign3A_24 : i1 to i32
    %sign3A_26 = arith.constant 0 : i32
    %sign3A_27 = arith.cmpi slt, %jit3A, %sign3A_26 : i32
    %sign3A_28 = arith.extui %sign3A_27 : i1 to i32
    %sign3A_29 = arith.subi %sign3A_25, %sign3A_28 : i32
    %ne3A = arith.cmpi ne, %sign3A_22, %sign3A_29 : i32
    %rem3A = arith.remsi %squeeze3A, %jit3A : i32
    %ne3A_30 = arith.constant 0 : i32
    %ne3A_31 = arith.cmpi ne, %rem3A, %ne3A_30 : i32
    %and3A = arith.andi %ne3A, %ne3A_31 : i1
    %sub3A = arith.constant 1 : i32
    %sub3A_32 = arith.subi %div3A, %sub3A : i32
    %select_n3A = arith.select %and3A, %sub3A_32, %div3A : i32
    %mul3A_33 = arith.constant 16 : i32
    %mul3A_34 = arith.muli %select_n3A, %mul3A_33 : i32
    %multiple_of3A = tpu.assume_multiple %mul3A_34, 16 : i32
    %add3A_35 = arith.constant 16 : i32
    %add3A_36 = arith.addi %squeeze3A_9, %add3A_35 : i32
    %sub3A_37 = arith.constant 1 : i32
    %sub3A_38 = arith.subi %add3A_36, %sub3A_37 : i32
    %jit3A_39 = arith.constant 16 : i32
    %div3A_40 = arith.divsi %sub3A_38, %jit3A_39 : i32
    %sign3A_41 = arith.constant 0 : i32
    %sign3A_42 = arith.cmpi sgt, %sub3A_38, %sign3A_41 : i32
    %sign3A_43 = arith.extui %sign3A_42 : i1 to i32
    %sign3A_44 = arith.constant 0 : i32
    %sign3A_45 = arith.cmpi slt, %sub3A_38, %sign3A_44 : i32
    %sign3A_46 = arith.extui %sign3A_45 : i1 to i32
    %sign3A_47 = arith.subi %sign3A_43, %sign3A_46 : i32
    %sign3A_48 = arith.constant 0 : i32
    %sign3A_49 = arith.cmpi sgt, %jit3A_39, %sign3A_48 : i32
    %sign3A_50 = arith.extui %sign3A_49 : i1 to i32
    %sign3A_51 = arith.constant 0 : i32
    %sign3A_52 = arith.cmpi slt, %jit3A_39, %sign3A_51 : i32
    %sign3A_53 = arith.extui %sign3A_52 : i1 to i32
    %sign3A_54 = arith.subi %sign3A_50, %sign3A_53 : i32
    %ne3A_55 = arith.cmpi ne, %sign3A_47, %sign3A_54 : i32
    %rem3A_56 = arith.remsi %sub3A_38, %jit3A_39 : i32
    %ne3A_57 = arith.constant 0 : i32
    %ne3A_58 = arith.cmpi ne, %rem3A_56, %ne3A_57 : i32
    %and3A_59 = arith.andi %ne3A_55, %ne3A_58 : i1
    %sub3A_60 = arith.constant 1 : i32
    %sub3A_61 = arith.subi %div3A_40, %sub3A_60 : i32
    %select_n3A_62 = arith.select %and3A_59, %sub3A_61, %div3A_40 : i32
    %mul3A_63 = arith.constant 16 : i32
    %mul3A_64 = arith.muli %select_n3A_62, %mul3A_63 : i32
    %multiple_of3A_65 = tpu.assume_multiple %mul3A_64, 16 : i32
    %sub3A_66 = arith.subi %multiple_of3A_65, %multiple_of3A : i32
    %add3A_67 = arith.constant 320 : i32
    %add3A_68 = arith.addi %sub3A_66, %add3A_67 : i32
    %sub3A_69 = arith.constant 1 : i32
    %sub3A_70 = arith.subi %add3A_68, %sub3A_69 : i32
    %jit3A_71 = arith.constant 320 : i32
    %div3A_72 = arith.divsi %sub3A_70, %jit3A_71 : i32
    %sign3A_73 = arith.constant 0 : i32
    %sign3A_74 = arith.cmpi sgt, %sub3A_70, %sign3A_73 : i32
    %sign3A_75 = arith.extui %sign3A_74 : i1 to i32
    %sign3A_76 = arith.constant 0 : i32
    %sign3A_77 = arith.cmpi slt, %sub3A_70, %sign3A_76 : i32
    %sign3A_78 = arith.extui %sign3A_77 : i1 to i32
    %sign3A_79 = arith.subi %sign3A_75, %sign3A_78 : i32
    %sign3A_80 = arith.constant 0 : i32
    %sign3A_81 = arith.cmpi sgt, %jit3A_71, %sign3A_80 : i32
    %sign3A_82 = arith.extui %sign3A_81 : i1 to i32
    %sign3A_83 = arith.constant 0 : i32
    %sign3A_84 = arith.cmpi slt, %jit3A_71, %sign3A_83 : i32
    %sign3A_85 = arith.extui %sign3A_84 : i1 to i32
    %sign3A_86 = arith.subi %sign3A_82, %sign3A_85 : i32
    %ne3A_87 = arith.cmpi ne, %sign3A_79, %sign3A_86 : i32
    %rem3A_88 = arith.remsi %sub3A_70, %jit3A_71 : i32
    %ne3A_89 = arith.constant 0 : i32
    %ne3A_90 = arith.cmpi ne, %rem3A_88, %ne3A_89 : i32
    %and3A_91 = arith.andi %ne3A_87, %ne3A_90 : i1
    %sub3A_92 = arith.constant 1 : i32
    %sub3A_93 = arith.subi %div3A_72, %sub3A_92 : i32
    %select_n3A_94 = arith.select %and3A_91, %sub3A_93, %div3A_72 : i32
    %iota3A = tpu.iota {dimensions = array<i32: 0>} : vector<16xi32>
    %add3A_95 = arith.constant 15 : i32
    %add3A_96 = vector.broadcast %add3A_95 : i32 to vector<16xi32>
    %add3A_97 = arith.addi %iota3A, %add3A_96 : vector<16xi32>
    %and3A_98 = arith.constant 15 : i32
    %and3A_99 = vector.broadcast %and3A_98 : i32 to vector<16xi32>
    %and3A_100 = arith.andi %add3A_97, %and3A_99 : vector<16xi32>
    %broadcast_in_dim3A_101 = arith.constant 15 : i32
    %broadcast_in_dim3A_102 = vector.broadcast %broadcast_in_dim3A_101 : i32 to vector<16xi32>
    %broadcast_in_dim3A_103 = arith.constant 0xFF800000 : f32
    %broadcast_in_dim3A_104 = vector.broadcast %broadcast_in_dim3A_103 : f32 to vector<16xf32>
    %add3A_105 = arith.constant 2 : i32
    %add3A_106 = arith.addi %select_n3A_94, %add3A_105 : i32
    %sub3A_107 = arith.constant 1 : i32
    %sub3A_108 = arith.subi %add3A_106, %sub3A_107 : i32
    %jit3A_109 = arith.constant 2 : i32
    %div3A_110 = arith.divsi %sub3A_108, %jit3A_109 : i32
    %sign3A_111 = arith.constant 0 : i32
    %sign3A_112 = arith.cmpi sgt, %sub3A_108, %sign3A_111 : i32
    %sign3A_113 = arith.extui %sign3A_112 : i1 to i32
    %sign3A_114 = arith.constant 0 : i32
    %sign3A_115 = arith.cmpi slt, %sub3A_108, %sign3A_114 : i32
    %sign3A_116 = arith.extui %sign3A_115 : i1 to i32
    %sign3A_117 = arith.subi %sign3A_113, %sign3A_116 : i32
    %sign3A_118 = arith.constant 0 : i32
    %sign3A_119 = arith.cmpi sgt, %jit3A_109, %sign3A_118 : i32
    %sign3A_120 = arith.extui %sign3A_119 : i1 to i32
    %sign3A_121 = arith.constant 0 : i32
    %sign3A_122 = arith.cmpi slt, %jit3A_109, %sign3A_121 : i32
    %sign3A_123 = arith.extui %sign3A_122 : i1 to i32
    %sign3A_124 = arith.subi %sign3A_120, %sign3A_123 : i32
    %ne3A_125 = arith.cmpi ne, %sign3A_117, %sign3A_124 : i32
    %rem3A_126 = arith.remsi %sub3A_108, %jit3A_109 : i32
    %ne3A_127 = arith.constant 0 : i32
    %ne3A_128 = arith.cmpi ne, %rem3A_126, %ne3A_127 : i32
    %and3A_129 = arith.andi %ne3A_125, %ne3A_128 : i1
    %sub3A_130 = arith.constant 1 : i32
    %sub3A_131 = arith.subi %div3A_110, %sub3A_130 : i32
    %select_n3A_132 = arith.select %and3A_129, %sub3A_131, %div3A_110 : i32
    %add3A_133 = arith.constant 0 : i32
    %add3A_134 = arith.addi %multiple_of3A, %add3A_133 : i32
    %min3A = arith.constant 319680 : i32
    %min3A_135 = arith.minsi %add3A_134, %min3A : i32
    %multiple_of3A_136 = tpu.assume_multiple %min3A_135, 16 : i32
    %gt3A = arith.constant 0 : i32
    %gt3A_137 = arith.cmpi sgt, %select_n3A_94, %gt3A : i32
    %convert_element_type3A = arith.extui %gt3A_137 : i1 to i32
    %cond3A = arith.constant 0 : i32
    %cond3A_138 = arith.cmpi ne, %convert_element_type3A, %cond3A : i32
    scf.if %cond3A_138 {
      %mul3A_183 = arith.constant 128 : i32
      %mul3A_184 = arith.muli %multiple_of3A_136, %mul3A_183 : i32
      %dma_start3A = tpu.memref_slice %arg2[%mul3A_184] : memref<40960000xf32, #tpu.memory_space<hbm>> -> memref<40960xf32, #tpu.memory_space<hbm>>
      %dma_start3A_185 = tpu.memref_slice %arg2[%mul3A_184] : memref<40960000xf32, #tpu.memory_space<hbm>> -> memref<40960xf32, #tpu.memory_space<hbm>>
      tpu.enqueue_dma source(%dma_start3A_185 : memref<40960xf32, #tpu.memory_space<hbm>>) target(%arg7 : memref<40960xf32, #tpu.memory_space<vmem>>) target_semaphore(%arg14 : memref<!tpu.dma_semaphore, #tpu.memory_space<semaphore_mem>>)
      %dma_start3A_186 = tpu.memref_slice %arg3[%multiple_of3A_136] : memref<320000xi32, #tpu.memory_space<hbm>> -> memref<320xi32, #tpu.memory_space<hbm>>
      %dma_start3A_187 = tpu.memref_slice %arg3[%multiple_of3A_136] : memref<320000xi32, #tpu.memory_space<hbm>> -> memref<320xi32, #tpu.memory_space<hbm>>
      tpu.enqueue_dma source(%dma_start3A_187 : memref<320xi32, #tpu.memory_space<hbm>>) target(%arg9 : memref<320xi32, #tpu.memory_space<vmem>>) target_semaphore(%arg14 : memref<!tpu.dma_semaphore, #tpu.memory_space<semaphore_mem>>)
    } else {
    }
    %add3A_139 = arith.constant 320 : i32
    %add3A_140 = arith.addi %multiple_of3A, %add3A_139 : i32
    %min3A_141 = arith.constant 319680 : i32
    %min3A_142 = arith.minsi %add3A_140, %min3A_141 : i32
    %multiple_of3A_143 = tpu.assume_multiple %min3A_142, 16 : i32
    %gt3A_144 = arith.constant 1 : i32
    %gt3A_145 = arith.cmpi sgt, %select_n3A_94, %gt3A_144 : i32
    %convert_element_type3A_146 = arith.extui %gt3A_145 : i1 to i32
    %cond3A_147 = arith.constant 0 : i32
    %cond3A_148 = arith.cmpi ne, %convert_element_type3A_146, %cond3A_147 : i32
    scf.if %cond3A_148 {
      %mul3A_183 = arith.constant 128 : i32
      %mul3A_184 = arith.muli %multiple_of3A_143, %mul3A_183 : i32
      %dma_start3A = tpu.memref_slice %arg2[%mul3A_184] : memref<40960000xf32, #tpu.memory_space<hbm>> -> memref<40960xf32, #tpu.memory_space<hbm>>
      %dma_start3A_185 = tpu.memref_slice %arg2[%mul3A_184] : memref<40960000xf32, #tpu.memory_space<hbm>> -> memref<40960xf32, #tpu.memory_space<hbm>>
      tpu.enqueue_dma source(%dma_start3A_185 : memref<40960xf32, #tpu.memory_space<hbm>>) target(%arg8 : memref<40960xf32, #tpu.memory_space<vmem>>) target_semaphore(%arg15 : memref<!tpu.dma_semaphore, #tpu.memory_space<semaphore_mem>>)
      %dma_start3A_186 = tpu.memref_slice %arg3[%multiple_of3A_143] : memref<320000xi32, #tpu.memory_space<hbm>> -> memref<320xi32, #tpu.memory_space<hbm>>
      %dma_start3A_187 = tpu.memref_slice %arg3[%multiple_of3A_143] : memref<320000xi32, #tpu.memory_space<hbm>> -> memref<320xi32, #tpu.memory_space<hbm>>
      tpu.enqueue_dma source(%dma_start3A_187 : memref<320xi32, #tpu.memory_space<hbm>>) target(%arg10 : memref<320xi32, #tpu.memory_space<vmem>>) target_semaphore(%arg15 : memref<!tpu.dma_semaphore, #tpu.memory_space<semaphore_mem>>)
    } else {
    }
    %while3A = arith.constant 0 : i32
    %while3A_149 = arith.constant -1 : i32
    %while3A_150 = arith.subi %select_n3A_132, %while3A : i32
    %while3A_151 = arith.addi %while3A, %while3A_150 : i32
    %while3A_152 = arith.constant 1 : i32
    %while3A_153 = arith.divsi %while3A_150, %while3A_152 : i32
    %while3A_154 = arith.muli %while3A_153, %while3A_152 : i32
    %while3A_155 = arith.addi %while3A, %while3A_154 : i32
    %while3A_156 = arith.constant 1 : i32
    %while3A_157:9 = scf.for %while3A_183 = %while3A to %while3A_155 step %while3A_156 iter_args(%while3A_184 = %while3A_149, %while3A_185 = %broadcast_in_dim3A_10, %while3A_186 = %broadcast_in_dim3A_10, %while3A_187 = %broadcast_in_dim3A_10, %while3A_188 = %broadcast_in_dim3A_10, %while3A_189 = %broadcast_in_dim3A_10, %while3A_190 = %broadcast_in_dim3A_10, %while3A_191 = %broadcast_in_dim3A_10, %while3A_192 = %broadcast_in_dim3A_10) -> (i32, vector<16xf32>, vector<16xf32>, vector<16xf32>, vector<16xf32>, vector<16xf32>, vector<16xf32>, vector<16xf32>, vector<16xf32>)  : i32 {
      %mul3A_193 = arith.constant 2 : i32
      %mul3A_194 = arith.muli %mul3A_193, %while3A_183 : i32
      %add3A_195 = arith.constant 0 : i32
      %add3A_196 = arith.addi %mul3A_194, %add3A_195 : i32
      %lt3A_197 = arith.cmpi slt, %add3A_196, %select_n3A_94 : i32
      %convert_element_type3A_198 = arith.extui %lt3A_197 : i1 to i32
      %cond3A_199 = arith.constant 0 : i32
      %cond3A_200 = arith.cmpi ne, %convert_element_type3A_198, %cond3A_199 : i32
      scf.if %cond3A_200 {
        %dma_wait3A = arith.constant 0 : i32
        %dma_wait3A_380 = tpu.memref_slice %arg2[%dma_wait3A] : memref<40960000xf32, #tpu.memory_space<hbm>> -> memref<40960xf32, #tpu.memory_space<hbm>>
        %dma_wait3A_381 = arith.constant 0 : i32
        %dma_wait3A_382 = tpu.memref_slice %arg2[%dma_wait3A_381] : memref<40960000xf32, #tpu.memory_space<hbm>> -> memref<40960xf32, #tpu.memory_space<hbm>>
        tpu.wait_dma2 semaphore(%arg14 : memref<!tpu.dma_semaphore, #tpu.memory_space<semaphore_mem>>) src(%dma_wait3A_382 : memref<40960xf32, #tpu.memory_space<hbm>>) dst(%arg7 : memref<40960xf32, #tpu.memory_space<vmem>>)
        %dma_wait3A_383 = arith.constant 0 : i32
        %dma_wait3A_384 = tpu.memref_slice %arg3[%dma_wait3A_383] : memref<320000xi32, #tpu.memory_space<hbm>> -> memref<320xi32, #tpu.memory_space<hbm>>
        %dma_wait3A_385 = arith.constant 0 : i32
        %dma_wait3A_386 = tpu.memref_slice %arg3[%dma_wait3A_385] : memref<320000xi32, #tpu.memory_space<hbm>> -> memref<320xi32, #tpu.memory_space<hbm>>
        tpu.wait_dma2 semaphore(%arg14 : memref<!tpu.dma_semaphore, #tpu.memory_space<semaphore_mem>>) src(%dma_wait3A_386 : memref<320xi32, #tpu.memory_space<hbm>>) dst(%arg9 : memref<320xi32, #tpu.memory_space<vmem>>)
      } else {
      }
      %add3A_201 = arith.constant 0 : i32
      %add3A_202 = arith.addi %mul3A_194, %add3A_201 : i32
      %mul3A_203 = arith.constant 320 : i32
      %mul3A_204 = arith.muli %add3A_202, %mul3A_203 : i32
      %add3A_205 = arith.addi %multiple_of3A, %mul3A_204 : i32
      %min3A_206 = arith.constant 319680 : i32
      %min3A_207 = arith.minsi %add3A_205, %min3A_206 : i32
      %multiple_of3A_208 = tpu.assume_multiple %min3A_207, 16 : i32
      %sub3A_209 = arith.subi %add3A_205, %multiple_of3A_208 : i32
      %sub3A_210 = arith.subi %multiple_of3A_65, %add3A_205 : i32
      %min3A_211 = arith.constant 320 : i32
      %min3A_212 = arith.minsi %min3A_211, %sub3A_210 : i32
      %max3A = arith.constant 0 : i32
      %max3A_213 = arith.maxsi %min3A_212, %max3A : i32
      %jit3A_214 = arith.constant 16 : i32
      %div3A_215 = arith.divsi %max3A_213, %jit3A_214 : i32
      %sign3A_216 = arith.constant 0 : i32
      %sign3A_217 = arith.cmpi sgt, %max3A_213, %sign3A_216 : i32
      %sign3A_218 = arith.extui %sign3A_217 : i1 to i32
      %sign3A_219 = arith.constant 0 : i32
      %sign3A_220 = arith.cmpi slt, %max3A_213, %sign3A_219 : i32
      %sign3A_221 = arith.extui %sign3A_220 : i1 to i32
      %sign3A_222 = arith.subi %sign3A_218, %sign3A_221 : i32
      %sign3A_223 = arith.constant 0 : i32
      %sign3A_224 = arith.cmpi sgt, %jit3A_214, %sign3A_223 : i32
      %sign3A_225 = arith.extui %sign3A_224 : i1 to i32
      %sign3A_226 = arith.constant 0 : i32
      %sign3A_227 = arith.cmpi slt, %jit3A_214, %sign3A_226 : i32
      %sign3A_228 = arith.extui %sign3A_227 : i1 to i32
      %sign3A_229 = arith.subi %sign3A_225, %sign3A_228 : i32
      %ne3A_230 = arith.cmpi ne, %sign3A_222, %sign3A_229 : i32
      %rem3A_231 = arith.remsi %max3A_213, %jit3A_214 : i32
      %ne3A_232 = arith.constant 0 : i32
      %ne3A_233 = arith.cmpi ne, %rem3A_231, %ne3A_232 : i32
      %and3A_234 = arith.andi %ne3A_230, %ne3A_233 : i1
      %sub3A_235 = arith.constant 1 : i32
      %sub3A_236 = arith.subi %div3A_215, %sub3A_235 : i32
      %select_n3A_237 = arith.select %and3A_234, %sub3A_236, %div3A_215 : i32
      %broadcast_in_dim3A_238 = arith.constant 1 : i32
      %broadcast_in_dim3A_239 = vector.broadcast %broadcast_in_dim3A_238 : i32 to vector<16xi32>
      %broadcast_in_dim3A_240 = arith.constant 0 : i32
      %broadcast_in_dim3A_241 = vector.broadcast %broadcast_in_dim3A_240 : i32 to vector<16xi32>
      %broadcast_in_dim3A_242 = arith.constant 0 : i32
      %broadcast_in_dim3A_243 = vector.broadcast %broadcast_in_dim3A_242 : i32 to vector<16xi32>
      %broadcast_in_dim3A_244 = vector.broadcast %while3A_184 : i32 to vector<16xi32>
      %while3A_245 = arith.constant 0 : i32
      %while3A_246 = arith.subi %select_n3A_237, %while3A_245 : i32
      %while3A_247 = arith.addi %while3A_245, %while3A_246 : i32
      %while3A_248 = arith.constant 1 : i32
      %while3A_249 = arith.divsi %while3A_246, %while3A_248 : i32
      %while3A_250 = arith.muli %while3A_249, %while3A_248 : i32
      %while3A_251 = arith.addi %while3A_245, %while3A_250 : i32
      %while3A_252 = arith.constant 1 : i32
      %while3A_253:2 = scf.for %while3A_380 = %while3A_245 to %while3A_251 step %while3A_252 iter_args(%while3A_381 = %broadcast_in_dim3A_243, %while3A_382 = %broadcast_in_dim3A_244) -> (vector<16xi32>, vector<16xi32>)  : i32 {
        %mul3A_383 = arith.constant 16 : i32
        %mul3A_384 = arith.muli %while3A_380, %mul3A_383 : i32
        %add3A_385 = arith.addi %sub3A_209, %mul3A_384 : i32
        %get3A_386 = arith.index_cast %add3A_385 : i32 to index
        %get3A_387 = tpu.vector_load %arg9[%get3A_386] {strides = array<i32>} : memref<320xi32, #tpu.memory_space<vmem>>, vector<16xi32>,
        %eq3A = arith.constant 0 : i32
        %eq3A_388 = vector.broadcast %eq3A : i32 to vector<16xi32>
        %eq3A_389 = arith.cmpi eq, %iota3A, %eq3A_388 : vector<16xi32>
        %broadcast_in_dim3A_390 = vector.shape_cast %and3A_100 : vector<16xi32> to vector<16x1xi32>
        %gather3A = vector.shape_cast %broadcast_in_dim3A_390 : vector<16x1xi32> to vector<16xi32>
        %gather3A_391 = tpu.dynamic_gather %get3A_387[%gather3A] in [0] : vector<16xi32>, vector<16xi32> -> vector<16xi32>
        %select_n3A_392 = arith.select %eq3A_389, %while3A_382, %gather3A_391 : vector<16xi1>, vector<16xi32>
        %ne3A_393 = arith.cmpi ne, %get3A_387, %select_n3A_392 : vector<16xi32>
        %select_n3A_394 = arith.select %ne3A_393, %broadcast_in_dim3A_239, %broadcast_in_dim3A_241 : vector<16xi1>, vector<16xi32>
        %broadcast_in_dim3A_395 = arith.constant true
        %broadcast_in_dim3A_396 = vector.broadcast %broadcast_in_dim3A_395 : i1 to vector<16xi1>
        %masked_cumsum3A = tpu.scan <sum>, %select_n3A_394 masked %broadcast_in_dim3A_396 : vector<16xi32>, vector<16xi1> -> vector<16xi32>
        %add3A_397 = arith.addi %while3A_381, %masked_cumsum3A : vector<16xi32>
        %sub3A_398 = arith.constant 1 : i32
        %sub3A_399 = vector.broadcast %sub3A_398 : i32 to vector<16xi32>
        %sub3A_400 = arith.subi %add3A_397, %sub3A_399 : vector<16xi32>
        %mul3A_401 = arith.constant 16 : i32
        %mul3A_402 = arith.muli %while3A_380, %mul3A_401 : i32
        %add3A_403 = vector.broadcast %mul3A_402 : i32 to vector<16xi32>
        %add3A_404 = arith.addi %add3A_403, %iota3A : vector<16xi32>
        tpu.vector_store_idx %arg12[%sub3A_400], %add3A_404 masked %ne3A_393 : memref<336xi32, #tpu.memory_space<vmem>>[vector<16xi32>], vector<16xi32>, vector<16xi1>
        tpu.vector_store_idx %arg13[%sub3A_400], %get3A_387 masked %ne3A_393 : memref<336xi32, #tpu.memory_space<vmem>>[vector<16xi32>], vector<16xi32>, vector<16xi1>
        %broadcast_in_dim3A_405 = vector.shape_cast %broadcast_in_dim3A_102 : vector<16xi32> to vector<16x1xi32>
        %gather3A_406 = vector.shape_cast %broadcast_in_dim3A_405 : vector<16x1xi32> to vector<16xi32>
        %gather3A_407 = tpu.dynamic_gather %masked_cumsum3A[%gather3A_406] in [0] : vector<16xi32>, vector<16xi32> -> vector<16xi32>
        %add3A_408 = arith.addi %while3A_381, %gather3A_407 : vector<16xi32>
        %broadcast_in_dim3A_409 = vector.shape_cast %broadcast_in_dim3A_102 : vector<16xi32> to vector<16x1xi32>
        %gather3A_410 = vector.shape_cast %broadcast_in_dim3A_409 : vector<16x1xi32> to vector<16xi32>
        %gather3A_411 = tpu.dynamic_gather %get3A_387[%gather3A_410] in [0] : vector<16xi32>, vector<16xi32> -> vector<16xi32>
        scf.yield %add3A_408, %gather3A_411 : vector<16xi32>, vector<16xi32>
      }
      %while3A_254 = arith.constant 1 : i32
      %while3A_255:2 = scf.for %while3A_380 = %while3A_251 to %while3A_247 step %while3A_254 iter_args(%while3A_381 = %while3A_253#0, %while3A_382 = %while3A_253#1) -> (vector<16xi32>, vector<16xi32>)  : i32 {
        %mul3A_383 = arith.constant 16 : i32
        %mul3A_384 = arith.muli %while3A_380, %mul3A_383 : i32
        %add3A_385 = arith.addi %sub3A_209, %mul3A_384 : i32
        %get3A_386 = arith.index_cast %add3A_385 : i32 to index
        %get3A_387 = tpu.vector_load %arg9[%get3A_386] {strides = array<i32>} : memref<320xi32, #tpu.memory_space<vmem>>, vector<16xi32>,
        %eq3A = arith.constant 0 : i32
        %eq3A_388 = vector.broadcast %eq3A : i32 to vector<16xi32>
        %eq3A_389 = arith.cmpi eq, %iota3A, %eq3A_388 : vector<16xi32>
        %broadcast_in_dim3A_390 = vector.shape_cast %and3A_100 : vector<16xi32> to vector<16x1xi32>
        %gather3A = vector.shape_cast %broadcast_in_dim3A_390 : vector<16x1xi32> to vector<16xi32>
        %gather3A_391 = tpu.dynamic_gather %get3A_387[%gather3A] in [0] : vector<16xi32>, vector<16xi32> -> vector<16xi32>
        %select_n3A_392 = arith.select %eq3A_389, %while3A_382, %gather3A_391 : vector<16xi1>, vector<16xi32>
        %ne3A_393 = arith.cmpi ne, %get3A_387, %select_n3A_392 : vector<16xi32>
        %select_n3A_394 = arith.select %ne3A_393, %broadcast_in_dim3A_239, %broadcast_in_dim3A_241 : vector<16xi1>, vector<16xi32>
        %broadcast_in_dim3A_395 = arith.constant true
        %broadcast_in_dim3A_396 = vector.broadcast %broadcast_in_dim3A_395 : i1 to vector<16xi1>
        %masked_cumsum3A = tpu.scan <sum>, %select_n3A_394 masked %broadcast_in_dim3A_396 : vector<16xi32>, vector<16xi1> -> vector<16xi32>
        %add3A_397 = arith.addi %while3A_381, %masked_cumsum3A : vector<16xi32>
        %sub3A_398 = arith.constant 1 : i32
        %sub3A_399 = vector.broadcast %sub3A_398 : i32 to vector<16xi32>
        %sub3A_400 = arith.subi %add3A_397, %sub3A_399 : vector<16xi32>
        %mul3A_401 = arith.constant 16 : i32
        %mul3A_402 = arith.muli %while3A_380, %mul3A_401 : i32
        %add3A_403 = vector.broadcast %mul3A_402 : i32 to vector<16xi32>
        %add3A_404 = arith.addi %add3A_403, %iota3A : vector<16xi32>
        tpu.vector_store_idx %arg12[%sub3A_400], %add3A_404 masked %ne3A_393 : memref<336xi32, #tpu.memory_space<vmem>>[vector<16xi32>], vector<16xi32>, vector<16xi1>
        tpu.vector_store_idx %arg13[%sub3A_400], %get3A_387 masked %ne3A_393 : memref<336xi32, #tpu.memory_space<vmem>>[vector<16xi32>], vector<16xi32>, vector<16xi1>
        %broadcast_in_dim3A_405 = vector.shape_cast %broadcast_in_dim3A_102 : vector<16xi32> to vector<16x1xi32>
        %gather3A_406 = vector.shape_cast %broadcast_in_dim3A_405 : vector<16x1xi32> to vector<16xi32>
        %gather3A_407 = tpu.dynamic_gather %masked_cumsum3A[%gather3A_406] in [0] : vector<16xi32>, vector<16xi32> -> vector<16xi32>
        %add3A_408 = arith.addi %while3A_381, %gather3A_407 : vector<16xi32>
        %broadcast_in_dim3A_409 = vector.shape_cast %broadcast_in_dim3A_102 : vector<16xi32> to vector<16x1xi32>
        %gather3A_410 = vector.shape_cast %broadcast_in_dim3A_409 : vector<16x1xi32> to vector<16xi32>
        %gather3A_411 = tpu.dynamic_gather %get3A_387[%gather3A_410] in [0] : vector<16xi32>, vector<16xi32> -> vector<16xi32>
        scf.yield %add3A_408, %gather3A_411 : vector<16xi32>, vector<16xi32>
      }
      %slice3A_256 = vector.extract_strided_slice %while3A_255#0 {offsets = [0], sizes = [1], strides = [1]} : vector<16xi32> to vector<1xi32>
      %squeeze3A_257 = vector.extract %slice3A_256[0] : i32 from vector<1xi32>
      %add3A_258 = arith.constant 1 : i32
      %add3A_259 = arith.addi %squeeze3A_257, %add3A_258 : i32
      %while3A_260 = arith.constant 0 : i32
      %while3A_261 = arith.constant 0 : i32
      %while3A_262 = arith.constant 0 : i32
      %while3A_263 = arith.subi %add3A_259, %while3A_260 : i32
      %while3A_264 = arith.addi %while3A_260, %while3A_263 : i32
      %while3A_265 = arith.constant 1 : i32
      %while3A_266 = arith.divsi %while3A_263, %while3A_265 : i32
      %while3A_267 = arith.muli %while3A_266, %while3A_265 : i32
      %while3A_268 = arith.addi %while3A_260, %while3A_267 : i32
      %while3A_269 = arith.constant 1 : i32
      %while3A_270:11 = scf.for %while3A_380 = %while3A_260 to %while3A_268 step %while3A_269 iter_args(%while3A_381 = %while3A_184, %while3A_382 = %while3A_185, %while3A_383 = %while3A_186, %while3A_384 = %while3A_187, %while3A_385 = %while3A_188, %while3A_386 = %while3A_189, %while3A_387 = %while3A_190, %while3A_388 = %while3A_191, %while3A_389 = %while3A_192, %while3A_390 = %while3A_261, %while3A_391 = %while3A_262) -> (i32, vector<16xf32>, vector<16xf32>, vector<16xf32>, vector<16xf32>, vector<16xf32>, vector<16xf32>, vector<16xf32>, vector<16xf32>, i32, i32)  : i32 {
        %sub3A_392 = arith.constant 1 : i32
        %sub3A_393 = arith.subi %squeeze3A_257, %sub3A_392 : i32
        %max3A_394 = arith.constant 0 : i32
        %max3A_395 = arith.maxsi %sub3A_393, %max3A_394 : i32
        %min3A_396 = arith.minsi %while3A_380, %max3A_395 : i32
        %lt3A_397 = arith.cmpi slt, %while3A_380, %squeeze3A_257 : i32
        %get3A_398 = arith.index_cast %min3A_396 : i32 to index
        %get3A_399 = tpu.vector_load %arg12[%get3A_398] {strides = array<i32>} : memref<336xi32, #tpu.memory_space<vmem>>, vector<16xi32>,
        %slice3A_400 = vector.extract_strided_slice %get3A_399 {offsets = [0], sizes = [1], strides = [1]} : vector<16xi32> to vector<1xi32>
        %squeeze3A_401 = vector.extract %slice3A_400[0] : i32 from vector<1xi32>
        %select_n3A_402 = arith.select %lt3A_397, %squeeze3A_401, %max3A_213 : i32
        %get3A_403 = arith.index_cast %min3A_396 : i32 to index
        %get3A_404 = tpu.vector_load %arg13[%get3A_403] {strides = array<i32>} : memref<336xi32, #tpu.memory_space<vmem>>, vector<16xi32>,
        %slice3A_405 = vector.extract_strided_slice %get3A_404 {offsets = [0], sizes = [1], strides = [1]} : vector<16xi32> to vector<1xi32>
        %squeeze3A_406 = vector.extract %slice3A_405[0] : i32 from vector<1xi32>
        %eq3A = arith.constant 0 : i32
        %eq3A_407 = arith.cmpi eq, %while3A_380, %eq3A : i32
        %sub3A_408 = arith.subi %while3A_381, %mul3A_2 : i32
        %lt3A_409 = arith.constant 320 : i32
        %lt3A_410 = arith.cmpi ult, %sub3A_408, %lt3A_409 : i32
        %not3A = arith.constant true
        %not3A_411 = arith.xori %eq3A_407, %not3A : i1
        %and3A_412 = arith.andi %not3A_411, %lt3A_410 : i1
        %convert_element_type3A_413 = arith.extui %and3A_412 : i1 to i32
        %cond3A_414 = arith.constant 0 : i32
        %cond3A_415 = arith.cmpi ne, %convert_element_type3A_413, %cond3A_414 : i32
        scf.if %cond3A_415 {
          %sub3A_426 = arith.subi %while3A_381, %mul3A_2 : i32
          %mul3A_427 = arith.constant 128 : i32
          %mul3A_428 = arith.muli %sub3A_426, %mul3A_427 : i32
          %add3A_429 = arith.constant 0 : i32
          %add3A_430 = arith.addi %mul3A_428, %add3A_429 : i32
          %swap3A = arith.index_cast %add3A_430 : i32 to index
          %swap3A_431 = tpu.vector_load %arg11[%swap3A] {strides = array<i32>} : memref<40960xf32, #tpu.memory_space<vmem>>, vector<16xf32>,
          tpu.vector_store %arg11[%swap3A], %while3A_382 {strides = array<i32>} : memref<40960xf32, #tpu.memory_space<vmem>>, vector<16xf32>,
          %mul3A_432 = arith.constant 128 : i32
          %mul3A_433 = arith.muli %sub3A_426, %mul3A_432 : i32
          %add3A_434 = arith.constant 16 : i32
          %add3A_435 = arith.addi %mul3A_433, %add3A_434 : i32
          %swap3A_436 = arith.index_cast %add3A_435 : i32 to index
          %swap3A_437 = tpu.vector_load %arg11[%swap3A_436] {strides = array<i32>} : memref<40960xf32, #tpu.memory_space<vmem>>, vector<16xf32>,
          tpu.vector_store %arg11[%swap3A_436], %while3A_383 {strides = array<i32>} : memref<40960xf32, #tpu.memory_space<vmem>>, vector<16xf32>,
          %mul3A_438 = arith.constant 128 : i32
          %mul3A_439 = arith.muli %sub3A_426, %mul3A_438 : i32
          %add3A_440 = arith.constant 32 : i32
          %add3A_441 = arith.addi %mul3A_439, %add3A_440 : i32
          %swap3A_442 = arith.index_cast %add3A_441 : i32 to index
          %swap3A_443 = tpu.vector_load %arg11[%swap3A_442] {strides = array<i32>} : memref<40960xf32, #tpu.memory_space<vmem>>, vector<16xf32>,
          tpu.vector_store %arg11[%swap3A_442], %while3A_384 {strides = array<i32>} : memref<40960xf32, #tpu.memory_space<vmem>>, vector<16xf32>,
          %mul3A_444 = arith.constant 128 : i32
          %mul3A_445 = arith.muli %sub3A_426, %mul3A_444 : i32
          %add3A_446 = arith.constant 48 : i32
          %add3A_447 = arith.addi %mul3A_445, %add3A_446 : i32
          %swap3A_448 = arith.index_cast %add3A_447 : i32 to index
          %swap3A_449 = tpu.vector_load %arg11[%swap3A_448] {strides = array<i32>} : memref<40960xf32, #tpu.memory_space<vmem>>, vector<16xf32>,
          tpu.vector_store %arg11[%swap3A_448], %while3A_385 {strides = array<i32>} : memref<40960xf32, #tpu.memory_space<vmem>>, vector<16xf32>,
          %mul3A_450 = arith.constant 128 : i32
          %mul3A_451 = arith.muli %sub3A_426, %mul3A_450 : i32
          %add3A_452 = arith.constant 64 : i32
          %add3A_453 = arith.addi %mul3A_451, %add3A_452 : i32
          %swap3A_454 = arith.index_cast %add3A_453 : i32 to index
          %swap3A_455 = tpu.vector_load %arg11[%swap3A_454] {strides = array<i32>} : memref<40960xf32, #tpu.memory_space<vmem>>, vector<16xf32>,
          tpu.vector_store %arg11[%swap3A_454], %while3A_386 {strides = array<i32>} : memref<40960xf32, #tpu.memory_space<vmem>>, vector<16xf32>,
          %mul3A_456 = arith.constant 128 : i32
          %mul3A_457 = arith.muli %sub3A_426, %mul3A_456 : i32
          %add3A_458 = arith.constant 80 : i32
          %add3A_459 = arith.addi %mul3A_457, %add3A_458 : i32
          %swap3A_460 = arith.index_cast %add3A_459 : i32 to index
          %swap3A_461 = tpu.vector_load %arg11[%swap3A_460] {strides = array<i32>} : memref<40960xf32, #tpu.memory_space<vmem>>, vector<16xf32>,
          tpu.vector_store %arg11[%swap3A_460], %while3A_387 {strides = array<i32>} : memref<40960xf32, #tpu.memory_space<vmem>>, vector<16xf32>,
          %mul3A_462 = arith.constant 128 : i32
          %mul3A_463 = arith.muli %sub3A_426, %mul3A_462 : i32
          %add3A_464 = arith.constant 96 : i32
          %add3A_465 = arith.addi %mul3A_463, %add3A_464 : i32
          %swap3A_466 = arith.index_cast %add3A_465 : i32 to index
          %swap3A_467 = tpu.vector_load %arg11[%swap3A_466] {strides = array<i32>} : memref<40960xf32, #tpu.memory_space<vmem>>, vector<16xf32>,
          tpu.vector_store %arg11[%swap3A_466], %while3A_388 {strides = array<i32>} : memref<40960xf32, #tpu.memory_space<vmem>>, vector<16xf32>,
          %mul3A_468 = arith.constant 128 : i32
          %mul3A_469 = arith.muli %sub3A_426, %mul3A_468 : i32
          %add3A_470 = arith.constant 112 : i32
          %add3A_471 = arith.addi %mul3A_469, %add3A_470 : i32
          %swap3A_472 = arith.index_cast %add3A_471 : i32 to index
          %swap3A_473 = tpu.vector_load %arg11[%swap3A_472] {strides = array<i32>} : memref<40960xf32, #tpu.memory_space<vmem>>, vector<16xf32>,
          tpu.vector_store %arg11[%swap3A_472], %while3A_389 {strides = array<i32>} : memref<40960xf32, #tpu.memory_space<vmem>>, vector<16xf32>,
        } else {
        }
        %select_n3A_416 = arith.select %eq3A_407, %while3A_381, %while3A_391 : i32
        %select_n3A_417 = arith.select %eq3A_407, %while3A_382, %broadcast_in_dim3A_104 : vector<16xf32>
        %select_n3A_418 = arith.select %eq3A_407, %while3A_383, %broadcast_in_dim3A_104 : vector<16xf32>
        %select_n3A_419 = arith.select %eq3A_407, %while3A_384, %broadcast_in_dim3A_104 : vector<16xf32>
        %select_n3A_420 = arith.select %eq3A_407, %while3A_385, %broadcast_in_dim3A_104 : vector<16xf32>
        %select_n3A_421 = arith.select %eq3A_407, %while3A_386, %broadcast_in_dim3A_104 : vector<16xf32>
        %select_n3A_422 = arith.select %eq3A_407, %while3A_387, %broadcast_in_dim3A_104 : vector<16xf32>
        %select_n3A_423 = arith.select %eq3A_407, %while3A_388, %broadcast_in_dim3A_104 : vector<16xf32>
        %select_n3A_424 = arith.select %eq3A_407, %while3A_389, %broadcast_in_dim3A_104 : vector<16xf32>
        %parallel_loop3A = arith.constant 1 : i32
        %parallel_loop3A_425:8 = scf.for %parallel_loop3A_426 = %while3A_390 to %select_n3A_402 step %parallel_loop3A iter_args(%parallel_loop3A_427 = %select_n3A_417, %parallel_loop3A_428 = %select_n3A_418, %parallel_loop3A_429 = %select_n3A_419, %parallel_loop3A_430 = %select_n3A_420, %parallel_loop3A_431 = %select_n3A_421, %parallel_loop3A_432 = %select_n3A_422, %parallel_loop3A_433 = %select_n3A_423, %parallel_loop3A_434 = %select_n3A_424) -> (vector<16xf32>, vector<16xf32>, vector<16xf32>, vector<16xf32>, vector<16xf32>, vector<16xf32>, vector<16xf32>, vector<16xf32>)  : i32 {
          %parallel_loop3A_435 = arith.addi %sub3A_209, %parallel_loop3A_426 : i32
          %parallel_loop3A_436 = arith.constant 128 : i32
          %parallel_loop3A_437 = arith.muli %parallel_loop3A_435, %parallel_loop3A_436 : i32
          %parallel_loop3A_438 = arith.constant 0 : i32
          %parallel_loop3A_439 = arith.addi %parallel_loop3A_437, %parallel_loop3A_438 : i32
          %parallel_loop3A_440 = arith.index_cast %parallel_loop3A_439 : i32 to index
          %parallel_loop3A_441 = tpu.vector_load %arg7[%parallel_loop3A_440] {strides = array<i32>} : memref<40960xf32, #tpu.memory_space<vmem>>, vector<16xf32>,
          %parallel_loop3A_442 = arith.maximumf %parallel_loop3A_427, %parallel_loop3A_441 : vector<16xf32>
          %parallel_loop3A_443 = arith.constant 16 : i32
          %parallel_loop3A_444 = arith.addi %parallel_loop3A_437, %parallel_loop3A_443 : i32
          %parallel_loop3A_445 = arith.index_cast %parallel_loop3A_444 : i32 to index
          %parallel_loop3A_446 = tpu.vector_load %arg7[%parallel_loop3A_445] {strides = array<i32>} : memref<40960xf32, #tpu.memory_space<vmem>>, vector<16xf32>,
          %parallel_loop3A_447 = arith.maximumf %parallel_loop3A_428, %parallel_loop3A_446 : vector<16xf32>
          %parallel_loop3A_448 = arith.constant 32 : i32
          %parallel_loop3A_449 = arith.addi %parallel_loop3A_437, %parallel_loop3A_448 : i32
          %parallel_loop3A_450 = arith.index_cast %parallel_loop3A_449 : i32 to index
          %parallel_loop3A_451 = tpu.vector_load %arg7[%parallel_loop3A_450] {strides = array<i32>} : memref<40960xf32, #tpu.memory_space<vmem>>, vector<16xf32>,
          %parallel_loop3A_452 = arith.maximumf %parallel_loop3A_429, %parallel_loop3A_451 : vector<16xf32>
          %parallel_loop3A_453 = arith.constant 48 : i32
          %parallel_loop3A_454 = arith.addi %parallel_loop3A_437, %parallel_loop3A_453 : i32
          %parallel_loop3A_455 = arith.index_cast %parallel_loop3A_454 : i32 to index
          %parallel_loop3A_456 = tpu.vector_load %arg7[%parallel_loop3A_455] {strides = array<i32>} : memref<40960xf32, #tpu.memory_space<vmem>>, vector<16xf32>,
          %parallel_loop3A_457 = arith.maximumf %parallel_loop3A_430, %parallel_loop3A_456 : vector<16xf32>
          %parallel_loop3A_458 = arith.constant 64 : i32
          %parallel_loop3A_459 = arith.addi %parallel_loop3A_437, %parallel_loop3A_458 : i32
          %parallel_loop3A_460 = arith.index_cast %parallel_loop3A_459 : i32 to index
          %parallel_loop3A_461 = tpu.vector_load %arg7[%parallel_loop3A_460] {strides = array<i32>} : memref<40960xf32, #tpu.memory_space<vmem>>, vector<16xf32>,
          %parallel_loop3A_462 = arith.maximumf %parallel_loop3A_431, %parallel_loop3A_461 : vector<16xf32>
          %parallel_loop3A_463 = arith.constant 80 : i32
          %parallel_loop3A_464 = arith.addi %parallel_loop3A_437, %parallel_loop3A_463 : i32
          %parallel_loop3A_465 = arith.index_cast %parallel_loop3A_464 : i32 to index
          %parallel_loop3A_466 = tpu.vector_load %arg7[%parallel_loop3A_465] {strides = array<i32>} : memref<40960xf32, #tpu.memory_space<vmem>>, vector<16xf32>,
          %parallel_loop3A_467 = arith.maximumf %parallel_loop3A_432, %parallel_loop3A_466 : vector<16xf32>
          %parallel_loop3A_468 = arith.constant 96 : i32
          %parallel_loop3A_469 = arith.addi %parallel_loop3A_437, %parallel_loop3A_468 : i32
          %parallel_loop3A_470 = arith.index_cast %parallel_loop3A_469 : i32 to index
          %parallel_loop3A_471 = tpu.vector_load %arg7[%parallel_loop3A_470] {strides = array<i32>} : memref<40960xf32, #tpu.memory_space<vmem>>, vector<16xf32>,
          %parallel_loop3A_472 = arith.maximumf %parallel_loop3A_433, %parallel_loop3A_471 : vector<16xf32>
          %parallel_loop3A_473 = arith.constant 112 : i32
          %parallel_loop3A_474 = arith.addi %parallel_loop3A_437, %parallel_loop3A_473 : i32
          %parallel_loop3A_475 = arith.index_cast %parallel_loop3A_474 : i32 to index
          %parallel_loop3A_476 = tpu.vector_load %arg7[%parallel_loop3A_475] {strides = array<i32>} : memref<40960xf32, #tpu.memory_space<vmem>>, vector<16xf32>,
          %parallel_loop3A_477 = arith.maximumf %parallel_loop3A_434, %parallel_loop3A_476 : vector<16xf32>
          scf.yield %parallel_loop3A_442, %parallel_loop3A_447, %parallel_loop3A_452, %parallel_loop3A_457, %parallel_loop3A_462, %parallel_loop3A_467, %parallel_loop3A_472, %parallel_loop3A_477 : vector<16xf32>, vector<16xf32>, vector<16xf32>, vector<16xf32>, vector<16xf32>, vector<16xf32>, vector<16xf32>, vector<16xf32>
        } {sc.loop_unroll_factor = 8 : i64, sc.parallel_access}
        scf.yield %select_n3A_416, %parallel_loop3A_425#0, %parallel_loop3A_425#1, %parallel_loop3A_425#2, %parallel_loop3A_425#3, %parallel_loop3A_425#4, %parallel_loop3A_425#5, %parallel_loop3A_425#6, %parallel_loop3A_425#7, %select_n3A_402, %squeeze3A_406 : i32, vector<16xf32>, vector<16xf32>, vector<16xf32>, vector<16xf32>, vector<16xf32>, vector<16xf32>, vector<16xf32>, vector<16xf32>, i32, i32
      }
      %while3A_271 = arith.constant 1 : i32
      %while3A_272:11 = scf.for %while3A_380 = %while3A_268 to %while3A_264 step %while3A_271 iter_args(%while3A_381 = %while3A_270#0, %while3A_382 = %while3A_270#1, %while3A_383 = %while3A_270#2, %while3A_384 = %while3A_270#3, %while3A_385 = %while3A_270#4, %while3A_386 = %while3A_270#5, %while3A_387 = %while3A_270#6, %while3A_388 = %while3A_270#7, %while3A_389 = %while3A_270#8, %while3A_390 = %while3A_270#9, %while3A_391 = %while3A_270#10) -> (i32, vector<16xf32>, vector<16xf32>, vector<16xf32>, vector<16xf32>, vector<16xf32>, vector<16xf32>, vector<16xf32>, vector<16xf32>, i32, i32)  : i32 {
        %sub3A_392 = arith.constant 1 : i32
        %sub3A_393 = arith.subi %squeeze3A_257, %sub3A_392 : i32
        %max3A_394 = arith.constant 0 : i32
        %max3A_395 = arith.maxsi %sub3A_393, %max3A_394 : i32
        %min3A_396 = arith.minsi %while3A_380, %max3A_395 : i32
        %lt3A_397 = arith.cmpi slt, %while3A_380, %squeeze3A_257 : i32
        %get3A_398 = arith.index_cast %min3A_396 : i32 to index
        %get3A_399 = tpu.vector_load %arg12[%get3A_398] {strides = array<i32>} : memref<336xi32, #tpu.memory_space<vmem>>, vector<16xi32>,
        %slice3A_400 = vector.extract_strided_slice %get3A_399 {offsets = [0], sizes = [1], strides = [1]} : vector<16xi32> to vector<1xi32>
        %squeeze3A_401 = vector.extract %slice3A_400[0] : i32 from vector<1xi32>
        %select_n3A_402 = arith.select %lt3A_397, %squeeze3A_401, %max3A_213 : i32
        %get3A_403 = arith.index_cast %min3A_396 : i32 to index
        %get3A_404 = tpu.vector_load %arg13[%get3A_403] {strides = array<i32>} : memref<336xi32, #tpu.memory_space<vmem>>, vector<16xi32>,
        %slice3A_405 = vector.extract_strided_slice %get3A_404 {offsets = [0], sizes = [1], strides = [1]} : vector<16xi32> to vector<1xi32>
        %squeeze3A_406 = vector.extract %slice3A_405[0] : i32 from vector<1xi32>
        %eq3A = arith.constant 0 : i32
        %eq3A_407 = arith.cmpi eq, %while3A_380, %eq3A : i32
        %sub3A_408 = arith.subi %while3A_381, %mul3A_2 : i32
        %lt3A_409 = arith.constant 320 : i32
        %lt3A_410 = arith.cmpi ult, %sub3A_408, %lt3A_409 : i32
        %not3A = arith.constant true
        %not3A_411 = arith.xori %eq3A_407, %not3A : i1
        %and3A_412 = arith.andi %not3A_411, %lt3A_410 : i1
        %convert_element_type3A_413 = arith.extui %and3A_412 : i1 to i32
        %cond3A_414 = arith.constant 0 : i32
        %cond3A_415 = arith.cmpi ne, %convert_element_type3A_413, %cond3A_414 : i32
        scf.if %cond3A_415 {
          %sub3A_426 = arith.subi %while3A_381, %mul3A_2 : i32
          %mul3A_427 = arith.constant 128 : i32
          %mul3A_428 = arith.muli %sub3A_426, %mul3A_427 : i32
          %add3A_429 = arith.constant 0 : i32
          %add3A_430 = arith.addi %mul3A_428, %add3A_429 : i32
          %swap3A = arith.index_cast %add3A_430 : i32 to index
          %swap3A_431 = tpu.vector_load %arg11[%swap3A] {strides = array<i32>} : memref<40960xf32, #tpu.memory_space<vmem>>, vector<16xf32>,
          tpu.vector_store %arg11[%swap3A], %while3A_382 {strides = array<i32>} : memref<40960xf32, #tpu.memory_space<vmem>>, vector<16xf32>,
          %mul3A_432 = arith.constant 128 : i32
          %mul3A_433 = arith.muli %sub3A_426, %mul3A_432 : i32
          %add3A_434 = arith.constant 16 : i32
          %add3A_435 = arith.addi %mul3A_433, %add3A_434 : i32
          %swap3A_436 = arith.index_cast %add3A_435 : i32 to index
          %swap3A_437 = tpu.vector_load %arg11[%swap3A_436] {strides = array<i32>} : memref<40960xf32, #tpu.memory_space<vmem>>, vector<16xf32>,
          tpu.vector_store %arg11[%swap3A_436], %while3A_383 {strides = array<i32>} : memref<40960xf32, #tpu.memory_space<vmem>>, vector<16xf32>,
          %mul3A_438 = arith.constant 128 : i32
          %mul3A_439 = arith.muli %sub3A_426, %mul3A_438 : i32
          %add3A_440 = arith.constant 32 : i32
          %add3A_441 = arith.addi %mul3A_439, %add3A_440 : i32
          %swap3A_442 = arith.index_cast %add3A_441 : i32 to index
          %swap3A_443 = tpu.vector_load %arg11[%swap3A_442] {strides = array<i32>} : memref<40960xf32, #tpu.memory_space<vmem>>, vector<16xf32>,
          tpu.vector_store %arg11[%swap3A_442], %while3A_384 {strides = array<i32>} : memref<40960xf32, #tpu.memory_space<vmem>>, vector<16xf32>,
          %mul3A_444 = arith.constant 128 : i32
          %mul3A_445 = arith.muli %sub3A_426, %mul3A_444 : i32
          %add3A_446 = arith.constant 48 : i32
          %add3A_447 = arith.addi %mul3A_445, %add3A_446 : i32
          %swap3A_448 = arith.index_cast %add3A_447 : i32 to index
          %swap3A_449 = tpu.vector_load %arg11[%swap3A_448] {strides = array<i32>} : memref<40960xf32, #tpu.memory_space<vmem>>, vector<16xf32>,
          tpu.vector_store %arg11[%swap3A_448], %while3A_385 {strides = array<i32>} : memref<40960xf32, #tpu.memory_space<vmem>>, vector<16xf32>,
          %mul3A_450 = arith.constant 128 : i32
          %mul3A_451 = arith.muli %sub3A_426, %mul3A_450 : i32
          %add3A_452 = arith.constant 64 : i32
          %add3A_453 = arith.addi %mul3A_451, %add3A_452 : i32
          %swap3A_454 = arith.index_cast %add3A_453 : i32 to index
          %swap3A_455 = tpu.vector_load %arg11[%swap3A_454] {strides = array<i32>} : memref<40960xf32, #tpu.memory_space<vmem>>, vector<16xf32>,
          tpu.vector_store %arg11[%swap3A_454], %while3A_386 {strides = array<i32>} : memref<40960xf32, #tpu.memory_space<vmem>>, vector<16xf32>,
          %mul3A_456 = arith.constant 128 : i32
          %mul3A_457 = arith.muli %sub3A_426, %mul3A_456 : i32
          %add3A_458 = arith.constant 80 : i32
          %add3A_459 = arith.addi %mul3A_457, %add3A_458 : i32
          %swap3A_460 = arith.index_cast %add3A_459 : i32 to index
          %swap3A_461 = tpu.vector_load %arg11[%swap3A_460] {strides = array<i32>} : memref<40960xf32, #tpu.memory_space<vmem>>, vector<16xf32>,
          tpu.vector_store %arg11[%swap3A_460], %while3A_387 {strides = array<i32>} : memref<40960xf32, #tpu.memory_space<vmem>>, vector<16xf32>,
          %mul3A_462 = arith.constant 128 : i32
          %mul3A_463 = arith.muli %sub3A_426, %mul3A_462 : i32
          %add3A_464 = arith.constant 96 : i32
          %add3A_465 = arith.addi %mul3A_463, %add3A_464 : i32
          %swap3A_466 = arith.index_cast %add3A_465 : i32 to index
          %swap3A_467 = tpu.vector_load %arg11[%swap3A_466] {strides = array<i32>} : memref<40960xf32, #tpu.memory_space<vmem>>, vector<16xf32>,
          tpu.vector_store %arg11[%swap3A_466], %while3A_388 {strides = array<i32>} : memref<40960xf32, #tpu.memory_space<vmem>>, vector<16xf32>,
          %mul3A_468 = arith.constant 128 : i32
          %mul3A_469 = arith.muli %sub3A_426, %mul3A_468 : i32
          %add3A_470 = arith.constant 112 : i32
          %add3A_471 = arith.addi %mul3A_469, %add3A_470 : i32
          %swap3A_472 = arith.index_cast %add3A_471 : i32 to index
          %swap3A_473 = tpu.vector_load %arg11[%swap3A_472] {strides = array<i32>} : memref<40960xf32, #tpu.memory_space<vmem>>, vector<16xf32>,
          tpu.vector_store %arg11[%swap3A_472], %while3A_389 {strides = array<i32>} : memref<40960xf32, #tpu.memory_space<vmem>>, vector<16xf32>,
        } else {
        }
        %select_n3A_416 = arith.select %eq3A_407, %while3A_381, %while3A_391 : i32
        %select_n3A_417 = arith.select %eq3A_407, %while3A_382, %broadcast_in_dim3A_104 : vector<16xf32>
        %select_n3A_418 = arith.select %eq3A_407, %while3A_383, %broadcast_in_dim3A_104 : vector<16xf32>
        %select_n3A_419 = arith.select %eq3A_407, %while3A_384, %broadcast_in_dim3A_104 : vector<16xf32>
        %select_n3A_420 = arith.select %eq3A_407, %while3A_385, %broadcast_in_dim3A_104 : vector<16xf32>
        %select_n3A_421 = arith.select %eq3A_407, %while3A_386, %broadcast_in_dim3A_104 : vector<16xf32>
        %select_n3A_422 = arith.select %eq3A_407, %while3A_387, %broadcast_in_dim3A_104 : vector<16xf32>
        %select_n3A_423 = arith.select %eq3A_407, %while3A_388, %broadcast_in_dim3A_104 : vector<16xf32>
        %select_n3A_424 = arith.select %eq3A_407, %while3A_389, %broadcast_in_dim3A_104 : vector<16xf32>
        %parallel_loop3A = arith.constant 1 : i32
        %parallel_loop3A_425:8 = scf.for %parallel_loop3A_426 = %while3A_390 to %select_n3A_402 step %parallel_loop3A iter_args(%parallel_loop3A_427 = %select_n3A_417, %parallel_loop3A_428 = %select_n3A_418, %parallel_loop3A_429 = %select_n3A_419, %parallel_loop3A_430 = %select_n3A_420, %parallel_loop3A_431 = %select_n3A_421, %parallel_loop3A_432 = %select_n3A_422, %parallel_loop3A_433 = %select_n3A_423, %parallel_loop3A_434 = %select_n3A_424) -> (vector<16xf32>, vector<16xf32>, vector<16xf32>, vector<16xf32>, vector<16xf32>, vector<16xf32>, vector<16xf32>, vector<16xf32>)  : i32 {
          %parallel_loop3A_435 = arith.addi %sub3A_209, %parallel_loop3A_426 : i32
          %parallel_loop3A_436 = arith.constant 128 : i32
          %parallel_loop3A_437 = arith.muli %parallel_loop3A_435, %parallel_loop3A_436 : i32
          %parallel_loop3A_438 = arith.constant 0 : i32
          %parallel_loop3A_439 = arith.addi %parallel_loop3A_437, %parallel_loop3A_438 : i32
          %parallel_loop3A_440 = arith.index_cast %parallel_loop3A_439 : i32 to index
          %parallel_loop3A_441 = tpu.vector_load %arg7[%parallel_loop3A_440] {strides = array<i32>} : memref<40960xf32, #tpu.memory_space<vmem>>, vector<16xf32>,
          %parallel_loop3A_442 = arith.maximumf %parallel_loop3A_427, %parallel_loop3A_441 : vector<16xf32>
          %parallel_loop3A_443 = arith.constant 16 : i32
          %parallel_loop3A_444 = arith.addi %parallel_loop3A_437, %parallel_loop3A_443 : i32
          %parallel_loop3A_445 = arith.index_cast %parallel_loop3A_444 : i32 to index
          %parallel_loop3A_446 = tpu.vector_load %arg7[%parallel_loop3A_445] {strides = array<i32>} : memref<40960xf32, #tpu.memory_space<vmem>>, vector<16xf32>,
          %parallel_loop3A_447 = arith.maximumf %parallel_loop3A_428, %parallel_loop3A_446 : vector<16xf32>
          %parallel_loop3A_448 = arith.constant 32 : i32
          %parallel_loop3A_449 = arith.addi %parallel_loop3A_437, %parallel_loop3A_448 : i32
          %parallel_loop3A_450 = arith.index_cast %parallel_loop3A_449 : i32 to index
          %parallel_loop3A_451 = tpu.vector_load %arg7[%parallel_loop3A_450] {strides = array<i32>} : memref<40960xf32, #tpu.memory_space<vmem>>, vector<16xf32>,
          %parallel_loop3A_452 = arith.maximumf %parallel_loop3A_429, %parallel_loop3A_451 : vector<16xf32>
          %parallel_loop3A_453 = arith.constant 48 : i32
          %parallel_loop3A_454 = arith.addi %parallel_loop3A_437, %parallel_loop3A_453 : i32
          %parallel_loop3A_455 = arith.index_cast %parallel_loop3A_454 : i32 to index
          %parallel_loop3A_456 = tpu.vector_load %arg7[%parallel_loop3A_455] {strides = array<i32>} : memref<40960xf32, #tpu.memory_space<vmem>>, vector<16xf32>,
          %parallel_loop3A_457 = arith.maximumf %parallel_loop3A_430, %parallel_loop3A_456 : vector<16xf32>
          %parallel_loop3A_458 = arith.constant 64 : i32
          %parallel_loop3A_459 = arith.addi %parallel_loop3A_437, %parallel_loop3A_458 : i32
          %parallel_loop3A_460 = arith.index_cast %parallel_loop3A_459 : i32 to index
          %parallel_loop3A_461 = tpu.vector_load %arg7[%parallel_loop3A_460] {strides = array<i32>} : memref<40960xf32, #tpu.memory_space<vmem>>, vector<16xf32>,
          %parallel_loop3A_462 = arith.maximumf %parallel_loop3A_431, %parallel_loop3A_461 : vector<16xf32>
          %parallel_loop3A_463 = arith.constant 80 : i32
          %parallel_loop3A_464 = arith.addi %parallel_loop3A_437, %parallel_loop3A_463 : i32
          %parallel_loop3A_465 = arith.index_cast %parallel_loop3A_464 : i32 to index
          %parallel_loop3A_466 = tpu.vector_load %arg7[%parallel_loop3A_465] {strides = array<i32>} : memref<40960xf32, #tpu.memory_space<vmem>>, vector<16xf32>,
          %parallel_loop3A_467 = arith.maximumf %parallel_loop3A_432, %parallel_loop3A_466 : vector<16xf32>
          %parallel_loop3A_468 = arith.constant 96 : i32
          %parallel_loop3A_469 = arith.addi %parallel_loop3A_437, %parallel_loop3A_468 : i32
          %parallel_loop3A_470 = arith.index_cast %parallel_loop3A_469 : i32 to index
          %parallel_loop3A_471 = tpu.vector_load %arg7[%parallel_loop3A_470] {strides = array<i32>} : memref<40960xf32, #tpu.memory_space<vmem>>, vector<16xf32>,
          %parallel_loop3A_472 = arith.maximumf %parallel_loop3A_433, %parallel_loop3A_471 : vector<16xf32>
          %parallel_loop3A_473 = arith.constant 112 : i32
          %parallel_loop3A_474 = arith.addi %parallel_loop3A_437, %parallel_loop3A_473 : i32
          %parallel_loop3A_475 = arith.index_cast %parallel_loop3A_474 : i32 to index
          %parallel_loop3A_476 = tpu.vector_load %arg7[%parallel_loop3A_475] {strides = array<i32>} : memref<40960xf32, #tpu.memory_space<vmem>>, vector<16xf32>,
          %parallel_loop3A_477 = arith.maximumf %parallel_loop3A_434, %parallel_loop3A_476 : vector<16xf32>
          scf.yield %parallel_loop3A_442, %parallel_loop3A_447, %parallel_loop3A_452, %parallel_loop3A_457, %parallel_loop3A_462, %parallel_loop3A_467, %parallel_loop3A_472, %parallel_loop3A_477 : vector<16xf32>, vector<16xf32>, vector<16xf32>, vector<16xf32>, vector<16xf32>, vector<16xf32>, vector<16xf32>, vector<16xf32>
        } {sc.loop_unroll_factor = 8 : i64, sc.parallel_access}
        scf.yield %select_n3A_416, %parallel_loop3A_425#0, %parallel_loop3A_425#1, %parallel_loop3A_425#2, %parallel_loop3A_425#3, %parallel_loop3A_425#4, %parallel_loop3A_425#5, %parallel_loop3A_425#6, %parallel_loop3A_425#7, %select_n3A_402, %squeeze3A_406 : i32, vector<16xf32>, vector<16xf32>, vector<16xf32>, vector<16xf32>, vector<16xf32>, vector<16xf32>, vector<16xf32>, vector<16xf32>, i32, i32
      }
      %add3A_273 = arith.constant 0 : i32
      %add3A_274 = arith.addi %mul3A_194, %add3A_273 : i32
      %add3A_275 = arith.constant 2 : i32
      %add3A_276 = arith.addi %add3A_274, %add3A_275 : i32
      %mul3A_277 = arith.constant 320 : i32
      %mul3A_278 = arith.muli %add3A_276, %mul3A_277 : i32
      %add3A_279 = arith.addi %multiple_of3A, %mul3A_278 : i32
      %min3A_280 = arith.constant 319680 : i32
      %min3A_281 = arith.minsi %add3A_279, %min3A_280 : i32
      %multiple_of3A_282 = tpu.assume_multiple %min3A_281, 16 : i32
      %lt3A_283 = arith.cmpi slt, %add3A_276, %select_n3A_94 : i32
      %convert_element_type3A_284 = arith.extui %lt3A_283 : i1 to i32
      %cond3A_285 = arith.constant 0 : i32
      %cond3A_286 = arith.cmpi ne, %convert_element_type3A_284, %cond3A_285 : i32
      scf.if %cond3A_286 {
        %mul3A_380 = arith.constant 128 : i32
        %mul3A_381 = arith.muli %multiple_of3A_282, %mul3A_380 : i32
        %dma_start3A = tpu.memref_slice %arg2[%mul3A_381] : memref<40960000xf32, #tpu.memory_space<hbm>> -> memref<40960xf32, #tpu.memory_space<hbm>>
        %dma_start3A_382 = tpu.memref_slice %arg2[%mul3A_381] : memref<40960000xf32, #tpu.memory_space<hbm>> -> memref<40960xf32, #tpu.memory_space<hbm>>
        tpu.enqueue_dma source(%dma_start3A_382 : memref<40960xf32, #tpu.memory_space<hbm>>) target(%arg7 : memref<40960xf32, #tpu.memory_space<vmem>>) target_semaphore(%arg14 : memref<!tpu.dma_semaphore, #tpu.memory_space<semaphore_mem>>)
        %dma_start3A_383 = tpu.memref_slice %arg3[%multiple_of3A_282] : memref<320000xi32, #tpu.memory_space<hbm>> -> memref<320xi32, #tpu.memory_space<hbm>>
        %dma_start3A_384 = tpu.memref_slice %arg3[%multiple_of3A_282] : memref<320000xi32, #tpu.memory_space<hbm>> -> memref<320xi32, #tpu.memory_space<hbm>>
        tpu.enqueue_dma source(%dma_start3A_384 : memref<320xi32, #tpu.memory_space<hbm>>) target(%arg9 : memref<320xi32, #tpu.memory_space<vmem>>) target_semaphore(%arg14 : memref<!tpu.dma_semaphore, #tpu.memory_space<semaphore_mem>>)
      } else {
      }
      %add3A_287 = arith.constant 1 : i32
      %add3A_288 = arith.addi %mul3A_194, %add3A_287 : i32
      %lt3A_289 = arith.cmpi slt, %add3A_288, %select_n3A_94 : i32
      %convert_element_type3A_290 = arith.extui %lt3A_289 : i1 to i32
      %cond3A_291 = arith.constant 0 : i32
      %cond3A_292 = arith.cmpi ne, %convert_element_type3A_290, %cond3A_291 : i32
      scf.if %cond3A_292 {
        %dma_wait3A = arith.constant 0 : i32
        %dma_wait3A_380 = tpu.memref_slice %arg2[%dma_wait3A] : memref<40960000xf32, #tpu.memory_space<hbm>> -> memref<40960xf32, #tpu.memory_space<hbm>>
        %dma_wait3A_381 = arith.constant 0 : i32
        %dma_wait3A_382 = tpu.memref_slice %arg2[%dma_wait3A_381] : memref<40960000xf32, #tpu.memory_space<hbm>> -> memref<40960xf32, #tpu.memory_space<hbm>>
        tpu.wait_dma2 semaphore(%arg15 : memref<!tpu.dma_semaphore, #tpu.memory_space<semaphore_mem>>) src(%dma_wait3A_382 : memref<40960xf32, #tpu.memory_space<hbm>>) dst(%arg8 : memref<40960xf32, #tpu.memory_space<vmem>>)
        %dma_wait3A_383 = arith.constant 0 : i32
        %dma_wait3A_384 = tpu.memref_slice %arg3[%dma_wait3A_383] : memref<320000xi32, #tpu.memory_space<hbm>> -> memref<320xi32, #tpu.memory_space<hbm>>
        %dma_wait3A_385 = arith.constant 0 : i32
        %dma_wait3A_386 = tpu.memref_slice %arg3[%dma_wait3A_385] : memref<320000xi32, #tpu.memory_space<hbm>> -> memref<320xi32, #tpu.memory_space<hbm>>
        tpu.wait_dma2 semaphore(%arg15 : memref<!tpu.dma_semaphore, #tpu.memory_space<semaphore_mem>>) src(%dma_wait3A_386 : memref<320xi32, #tpu.memory_space<hbm>>) dst(%arg10 : memref<320xi32, #tpu.memory_space<vmem>>)
      } else {
      }
      %add3A_293 = arith.constant 1 : i32
      %add3A_294 = arith.addi %mul3A_194, %add3A_293 : i32
      %mul3A_295 = arith.constant 320 : i32
      %mul3A_296 = arith.muli %add3A_294, %mul3A_295 : i32
      %add3A_297 = arith.addi %multiple_of3A, %mul3A_296 : i32
      %min3A_298 = arith.constant 319680 : i32
      %min3A_299 = arith.minsi %add3A_297, %min3A_298 : i32
      %multiple_of3A_300 = tpu.assume_multiple %min3A_299, 16 : i32
      %sub3A_301 = arith.subi %add3A_297, %multiple_of3A_300 : i32
      %sub3A_302 = arith.subi %multiple_of3A_65, %add3A_297 : i32
      %min3A_303 = arith.constant 320 : i32
      %min3A_304 = arith.minsi %min3A_303, %sub3A_302 : i32
      %max3A_305 = arith.constant 0 : i32
      %max3A_306 = arith.maxsi %min3A_304, %max3A_305 : i32
      %jit3A_307 = arith.constant 16 : i32
      %div3A_308 = arith.divsi %max3A_306, %jit3A_307 : i32
      %sign3A_309 = arith.constant 0 : i32
      %sign3A_310 = arith.cmpi sgt, %max3A_306, %sign3A_309 : i32
      %sign3A_311 = arith.extui %sign3A_310 : i1 to i32
      %sign3A_312 = arith.constant 0 : i32
      %sign3A_313 = arith.cmpi slt, %max3A_306, %sign3A_312 : i32
      %sign3A_314 = arith.extui %sign3A_313 : i1 to i32
      %sign3A_315 = arith.subi %sign3A_311, %sign3A_314 : i32
      %sign3A_316 = arith.constant 0 : i32
      %sign3A_317 = arith.cmpi sgt, %jit3A_307, %sign3A_316 : i32
      %sign3A_318 = arith.extui %sign3A_317 : i1 to i32
      %sign3A_319 = arith.constant 0 : i32
      %sign3A_320 = arith.cmpi slt, %jit3A_307, %sign3A_319 : i32
      %sign3A_321 = arith.extui %sign3A_320 : i1 to i32
      %sign3A_322 = arith.subi %sign3A_318, %sign3A_321 : i32
      %ne3A_323 = arith.cmpi ne, %sign3A_315, %sign3A_322 : i32
      %rem3A_324 = arith.remsi %max3A_306, %jit3A_307 : i32
      %ne3A_325 = arith.constant 0 : i32
      %ne3A_326 = arith.cmpi ne, %rem3A_324, %ne3A_325 : i32
      %and3A_327 = arith.andi %ne3A_323, %ne3A_326 : i1
      %sub3A_328 = arith.constant 1 : i32
      %sub3A_329 = arith.subi %div3A_308, %sub3A_328 : i32
      %select_n3A_330 = arith.select %and3A_327, %sub3A_329, %div3A_308 : i32
      %broadcast_in_dim3A_331 = arith.constant 1 : i32
      %broadcast_in_dim3A_332 = vector.broadcast %broadcast_in_dim3A_331 : i32 to vector<16xi32>
      %broadcast_in_dim3A_333 = arith.constant 0 : i32
      %broadcast_in_dim3A_334 = vector.broadcast %broadcast_in_dim3A_333 : i32 to vector<16xi32>
      %broadcast_in_dim3A_335 = arith.constant 0 : i32
      %broadcast_in_dim3A_336 = vector.broadcast %broadcast_in_dim3A_335 : i32 to vector<16xi32>
      %broadcast_in_dim3A_337 = vector.broadcast %while3A_272#0 : i32 to vector<16xi32>
      %while3A_338 = arith.constant 0 : i32
      %while3A_339 = arith.subi %select_n3A_330, %while3A_338 : i32
      %while3A_340 = arith.addi %while3A_338, %while3A_339 : i32
      %while3A_341 = arith.constant 1 : i32
      %while3A_342 = arith.divsi %while3A_339, %while3A_341 : i32
      %while3A_343 = arith.muli %while3A_342, %while3A_341 : i32
      %while3A_344 = arith.addi %while3A_338, %while3A_343 : i32
      %while3A_345 = arith.constant 1 : i32
      %while3A_346:2 = scf.for %while3A_380 = %while3A_338 to %while3A_344 step %while3A_345 iter_args(%while3A_381 = %broadcast_in_dim3A_336, %while3A_382 = %broadcast_in_dim3A_337) -> (vector<16xi32>, vector<16xi32>)  : i32 {
        %mul3A_383 = arith.constant 16 : i32
        %mul3A_384 = arith.muli %while3A_380, %mul3A_383 : i32
        %add3A_385 = arith.addi %sub3A_301, %mul3A_384 : i32
        %get3A_386 = arith.index_cast %add3A_385 : i32 to index
        %get3A_387 = tpu.vector_load %arg10[%get3A_386] {strides = array<i32>} : memref<320xi32, #tpu.memory_space<vmem>>, vector<16xi32>,
        %eq3A = arith.constant 0 : i32
        %eq3A_388 = vector.broadcast %eq3A : i32 to vector<16xi32>
        %eq3A_389 = arith.cmpi eq, %iota3A, %eq3A_388 : vector<16xi32>
        %broadcast_in_dim3A_390 = vector.shape_cast %and3A_100 : vector<16xi32> to vector<16x1xi32>
        %gather3A = vector.shape_cast %broadcast_in_dim3A_390 : vector<16x1xi32> to vector<16xi32>
        %gather3A_391 = tpu.dynamic_gather %get3A_387[%gather3A] in [0] : vector<16xi32>, vector<16xi32> -> vector<16xi32>
        %select_n3A_392 = arith.select %eq3A_389, %while3A_382, %gather3A_391 : vector<16xi1>, vector<16xi32>
        %ne3A_393 = arith.cmpi ne, %get3A_387, %select_n3A_392 : vector<16xi32>
        %select_n3A_394 = arith.select %ne3A_393, %broadcast_in_dim3A_332, %broadcast_in_dim3A_334 : vector<16xi1>, vector<16xi32>
        %broadcast_in_dim3A_395 = arith.constant true
        %broadcast_in_dim3A_396 = vector.broadcast %broadcast_in_dim3A_395 : i1 to vector<16xi1>
        %masked_cumsum3A = tpu.scan <sum>, %select_n3A_394 masked %broadcast_in_dim3A_396 : vector<16xi32>, vector<16xi1> -> vector<16xi32>
        %add3A_397 = arith.addi %while3A_381, %masked_cumsum3A : vector<16xi32>
        %sub3A_398 = arith.constant 1 : i32
        %sub3A_399 = vector.broadcast %sub3A_398 : i32 to vector<16xi32>
        %sub3A_400 = arith.subi %add3A_397, %sub3A_399 : vector<16xi32>
        %mul3A_401 = arith.constant 16 : i32
        %mul3A_402 = arith.muli %while3A_380, %mul3A_401 : i32
        %add3A_403 = vector.broadcast %mul3A_402 : i32 to vector<16xi32>
        %add3A_404 = arith.addi %add3A_403, %iota3A : vector<16xi32>
        tpu.vector_store_idx %arg12[%sub3A_400], %add3A_404 masked %ne3A_393 : memref<336xi32, #tpu.memory_space<vmem>>[vector<16xi32>], vector<16xi32>, vector<16xi1>
        tpu.vector_store_idx %arg13[%sub3A_400], %get3A_387 masked %ne3A_393 : memref<336xi32, #tpu.memory_space<vmem>>[vector<16xi32>], vector<16xi32>, vector<16xi1>
        %broadcast_in_dim3A_405 = vector.shape_cast %broadcast_in_dim3A_102 : vector<16xi32> to vector<16x1xi32>
        %gather3A_406 = vector.shape_cast %broadcast_in_dim3A_405 : vector<16x1xi32> to vector<16xi32>
        %gather3A_407 = tpu.dynamic_gather %masked_cumsum3A[%gather3A_406] in [0] : vector<16xi32>, vector<16xi32> -> vector<16xi32>
        %add3A_408 = arith.addi %while3A_381, %gather3A_407 : vector<16xi32>
        %broadcast_in_dim3A_409 = vector.shape_cast %broadcast_in_dim3A_102 : vector<16xi32> to vector<16x1xi32>
        %gather3A_410 = vector.shape_cast %broadcast_in_dim3A_409 : vector<16x1xi32> to vector<16xi32>
        %gather3A_411 = tpu.dynamic_gather %get3A_387[%gather3A_410] in [0] : vector<16xi32>, vector<16xi32> -> vector<16xi32>
        scf.yield %add3A_408, %gather3A_411 : vector<16xi32>, vector<16xi32>
      }
      %while3A_347 = arith.constant 1 : i32
      %while3A_348:2 = scf.for %while3A_380 = %while3A_344 to %while3A_340 step %while3A_347 iter_args(%while3A_381 = %while3A_346#0, %while3A_382 = %while3A_346#1) -> (vector<16xi32>, vector<16xi32>)  : i32 {
        %mul3A_383 = arith.constant 16 : i32
        %mul3A_384 = arith.muli %while3A_380, %mul3A_383 : i32
        %add3A_385 = arith.addi %sub3A_301, %mul3A_384 : i32
        %get3A_386 = arith.index_cast %add3A_385 : i32 to index
        %get3A_387 = tpu.vector_load %arg10[%get3A_386] {strides = array<i32>} : memref<320xi32, #tpu.memory_space<vmem>>, vector<16xi32>,
        %eq3A = arith.constant 0 : i32
        %eq3A_388 = vector.broadcast %eq3A : i32 to vector<16xi32>
        %eq3A_389 = arith.cmpi eq, %iota3A, %eq3A_388 : vector<16xi32>
        %broadcast_in_dim3A_390 = vector.shape_cast %and3A_100 : vector<16xi32> to vector<16x1xi32>
        %gather3A = vector.shape_cast %broadcast_in_dim3A_390 : vector<16x1xi32> to vector<16xi32>
        %gather3A_391 = tpu.dynamic_gather %get3A_387[%gather3A] in [0] : vector<16xi32>, vector<16xi32> -> vector<16xi32>
        %select_n3A_392 = arith.select %eq3A_389, %while3A_382, %gather3A_391 : vector<16xi1>, vector<16xi32>
        %ne3A_393 = arith.cmpi ne, %get3A_387, %select_n3A_392 : vector<16xi32>
        %select_n3A_394 = arith.select %ne3A_393, %broadcast_in_dim3A_332, %broadcast_in_dim3A_334 : vector<16xi1>, vector<16xi32>
        %broadcast_in_dim3A_395 = arith.constant true
        %broadcast_in_dim3A_396 = vector.broadcast %broadcast_in_dim3A_395 : i1 to vector<16xi1>
        %masked_cumsum3A = tpu.scan <sum>, %select_n3A_394 masked %broadcast_in_dim3A_396 : vector<16xi32>, vector<16xi1> -> vector<16xi32>
        %add3A_397 = arith.addi %while3A_381, %masked_cumsum3A : vector<16xi32>
        %sub3A_398 = arith.constant 1 : i32
        %sub3A_399 = vector.broadcast %sub3A_398 : i32 to vector<16xi32>
        %sub3A_400 = arith.subi %add3A_397, %sub3A_399 : vector<16xi32>
        %mul3A_401 = arith.constant 16 : i32
        %mul3A_402 = arith.muli %while3A_380, %mul3A_401 : i32
        %add3A_403 = vector.broadcast %mul3A_402 : i32 to vector<16xi32>
        %add3A_404 = arith.addi %add3A_403, %iota3A : vector<16xi32>
        tpu.vector_store_idx %arg12[%sub3A_400], %add3A_404 masked %ne3A_393 : memref<336xi32, #tpu.memory_space<vmem>>[vector<16xi32>], vector<16xi32>, vector<16xi1>
        tpu.vector_store_idx %arg13[%sub3A_400], %get3A_387 masked %ne3A_393 : memref<336xi32, #tpu.memory_space<vmem>>[vector<16xi32>], vector<16xi32>, vector<16xi1>
        %broadcast_in_dim3A_405 = vector.shape_cast %broadcast_in_dim3A_102 : vector<16xi32> to vector<16x1xi32>
        %gather3A_406 = vector.shape_cast %broadcast_in_dim3A_405 : vector<16x1xi32> to vector<16xi32>
        %gather3A_407 = tpu.dynamic_gather %masked_cumsum3A[%gather3A_406] in [0] : vector<16xi32>, vector<16xi32> -> vector<16xi32>
        %add3A_408 = arith.addi %while3A_381, %gather3A_407 : vector<16xi32>
        %broadcast_in_dim3A_409 = vector.shape_cast %broadcast_in_dim3A_102 : vector<16xi32> to vector<16x1xi32>
        %gather3A_410 = vector.shape_cast %broadcast_in_dim3A_409 : vector<16x1xi32> to vector<16xi32>
        %gather3A_411 = tpu.dynamic_gather %get3A_387[%gather3A_410] in [0] : vector<16xi32>, vector<16xi32> -> vector<16xi32>
        scf.yield %add3A_408, %gather3A_411 : vector<16xi32>, vector<16xi32>
      }
      %slice3A_349 = vector.extract_strided_slice %while3A_348#0 {offsets = [0], sizes = [1], strides = [1]} : vector<16xi32> to vector<1xi32>
      %squeeze3A_350 = vector.extract %slice3A_349[0] : i32 from vector<1xi32>
      %add3A_351 = arith.constant 1 : i32
      %add3A_352 = arith.addi %squeeze3A_350, %add3A_351 : i32
      %while3A_353 = arith.constant 0 : i32
      %while3A_354 = arith.constant 0 : i32
      %while3A_355 = arith.constant 0 : i32
      %while3A_356 = arith.subi %add3A_352, %while3A_353 : i32
      %while3A_357 = arith.addi %while3A_353, %while3A_356 : i32
      %while3A_358 = arith.constant 1 : i32
      %while3A_359 = arith.divsi %while3A_356, %while3A_358 : i32
      %while3A_360 = arith.muli %while3A_359, %while3A_358 : i32
      %while3A_361 = arith.addi %while3A_353, %while3A_360 : i32
      %while3A_362 = arith.constant 1 : i32
      %while3A_363:11 = scf.for %while3A_380 = %while3A_353 to %while3A_361 step %while3A_362 iter_args(%while3A_381 = %while3A_272#0, %while3A_382 = %while3A_272#1, %while3A_383 = %while3A_272#2, %while3A_384 = %while3A_272#3, %while3A_385 = %while3A_272#4, %while3A_386 = %while3A_272#5, %while3A_387 = %while3A_272#6, %while3A_388 = %while3A_272#7, %while3A_389 = %while3A_272#8, %while3A_390 = %while3A_354, %while3A_391 = %while3A_355) -> (i32, vector<16xf32>, vector<16xf32>, vector<16xf32>, vector<16xf32>, vector<16xf32>, vector<16xf32>, vector<16xf32>, vector<16xf32>, i32, i32)  : i32 {
        %sub3A_392 = arith.constant 1 : i32
        %sub3A_393 = arith.subi %squeeze3A_350, %sub3A_392 : i32
        %max3A_394 = arith.constant 0 : i32
        %max3A_395 = arith.maxsi %sub3A_393, %max3A_394 : i32
        %min3A_396 = arith.minsi %while3A_380, %max3A_395 : i32
        %lt3A_397 = arith.cmpi slt, %while3A_380, %squeeze3A_350 : i32
        %get3A_398 = arith.index_cast %min3A_396 : i32 to index
        %get3A_399 = tpu.vector_load %arg12[%get3A_398] {strides = array<i32>} : memref<336xi32, #tpu.memory_space<vmem>>, vector<16xi32>,
        %slice3A_400 = vector.extract_strided_slice %get3A_399 {offsets = [0], sizes = [1], strides = [1]} : vector<16xi32> to vector<1xi32>
        %squeeze3A_401 = vector.extract %slice3A_400[0] : i32 from vector<1xi32>
        %select_n3A_402 = arith.select %lt3A_397, %squeeze3A_401, %max3A_306 : i32
        %get3A_403 = arith.index_cast %min3A_396 : i32 to index
        %get3A_404 = tpu.vector_load %arg13[%get3A_403] {strides = array<i32>} : memref<336xi32, #tpu.memory_space<vmem>>, vector<16xi32>,
        %slice3A_405 = vector.extract_strided_slice %get3A_404 {offsets = [0], sizes = [1], strides = [1]} : vector<16xi32> to vector<1xi32>
        %squeeze3A_406 = vector.extract %slice3A_405[0] : i32 from vector<1xi32>
        %eq3A = arith.constant 0 : i32
        %eq3A_407 = arith.cmpi eq, %while3A_380, %eq3A : i32
        %sub3A_408 = arith.subi %while3A_381, %mul3A_2 : i32
        %lt3A_409 = arith.constant 320 : i32
        %lt3A_410 = arith.cmpi ult, %sub3A_408, %lt3A_409 : i32
        %not3A = arith.constant true
        %not3A_411 = arith.xori %eq3A_407, %not3A : i1
        %and3A_412 = arith.andi %not3A_411, %lt3A_410 : i1
        %convert_element_type3A_413 = arith.extui %and3A_412 : i1 to i32
        %cond3A_414 = arith.constant 0 : i32
        %cond3A_415 = arith.cmpi ne, %convert_element_type3A_413, %cond3A_414 : i32
        scf.if %cond3A_415 {
          %sub3A_426 = arith.subi %while3A_381, %mul3A_2 : i32
          %mul3A_427 = arith.constant 128 : i32
          %mul3A_428 = arith.muli %sub3A_426, %mul3A_427 : i32
          %add3A_429 = arith.constant 0 : i32
          %add3A_430 = arith.addi %mul3A_428, %add3A_429 : i32
          %swap3A = arith.index_cast %add3A_430 : i32 to index
          %swap3A_431 = tpu.vector_load %arg11[%swap3A] {strides = array<i32>} : memref<40960xf32, #tpu.memory_space<vmem>>, vector<16xf32>,
          tpu.vector_store %arg11[%swap3A], %while3A_382 {strides = array<i32>} : memref<40960xf32, #tpu.memory_space<vmem>>, vector<16xf32>,
          %mul3A_432 = arith.constant 128 : i32
          %mul3A_433 = arith.muli %sub3A_426, %mul3A_432 : i32
          %add3A_434 = arith.constant 16 : i32
          %add3A_435 = arith.addi %mul3A_433, %add3A_434 : i32
          %swap3A_436 = arith.index_cast %add3A_435 : i32 to index
          %swap3A_437 = tpu.vector_load %arg11[%swap3A_436] {strides = array<i32>} : memref<40960xf32, #tpu.memory_space<vmem>>, vector<16xf32>,
          tpu.vector_store %arg11[%swap3A_436], %while3A_383 {strides = array<i32>} : memref<40960xf32, #tpu.memory_space<vmem>>, vector<16xf32>,
          %mul3A_438 = arith.constant 128 : i32
          %mul3A_439 = arith.muli %sub3A_426, %mul3A_438 : i32
          %add3A_440 = arith.constant 32 : i32
          %add3A_441 = arith.addi %mul3A_439, %add3A_440 : i32
          %swap3A_442 = arith.index_cast %add3A_441 : i32 to index
          %swap3A_443 = tpu.vector_load %arg11[%swap3A_442] {strides = array<i32>} : memref<40960xf32, #tpu.memory_space<vmem>>, vector<16xf32>,
          tpu.vector_store %arg11[%swap3A_442], %while3A_384 {strides = array<i32>} : memref<40960xf32, #tpu.memory_space<vmem>>, vector<16xf32>,
          %mul3A_444 = arith.constant 128 : i32
          %mul3A_445 = arith.muli %sub3A_426, %mul3A_444 : i32
          %add3A_446 = arith.constant 48 : i32
          %add3A_447 = arith.addi %mul3A_445, %add3A_446 : i32
          %swap3A_448 = arith.index_cast %add3A_447 : i32 to index
          %swap3A_449 = tpu.vector_load %arg11[%swap3A_448] {strides = array<i32>} : memref<40960xf32, #tpu.memory_space<vmem>>, vector<16xf32>,
          tpu.vector_store %arg11[%swap3A_448], %while3A_385 {strides = array<i32>} : memref<40960xf32, #tpu.memory_space<vmem>>, vector<16xf32>,
          %mul3A_450 = arith.constant 128 : i32
          %mul3A_451 = arith.muli %sub3A_426, %mul3A_450 : i32
          %add3A_452 = arith.constant 64 : i32
          %add3A_453 = arith.addi %mul3A_451, %add3A_452 : i32
          %swap3A_454 = arith.index_cast %add3A_453 : i32 to index
          %swap3A_455 = tpu.vector_load %arg11[%swap3A_454] {strides = array<i32>} : memref<40960xf32, #tpu.memory_space<vmem>>, vector<16xf32>,
          tpu.vector_store %arg11[%swap3A_454], %while3A_386 {strides = array<i32>} : memref<40960xf32, #tpu.memory_space<vmem>>, vector<16xf32>,
          %mul3A_456 = arith.constant 128 : i32
          %mul3A_457 = arith.muli %sub3A_426, %mul3A_456 : i32
          %add3A_458 = arith.constant 80 : i32
          %add3A_459 = arith.addi %mul3A_457, %add3A_458 : i32
          %swap3A_460 = arith.index_cast %add3A_459 : i32 to index
          %swap3A_461 = tpu.vector_load %arg11[%swap3A_460] {strides = array<i32>} : memref<40960xf32, #tpu.memory_space<vmem>>, vector<16xf32>,
          tpu.vector_store %arg11[%swap3A_460], %while3A_387 {strides = array<i32>} : memref<40960xf32, #tpu.memory_space<vmem>>, vector<16xf32>,
          %mul3A_462 = arith.constant 128 : i32
          %mul3A_463 = arith.muli %sub3A_426, %mul3A_462 : i32
          %add3A_464 = arith.constant 96 : i32
          %add3A_465 = arith.addi %mul3A_463, %add3A_464 : i32
          %swap3A_466 = arith.index_cast %add3A_465 : i32 to index
          %swap3A_467 = tpu.vector_load %arg11[%swap3A_466] {strides = array<i32>} : memref<40960xf32, #tpu.memory_space<vmem>>, vector<16xf32>,
          tpu.vector_store %arg11[%swap3A_466], %while3A_388 {strides = array<i32>} : memref<40960xf32, #tpu.memory_space<vmem>>, vector<16xf32>,
          %mul3A_468 = arith.constant 128 : i32
          %mul3A_469 = arith.muli %sub3A_426, %mul3A_468 : i32
          %add3A_470 = arith.constant 112 : i32
          %add3A_471 = arith.addi %mul3A_469, %add3A_470 : i32
          %swap3A_472 = arith.index_cast %add3A_471 : i32 to index
          %swap3A_473 = tpu.vector_load %arg11[%swap3A_472] {strides = array<i32>} : memref<40960xf32, #tpu.memory_space<vmem>>, vector<16xf32>,
          tpu.vector_store %arg11[%swap3A_472], %while3A_389 {strides = array<i32>} : memref<40960xf32, #tpu.memory_space<vmem>>, vector<16xf32>,
        } else {
        }
        %select_n3A_416 = arith.select %eq3A_407, %while3A_381, %while3A_391 : i32
        %select_n3A_417 = arith.select %eq3A_407, %while3A_382, %broadcast_in_dim3A_104 : vector<16xf32>
        %select_n3A_418 = arith.select %eq3A_407, %while3A_383, %broadcast_in_dim3A_104 : vector<16xf32>
        %select_n3A_419 = arith.select %eq3A_407, %while3A_384, %broadcast_in_dim3A_104 : vector<16xf32>
        %select_n3A_420 = arith.select %eq3A_407, %while3A_385, %broadcast_in_dim3A_104 : vector<16xf32>
        %select_n3A_421 = arith.select %eq3A_407, %while3A_386, %broadcast_in_dim3A_104 : vector<16xf32>
        %select_n3A_422 = arith.select %eq3A_407, %while3A_387, %broadcast_in_dim3A_104 : vector<16xf32>
        %select_n3A_423 = arith.select %eq3A_407, %while3A_388, %broadcast_in_dim3A_104 : vector<16xf32>
        %select_n3A_424 = arith.select %eq3A_407, %while3A_389, %broadcast_in_dim3A_104 : vector<16xf32>
        %parallel_loop3A = arith.constant 1 : i32
        %parallel_loop3A_425:8 = scf.for %parallel_loop3A_426 = %while3A_390 to %select_n3A_402 step %parallel_loop3A iter_args(%parallel_loop3A_427 = %select_n3A_417, %parallel_loop3A_428 = %select_n3A_418, %parallel_loop3A_429 = %select_n3A_419, %parallel_loop3A_430 = %select_n3A_420, %parallel_loop3A_431 = %select_n3A_421, %parallel_loop3A_432 = %select_n3A_422, %parallel_loop3A_433 = %select_n3A_423, %parallel_loop3A_434 = %select_n3A_424) -> (vector<16xf32>, vector<16xf32>, vector<16xf32>, vector<16xf32>, vector<16xf32>, vector<16xf32>, vector<16xf32>, vector<16xf32>)  : i32 {
          %parallel_loop3A_435 = arith.addi %sub3A_301, %parallel_loop3A_426 : i32
          %parallel_loop3A_436 = arith.constant 128 : i32
          %parallel_loop3A_437 = arith.muli %parallel_loop3A_435, %parallel_loop3A_436 : i32
          %parallel_loop3A_438 = arith.constant 0 : i32
          %parallel_loop3A_439 = arith.addi %parallel_loop3A_437, %parallel_loop3A_438 : i32
          %parallel_loop3A_440 = arith.index_cast %parallel_loop3A_439 : i32 to index
          %parallel_loop3A_441 = tpu.vector_load %arg8[%parallel_loop3A_440] {strides = array<i32>} : memref<40960xf32, #tpu.memory_space<vmem>>, vector<16xf32>,
          %parallel_loop3A_442 = arith.maximumf %parallel_loop3A_427, %parallel_loop3A_441 : vector<16xf32>
          %parallel_loop3A_443 = arith.constant 16 : i32
          %parallel_loop3A_444 = arith.addi %parallel_loop3A_437, %parallel_loop3A_443 : i32
          %parallel_loop3A_445 = arith.index_cast %parallel_loop3A_444 : i32 to index
          %parallel_loop3A_446 = tpu.vector_load %arg8[%parallel_loop3A_445] {strides = array<i32>} : memref<40960xf32, #tpu.memory_space<vmem>>, vector<16xf32>,
          %parallel_loop3A_447 = arith.maximumf %parallel_loop3A_428, %parallel_loop3A_446 : vector<16xf32>
          %parallel_loop3A_448 = arith.constant 32 : i32
          %parallel_loop3A_449 = arith.addi %parallel_loop3A_437, %parallel_loop3A_448 : i32
          %parallel_loop3A_450 = arith.index_cast %parallel_loop3A_449 : i32 to index
          %parallel_loop3A_451 = tpu.vector_load %arg8[%parallel_loop3A_450] {strides = array<i32>} : memref<40960xf32, #tpu.memory_space<vmem>>, vector<16xf32>,
          %parallel_loop3A_452 = arith.maximumf %parallel_loop3A_429, %parallel_loop3A_451 : vector<16xf32>
          %parallel_loop3A_453 = arith.constant 48 : i32
          %parallel_loop3A_454 = arith.addi %parallel_loop3A_437, %parallel_loop3A_453 : i32
          %parallel_loop3A_455 = arith.index_cast %parallel_loop3A_454 : i32 to index
          %parallel_loop3A_456 = tpu.vector_load %arg8[%parallel_loop3A_455] {strides = array<i32>} : memref<40960xf32, #tpu.memory_space<vmem>>, vector<16xf32>,
          %parallel_loop3A_457 = arith.maximumf %parallel_loop3A_430, %parallel_loop3A_456 : vector<16xf32>
          %parallel_loop3A_458 = arith.constant 64 : i32
          %parallel_loop3A_459 = arith.addi %parallel_loop3A_437, %parallel_loop3A_458 : i32
          %parallel_loop3A_460 = arith.index_cast %parallel_loop3A_459 : i32 to index
          %parallel_loop3A_461 = tpu.vector_load %arg8[%parallel_loop3A_460] {strides = array<i32>} : memref<40960xf32, #tpu.memory_space<vmem>>, vector<16xf32>,
          %parallel_loop3A_462 = arith.maximumf %parallel_loop3A_431, %parallel_loop3A_461 : vector<16xf32>
          %parallel_loop3A_463 = arith.constant 80 : i32
          %parallel_loop3A_464 = arith.addi %parallel_loop3A_437, %parallel_loop3A_463 : i32
          %parallel_loop3A_465 = arith.index_cast %parallel_loop3A_464 : i32 to index
          %parallel_loop3A_466 = tpu.vector_load %arg8[%parallel_loop3A_465] {strides = array<i32>} : memref<40960xf32, #tpu.memory_space<vmem>>, vector<16xf32>,
          %parallel_loop3A_467 = arith.maximumf %parallel_loop3A_432, %parallel_loop3A_466 : vector<16xf32>
          %parallel_loop3A_468 = arith.constant 96 : i32
          %parallel_loop3A_469 = arith.addi %parallel_loop3A_437, %parallel_loop3A_468 : i32
          %parallel_loop3A_470 = arith.index_cast %parallel_loop3A_469 : i32 to index
          %parallel_loop3A_471 = tpu.vector_load %arg8[%parallel_loop3A_470] {strides = array<i32>} : memref<40960xf32, #tpu.memory_space<vmem>>, vector<16xf32>,
          %parallel_loop3A_472 = arith.maximumf %parallel_loop3A_433, %parallel_loop3A_471 : vector<16xf32>
          %parallel_loop3A_473 = arith.constant 112 : i32
          %parallel_loop3A_474 = arith.addi %parallel_loop3A_437, %parallel_loop3A_473 : i32
          %parallel_loop3A_475 = arith.index_cast %parallel_loop3A_474 : i32 to index
          %parallel_loop3A_476 = tpu.vector_load %arg8[%parallel_loop3A_475] {strides = array<i32>} : memref<40960xf32, #tpu.memory_space<vmem>>, vector<16xf32>,
          %parallel_loop3A_477 = arith.maximumf %parallel_loop3A_434, %parallel_loop3A_476 : vector<16xf32>
          scf.yield %parallel_loop3A_442, %parallel_loop3A_447, %parallel_loop3A_452, %parallel_loop3A_457, %parallel_loop3A_462, %parallel_loop3A_467, %parallel_loop3A_472, %parallel_loop3A_477 : vector<16xf32>, vector<16xf32>, vector<16xf32>, vector<16xf32>, vector<16xf32>, vector<16xf32>, vector<16xf32>, vector<16xf32>
        } {sc.loop_unroll_factor = 8 : i64, sc.parallel_access}
        scf.yield %select_n3A_416, %parallel_loop3A_425#0, %parallel_loop3A_425#1, %parallel_loop3A_425#2, %parallel_loop3A_425#3, %parallel_loop3A_425#4, %parallel_loop3A_425#5, %parallel_loop3A_425#6, %parallel_loop3A_425#7, %select_n3A_402, %squeeze3A_406 : i32, vector<16xf32>, vector<16xf32>, vector<16xf32>, vector<16xf32>, vector<16xf32>, vector<16xf32>, vector<16xf32>, vector<16xf32>, i32, i32
      }
      %while3A_364 = arith.constant 1 : i32
      %while3A_365:11 = scf.for %while3A_380 = %while3A_361 to %while3A_357 step %while3A_364 iter_args(%while3A_381 = %while3A_363#0, %while3A_382 = %while3A_363#1, %while3A_383 = %while3A_363#2, %while3A_384 = %while3A_363#3, %while3A_385 = %while3A_363#4, %while3A_386 = %while3A_363#5, %while3A_387 = %while3A_363#6, %while3A_388 = %while3A_363#7, %while3A_389 = %while3A_363#8, %while3A_390 = %while3A_363#9, %while3A_391 = %while3A_363#10) -> (i32, vector<16xf32>, vector<16xf32>, vector<16xf32>, vector<16xf32>, vector<16xf32>, vector<16xf32>, vector<16xf32>, vector<16xf32>, i32, i32)  : i32 {
        %sub3A_392 = arith.constant 1 : i32
        %sub3A_393 = arith.subi %squeeze3A_350, %sub3A_392 : i32
        %max3A_394 = arith.constant 0 : i32
        %max3A_395 = arith.maxsi %sub3A_393, %max3A_394 : i32
        %min3A_396 = arith.minsi %while3A_380, %max3A_395 : i32
        %lt3A_397 = arith.cmpi slt, %while3A_380, %squeeze3A_350 : i32
        %get3A_398 = arith.index_cast %min3A_396 : i32 to index
        %get3A_399 = tpu.vector_load %arg12[%get3A_398] {strides = array<i32>} : memref<336xi32, #tpu.memory_space<vmem>>, vector<16xi32>,
        %slice3A_400 = vector.extract_strided_slice %get3A_399 {offsets = [0], sizes = [1], strides = [1]} : vector<16xi32> to vector<1xi32>
        %squeeze3A_401 = vector.extract %slice3A_400[0] : i32 from vector<1xi32>
        %select_n3A_402 = arith.select %lt3A_397, %squeeze3A_401, %max3A_306 : i32
        %get3A_403 = arith.index_cast %min3A_396 : i32 to index
        %get3A_404 = tpu.vector_load %arg13[%get3A_403] {strides = array<i32>} : memref<336xi32, #tpu.memory_space<vmem>>, vector<16xi32>,
        %slice3A_405 = vector.extract_strided_slice %get3A_404 {offsets = [0], sizes = [1], strides = [1]} : vector<16xi32> to vector<1xi32>
        %squeeze3A_406 = vector.extract %slice3A_405[0] : i32 from vector<1xi32>
        %eq3A = arith.constant 0 : i32
        %eq3A_407 = arith.cmpi eq, %while3A_380, %eq3A : i32
        %sub3A_408 = arith.subi %while3A_381, %mul3A_2 : i32
        %lt3A_409 = arith.constant 320 : i32
        %lt3A_410 = arith.cmpi ult, %sub3A_408, %lt3A_409 : i32
        %not3A = arith.constant true
        %not3A_411 = arith.xori %eq3A_407, %not3A : i1
        %and3A_412 = arith.andi %not3A_411, %lt3A_410 : i1
        %convert_element_type3A_413 = arith.extui %and3A_412 : i1 to i32
        %cond3A_414 = arith.constant 0 : i32
        %cond3A_415 = arith.cmpi ne, %convert_element_type3A_413, %cond3A_414 : i32
        scf.if %cond3A_415 {
          %sub3A_426 = arith.subi %while3A_381, %mul3A_2 : i32
          %mul3A_427 = arith.constant 128 : i32
          %mul3A_428 = arith.muli %sub3A_426, %mul3A_427 : i32
          %add3A_429 = arith.constant 0 : i32
          %add3A_430 = arith.addi %mul3A_428, %add3A_429 : i32
          %swap3A = arith.index_cast %add3A_430 : i32 to index
          %swap3A_431 = tpu.vector_load %arg11[%swap3A] {strides = array<i32>} : memref<40960xf32, #tpu.memory_space<vmem>>, vector<16xf32>,
          tpu.vector_store %arg11[%swap3A], %while3A_382 {strides = array<i32>} : memref<40960xf32, #tpu.memory_space<vmem>>, vector<16xf32>,
          %mul3A_432 = arith.constant 128 : i32
          %mul3A_433 = arith.muli %sub3A_426, %mul3A_432 : i32
          %add3A_434 = arith.constant 16 : i32
          %add3A_435 = arith.addi %mul3A_433, %add3A_434 : i32
          %swap3A_436 = arith.index_cast %add3A_435 : i32 to index
          %swap3A_437 = tpu.vector_load %arg11[%swap3A_436] {strides = array<i32>} : memref<40960xf32, #tpu.memory_space<vmem>>, vector<16xf32>,
          tpu.vector_store %arg11[%swap3A_436], %while3A_383 {strides = array<i32>} : memref<40960xf32, #tpu.memory_space<vmem>>, vector<16xf32>,
          %mul3A_438 = arith.constant 128 : i32
          %mul3A_439 = arith.muli %sub3A_426, %mul3A_438 : i32
          %add3A_440 = arith.constant 32 : i32
          %add3A_441 = arith.addi %mul3A_439, %add3A_440 : i32
          %swap3A_442 = arith.index_cast %add3A_441 : i32 to index
          %swap3A_443 = tpu.vector_load %arg11[%swap3A_442] {strides = array<i32>} : memref<40960xf32, #tpu.memory_space<vmem>>, vector<16xf32>,
          tpu.vector_store %arg11[%swap3A_442], %while3A_384 {strides = array<i32>} : memref<40960xf32, #tpu.memory_space<vmem>>, vector<16xf32>,
          %mul3A_444 = arith.constant 128 : i32
          %mul3A_445 = arith.muli %sub3A_426, %mul3A_444 : i32
          %add3A_446 = arith.constant 48 : i32
          %add3A_447 = arith.addi %mul3A_445, %add3A_446 : i32
          %swap3A_448 = arith.index_cast %add3A_447 : i32 to index
          %swap3A_449 = tpu.vector_load %arg11[%swap3A_448] {strides = array<i32>} : memref<40960xf32, #tpu.memory_space<vmem>>, vector<16xf32>,
          tpu.vector_store %arg11[%swap3A_448], %while3A_385 {strides = array<i32>} : memref<40960xf32, #tpu.memory_space<vmem>>, vector<16xf32>,
          %mul3A_450 = arith.constant 128 : i32
          %mul3A_451 = arith.muli %sub3A_426, %mul3A_450 : i32
          %add3A_452 = arith.constant 64 : i32
          %add3A_453 = arith.addi %mul3A_451, %add3A_452 : i32
          %swap3A_454 = arith.index_cast %add3A_453 : i32 to index
          %swap3A_455 = tpu.vector_load %arg11[%swap3A_454] {strides = array<i32>} : memref<40960xf32, #tpu.memory_space<vmem>>, vector<16xf32>,
          tpu.vector_store %arg11[%swap3A_454], %while3A_386 {strides = array<i32>} : memref<40960xf32, #tpu.memory_space<vmem>>, vector<16xf32>,
          %mul3A_456 = arith.constant 128 : i32
          %mul3A_457 = arith.muli %sub3A_426, %mul3A_456 : i32
          %add3A_458 = arith.constant 80 : i32
          %add3A_459 = arith.addi %mul3A_457, %add3A_458 : i32
          %swap3A_460 = arith.index_cast %add3A_459 : i32 to index
          %swap3A_461 = tpu.vector_load %arg11[%swap3A_460] {strides = array<i32>} : memref<40960xf32, #tpu.memory_space<vmem>>, vector<16xf32>,
          tpu.vector_store %arg11[%swap3A_460], %while3A_387 {strides = array<i32>} : memref<40960xf32, #tpu.memory_space<vmem>>, vector<16xf32>,
          %mul3A_462 = arith.constant 128 : i32
          %mul3A_463 = arith.muli %sub3A_426, %mul3A_462 : i32
          %add3A_464 = arith.constant 96 : i32
          %add3A_465 = arith.addi %mul3A_463, %add3A_464 : i32
          %swap3A_466 = arith.index_cast %add3A_465 : i32 to index
          %swap3A_467 = tpu.vector_load %arg11[%swap3A_466] {strides = array<i32>} : memref<40960xf32, #tpu.memory_space<vmem>>, vector<16xf32>,
          tpu.vector_store %arg11[%swap3A_466], %while3A_388 {strides = array<i32>} : memref<40960xf32, #tpu.memory_space<vmem>>, vector<16xf32>,
          %mul3A_468 = arith.constant 128 : i32
          %mul3A_469 = arith.muli %sub3A_426, %mul3A_468 : i32
          %add3A_470 = arith.constant 112 : i32
          %add3A_471 = arith.addi %mul3A_469, %add3A_470 : i32
          %swap3A_472 = arith.index_cast %add3A_471 : i32 to index
          %swap3A_473 = tpu.vector_load %arg11[%swap3A_472] {strides = array<i32>} : memref<40960xf32, #tpu.memory_space<vmem>>, vector<16xf32>,
          tpu.vector_store %arg11[%swap3A_472], %while3A_389 {strides = array<i32>} : memref<40960xf32, #tpu.memory_space<vmem>>, vector<16xf32>,
        } else {
        }
        %select_n3A_416 = arith.select %eq3A_407, %while3A_381, %while3A_391 : i32
        %select_n3A_417 = arith.select %eq3A_407, %while3A_382, %broadcast_in_dim3A_104 : vector<16xf32>
        %select_n3A_418 = arith.select %eq3A_407, %while3A_383, %broadcast_in_dim3A_104 : vector<16xf32>
        %select_n3A_419 = arith.select %eq3A_407, %while3A_384, %broadcast_in_dim3A_104 : vector<16xf32>
        %select_n3A_420 = arith.select %eq3A_407, %while3A_385, %broadcast_in_dim3A_104 : vector<16xf32>
        %select_n3A_421 = arith.select %eq3A_407, %while3A_386, %broadcast_in_dim3A_104 : vector<16xf32>
        %select_n3A_422 = arith.select %eq3A_407, %while3A_387, %broadcast_in_dim3A_104 : vector<16xf32>
        %select_n3A_423 = arith.select %eq3A_407, %while3A_388, %broadcast_in_dim3A_104 : vector<16xf32>
        %select_n3A_424 = arith.select %eq3A_407, %while3A_389, %broadcast_in_dim3A_104 : vector<16xf32>
        %parallel_loop3A = arith.constant 1 : i32
        %parallel_loop3A_425:8 = scf.for %parallel_loop3A_426 = %while3A_390 to %select_n3A_402 step %parallel_loop3A iter_args(%parallel_loop3A_427 = %select_n3A_417, %parallel_loop3A_428 = %select_n3A_418, %parallel_loop3A_429 = %select_n3A_419, %parallel_loop3A_430 = %select_n3A_420, %parallel_loop3A_431 = %select_n3A_421, %parallel_loop3A_432 = %select_n3A_422, %parallel_loop3A_433 = %select_n3A_423, %parallel_loop3A_434 = %select_n3A_424) -> (vector<16xf32>, vector<16xf32>, vector<16xf32>, vector<16xf32>, vector<16xf32>, vector<16xf32>, vector<16xf32>, vector<16xf32>)  : i32 {
          %parallel_loop3A_435 = arith.addi %sub3A_301, %parallel_loop3A_426 : i32
          %parallel_loop3A_436 = arith.constant 128 : i32
          %parallel_loop3A_437 = arith.muli %parallel_loop3A_435, %parallel_loop3A_436 : i32
          %parallel_loop3A_438 = arith.constant 0 : i32
          %parallel_loop3A_439 = arith.addi %parallel_loop3A_437, %parallel_loop3A_438 : i32
          %parallel_loop3A_440 = arith.index_cast %parallel_loop3A_439 : i32 to index
          %parallel_loop3A_441 = tpu.vector_load %arg8[%parallel_loop3A_440] {strides = array<i32>} : memref<40960xf32, #tpu.memory_space<vmem>>, vector<16xf32>,
          %parallel_loop3A_442 = arith.maximumf %parallel_loop3A_427, %parallel_loop3A_441 : vector<16xf32>
          %parallel_loop3A_443 = arith.constant 16 : i32
          %parallel_loop3A_444 = arith.addi %parallel_loop3A_437, %parallel_loop3A_443 : i32
          %parallel_loop3A_445 = arith.index_cast %parallel_loop3A_444 : i32 to index
          %parallel_loop3A_446 = tpu.vector_load %arg8[%parallel_loop3A_445] {strides = array<i32>} : memref<40960xf32, #tpu.memory_space<vmem>>, vector<16xf32>,
          %parallel_loop3A_447 = arith.maximumf %parallel_loop3A_428, %parallel_loop3A_446 : vector<16xf32>
          %parallel_loop3A_448 = arith.constant 32 : i32
          %parallel_loop3A_449 = arith.addi %parallel_loop3A_437, %parallel_loop3A_448 : i32
          %parallel_loop3A_450 = arith.index_cast %parallel_loop3A_449 : i32 to index
          %parallel_loop3A_451 = tpu.vector_load %arg8[%parallel_loop3A_450] {strides = array<i32>} : memref<40960xf32, #tpu.memory_space<vmem>>, vector<16xf32>,
          %parallel_loop3A_452 = arith.maximumf %parallel_loop3A_429, %parallel_loop3A_451 : vector<16xf32>
          %parallel_loop3A_453 = arith.constant 48 : i32
          %parallel_loop3A_454 = arith.addi %parallel_loop3A_437, %parallel_loop3A_453 : i32
          %parallel_loop3A_455 = arith.index_cast %parallel_loop3A_454 : i32 to index
          %parallel_loop3A_456 = tpu.vector_load %arg8[%parallel_loop3A_455] {strides = array<i32>} : memref<40960xf32, #tpu.memory_space<vmem>>, vector<16xf32>,
          %parallel_loop3A_457 = arith.maximumf %parallel_loop3A_430, %parallel_loop3A_456 : vector<16xf32>
          %parallel_loop3A_458 = arith.constant 64 : i32
          %parallel_loop3A_459 = arith.addi %parallel_loop3A_437, %parallel_loop3A_458 : i32
          %parallel_loop3A_460 = arith.index_cast %parallel_loop3A_459 : i32 to index
          %parallel_loop3A_461 = tpu.vector_load %arg8[%parallel_loop3A_460] {strides = array<i32>} : memref<40960xf32, #tpu.memory_space<vmem>>, vector<16xf32>,
          %parallel_loop3A_462 = arith.maximumf %parallel_loop3A_431, %parallel_loop3A_461 : vector<16xf32>
          %parallel_loop3A_463 = arith.constant 80 : i32
          %parallel_loop3A_464 = arith.addi %parallel_loop3A_437, %parallel_loop3A_463 : i32
          %parallel_loop3A_465 = arith.index_cast %parallel_loop3A_464 : i32 to index
          %parallel_loop3A_466 = tpu.vector_load %arg8[%parallel_loop3A_465] {strides = array<i32>} : memref<40960xf32, #tpu.memory_space<vmem>>, vector<16xf32>,
          %parallel_loop3A_467 = arith.maximumf %parallel_loop3A_432, %parallel_loop3A_466 : vector<16xf32>
          %parallel_loop3A_468 = arith.constant 96 : i32
          %parallel_loop3A_469 = arith.addi %parallel_loop3A_437, %parallel_loop3A_468 : i32
          %parallel_loop3A_470 = arith.index_cast %parallel_loop3A_469 : i32 to index
          %parallel_loop3A_471 = tpu.vector_load %arg8[%parallel_loop3A_470] {strides = array<i32>} : memref<40960xf32, #tpu.memory_space<vmem>>, vector<16xf32>,
          %parallel_loop3A_472 = arith.maximumf %parallel_loop3A_433, %parallel_loop3A_471 : vector<16xf32>
          %parallel_loop3A_473 = arith.constant 112 : i32
          %parallel_loop3A_474 = arith.addi %parallel_loop3A_437, %parallel_loop3A_473 : i32
          %parallel_loop3A_475 = arith.index_cast %parallel_loop3A_474 : i32 to index
          %parallel_loop3A_476 = tpu.vector_load %arg8[%parallel_loop3A_475] {strides = array<i32>} : memref<40960xf32, #tpu.memory_space<vmem>>, vector<16xf32>,
          %parallel_loop3A_477 = arith.maximumf %parallel_loop3A_434, %parallel_loop3A_476 : vector<16xf32>
          scf.yield %parallel_loop3A_442, %parallel_loop3A_447, %parallel_loop3A_452, %parallel_loop3A_457, %parallel_loop3A_462, %parallel_loop3A_467, %parallel_loop3A_472, %parallel_loop3A_477 : vector<16xf32>, vector<16xf32>, vector<16xf32>, vector<16xf32>, vector<16xf32>, vector<16xf32>, vector<16xf32>, vector<16xf32>
        } {sc.loop_unroll_factor = 8 : i64, sc.parallel_access}
        scf.yield %select_n3A_416, %parallel_loop3A_425#0, %parallel_loop3A_425#1, %parallel_loop3A_425#2, %parallel_loop3A_425#3, %parallel_loop3A_425#4, %parallel_loop3A_425#5, %parallel_loop3A_425#6, %parallel_loop3A_425#7, %select_n3A_402, %squeeze3A_406 : i32, vector<16xf32>, vector<16xf32>, vector<16xf32>, vector<16xf32>, vector<16xf32>, vector<16xf32>, vector<16xf32>, vector<16xf32>, i32, i32
      }
      %add3A_366 = arith.constant 1 : i32
      %add3A_367 = arith.addi %mul3A_194, %add3A_366 : i32
      %add3A_368 = arith.constant 2 : i32
      %add3A_369 = arith.addi %add3A_367, %add3A_368 : i32
      %mul3A_370 = arith.constant 320 : i32
      %mul3A_371 = arith.muli %add3A_369, %mul3A_370 : i32
      %add3A_372 = arith.addi %multiple_of3A, %mul3A_371 : i32
      %min3A_373 = arith.constant 319680 : i32
      %min3A_374 = arith.minsi %add3A_372, %min3A_373 : i32
      %multiple_of3A_375 = tpu.assume_multiple %min3A_374, 16 : i32
      %lt3A_376 = arith.cmpi slt, %add3A_369, %select_n3A_94 : i32
      %convert_element_type3A_377 = arith.extui %lt3A_376 : i1 to i32
      %cond3A_378 = arith.constant 0 : i32
      %cond3A_379 = arith.cmpi ne, %convert_element_type3A_377, %cond3A_378 : i32
      scf.if %cond3A_379 {
        %mul3A_380 = arith.constant 128 : i32
        %mul3A_381 = arith.muli %multiple_of3A_375, %mul3A_380 : i32
        %dma_start3A = tpu.memref_slice %arg2[%mul3A_381] : memref<40960000xf32, #tpu.memory_space<hbm>> -> memref<40960xf32, #tpu.memory_space<hbm>>
        %dma_start3A_382 = tpu.memref_slice %arg2[%mul3A_381] : memref<40960000xf32, #tpu.memory_space<hbm>> -> memref<40960xf32, #tpu.memory_space<hbm>>
        tpu.enqueue_dma source(%dma_start3A_382 : memref<40960xf32, #tpu.memory_space<hbm>>) target(%arg8 : memref<40960xf32, #tpu.memory_space<vmem>>) target_semaphore(%arg15 : memref<!tpu.dma_semaphore, #tpu.memory_space<semaphore_mem>>)
        %dma_start3A_383 = tpu.memref_slice %arg3[%multiple_of3A_375] : memref<320000xi32, #tpu.memory_space<hbm>> -> memref<320xi32, #tpu.memory_space<hbm>>
        %dma_start3A_384 = tpu.memref_slice %arg3[%multiple_of3A_375] : memref<320000xi32, #tpu.memory_space<hbm>> -> memref<320xi32, #tpu.memory_space<hbm>>
        tpu.enqueue_dma source(%dma_start3A_384 : memref<320xi32, #tpu.memory_space<hbm>>) target(%arg10 : memref<320xi32, #tpu.memory_space<vmem>>) target_semaphore(%arg15 : memref<!tpu.dma_semaphore, #tpu.memory_space<semaphore_mem>>)
      } else {
      }
      scf.yield %while3A_365#0, %while3A_365#1, %while3A_365#2, %while3A_365#3, %while3A_365#4, %while3A_365#5, %while3A_365#6, %while3A_365#7, %while3A_365#8 : i32, vector<16xf32>, vector<16xf32>, vector<16xf32>, vector<16xf32>, vector<16xf32>, vector<16xf32>, vector<16xf32>, vector<16xf32>
    }
    %while3A_158 = arith.constant 1 : i32
    %while3A_159:9 = scf.for %while3A_183 = %while3A_155 to %while3A_151 step %while3A_158 iter_args(%while3A_184 = %while3A_157#0, %while3A_185 = %while3A_157#1, %while3A_186 = %while3A_157#2, %while3A_187 = %while3A_157#3, %while3A_188 = %while3A_157#4, %while3A_189 = %while3A_157#5, %while3A_190 = %while3A_157#6, %while3A_191 = %while3A_157#7, %while3A_192 = %while3A_157#8) -> (i32, vector<16xf32>, vector<16xf32>, vector<16xf32>, vector<16xf32>, vector<16xf32>, vector<16xf32>, vector<16xf32>, vector<16xf32>)  : i32 {
      %mul3A_193 = arith.constant 2 : i32
      %mul3A_194 = arith.muli %mul3A_193, %while3A_183 : i32
      %add3A_195 = arith.constant 0 : i32
      %add3A_196 = arith.addi %mul3A_194, %add3A_195 : i32
      %lt3A_197 = arith.cmpi slt, %add3A_196, %select_n3A_94 : i32
      %convert_element_type3A_198 = arith.extui %lt3A_197 : i1 to i32
      %cond3A_199 = arith.constant 0 : i32
      %cond3A_200 = arith.cmpi ne, %convert_element_type3A_198, %cond3A_199 : i32
      scf.if %cond3A_200 {
        %dma_wait3A = arith.constant 0 : i32
        %dma_wait3A_380 = tpu.memref_slice %arg2[%dma_wait3A] : memref<40960000xf32, #tpu.memory_space<hbm>> -> memref<40960xf32, #tpu.memory_space<hbm>>
        %dma_wait3A_381 = arith.constant 0 : i32
        %dma_wait3A_382 = tpu.memref_slice %arg2[%dma_wait3A_381] : memref<40960000xf32, #tpu.memory_space<hbm>> -> memref<40960xf32, #tpu.memory_space<hbm>>
        tpu.wait_dma2 semaphore(%arg14 : memref<!tpu.dma_semaphore, #tpu.memory_space<semaphore_mem>>) src(%dma_wait3A_382 : memref<40960xf32, #tpu.memory_space<hbm>>) dst(%arg7 : memref<40960xf32, #tpu.memory_space<vmem>>)
        %dma_wait3A_383 = arith.constant 0 : i32
        %dma_wait3A_384 = tpu.memref_slice %arg3[%dma_wait3A_383] : memref<320000xi32, #tpu.memory_space<hbm>> -> memref<320xi32, #tpu.memory_space<hbm>>
        %dma_wait3A_385 = arith.constant 0 : i32
        %dma_wait3A_386 = tpu.memref_slice %arg3[%dma_wait3A_385] : memref<320000xi32, #tpu.memory_space<hbm>> -> memref<320xi32, #tpu.memory_space<hbm>>
        tpu.wait_dma2 semaphore(%arg14 : memref<!tpu.dma_semaphore, #tpu.memory_space<semaphore_mem>>) src(%dma_wait3A_386 : memref<320xi32, #tpu.memory_space<hbm>>) dst(%arg9 : memref<320xi32, #tpu.memory_space<vmem>>)
      } else {
      }
      %add3A_201 = arith.constant 0 : i32
      %add3A_202 = arith.addi %mul3A_194, %add3A_201 : i32
      %mul3A_203 = arith.constant 320 : i32
      %mul3A_204 = arith.muli %add3A_202, %mul3A_203 : i32
      %add3A_205 = arith.addi %multiple_of3A, %mul3A_204 : i32
      %min3A_206 = arith.constant 319680 : i32
      %min3A_207 = arith.minsi %add3A_205, %min3A_206 : i32
      %multiple_of3A_208 = tpu.assume_multiple %min3A_207, 16 : i32
      %sub3A_209 = arith.subi %add3A_205, %multiple_of3A_208 : i32
      %sub3A_210 = arith.subi %multiple_of3A_65, %add3A_205 : i32
      %min3A_211 = arith.constant 320 : i32
      %min3A_212 = arith.minsi %min3A_211, %sub3A_210 : i32
      %max3A = arith.constant 0 : i32
      %max3A_213 = arith.maxsi %min3A_212, %max3A : i32
      %jit3A_214 = arith.constant 16 : i32
      %div3A_215 = arith.divsi %max3A_213, %jit3A_214 : i32
      %sign3A_216 = arith.constant 0 : i32
      %sign3A_217 = arith.cmpi sgt, %max3A_213, %sign3A_216 : i32
      %sign3A_218 = arith.extui %sign3A_217 : i1 to i32
      %sign3A_219 = arith.constant 0 : i32
      %sign3A_220 = arith.cmpi slt, %max3A_213, %sign3A_219 : i32
      %sign3A_221 = arith.extui %sign3A_220 : i1 to i32
      %sign3A_222 = arith.subi %sign3A_218, %sign3A_221 : i32
      %sign3A_223 = arith.constant 0 : i32
      %sign3A_224 = arith.cmpi sgt, %jit3A_214, %sign3A_223 : i32
      %sign3A_225 = arith.extui %sign3A_224 : i1 to i32
      %sign3A_226 = arith.constant 0 : i32
      %sign3A_227 = arith.cmpi slt, %jit3A_214, %sign3A_226 : i32
      %sign3A_228 = arith.extui %sign3A_227 : i1 to i32
      %sign3A_229 = arith.subi %sign3A_225, %sign3A_228 : i32
      %ne3A_230 = arith.cmpi ne, %sign3A_222, %sign3A_229 : i32
      %rem3A_231 = arith.remsi %max3A_213, %jit3A_214 : i32
      %ne3A_232 = arith.constant 0 : i32
      %ne3A_233 = arith.cmpi ne, %rem3A_231, %ne3A_232 : i32
      %and3A_234 = arith.andi %ne3A_230, %ne3A_233 : i1
      %sub3A_235 = arith.constant 1 : i32
      %sub3A_236 = arith.subi %div3A_215, %sub3A_235 : i32
      %select_n3A_237 = arith.select %and3A_234, %sub3A_236, %div3A_215 : i32
      %broadcast_in_dim3A_238 = arith.constant 1 : i32
      %broadcast_in_dim3A_239 = vector.broadcast %broadcast_in_dim3A_238 : i32 to vector<16xi32>
      %broadcast_in_dim3A_240 = arith.constant 0 : i32
      %broadcast_in_dim3A_241 = vector.broadcast %broadcast_in_dim3A_240 : i32 to vector<16xi32>
      %broadcast_in_dim3A_242 = arith.constant 0 : i32
      %broadcast_in_dim3A_243 = vector.broadcast %broadcast_in_dim3A_242 : i32 to vector<16xi32>
      %broadcast_in_dim3A_244 = vector.broadcast %while3A_184 : i32 to vector<16xi32>
      %while3A_245 = arith.constant 0 : i32
      %while3A_246 = arith.subi %select_n3A_237, %while3A_245 : i32
      %while3A_247 = arith.addi %while3A_245, %while3A_246 : i32
      %while3A_248 = arith.constant 1 : i32
      %while3A_249 = arith.divsi %while3A_246, %while3A_248 : i32
      %while3A_250 = arith.muli %while3A_249, %while3A_248 : i32
      %while3A_251 = arith.addi %while3A_245, %while3A_250 : i32
      %while3A_252 = arith.constant 1 : i32
      %while3A_253:2 = scf.for %while3A_380 = %while3A_245 to %while3A_251 step %while3A_252 iter_args(%while3A_381 = %broadcast_in_dim3A_243, %while3A_382 = %broadcast_in_dim3A_244) -> (vector<16xi32>, vector<16xi32>)  : i32 {
        %mul3A_383 = arith.constant 16 : i32
        %mul3A_384 = arith.muli %while3A_380, %mul3A_383 : i32
        %add3A_385 = arith.addi %sub3A_209, %mul3A_384 : i32
        %get3A_386 = arith.index_cast %add3A_385 : i32 to index
        %get3A_387 = tpu.vector_load %arg9[%get3A_386] {strides = array<i32>} : memref<320xi32, #tpu.memory_space<vmem>>, vector<16xi32>,
        %eq3A = arith.constant 0 : i32
        %eq3A_388 = vector.broadcast %eq3A : i32 to vector<16xi32>
        %eq3A_389 = arith.cmpi eq, %iota3A, %eq3A_388 : vector<16xi32>
        %broadcast_in_dim3A_390 = vector.shape_cast %and3A_100 : vector<16xi32> to vector<16x1xi32>
        %gather3A = vector.shape_cast %broadcast_in_dim3A_390 : vector<16x1xi32> to vector<16xi32>
        %gather3A_391 = tpu.dynamic_gather %get3A_387[%gather3A] in [0] : vector<16xi32>, vector<16xi32> -> vector<16xi32>
        %select_n3A_392 = arith.select %eq3A_389, %while3A_382, %gather3A_391 : vector<16xi1>, vector<16xi32>
        %ne3A_393 = arith.cmpi ne, %get3A_387, %select_n3A_392 : vector<16xi32>
        %select_n3A_394 = arith.select %ne3A_393, %broadcast_in_dim3A_239, %broadcast_in_dim3A_241 : vector<16xi1>, vector<16xi32>
        %broadcast_in_dim3A_395 = arith.constant true
        %broadcast_in_dim3A_396 = vector.broadcast %broadcast_in_dim3A_395 : i1 to vector<16xi1>
        %masked_cumsum3A = tpu.scan <sum>, %select_n3A_394 masked %broadcast_in_dim3A_396 : vector<16xi32>, vector<16xi1> -> vector<16xi32>
        %add3A_397 = arith.addi %while3A_381, %masked_cumsum3A : vector<16xi32>
        %sub3A_398 = arith.constant 1 : i32
        %sub3A_399 = vector.broadcast %sub3A_398 : i32 to vector<16xi32>
        %sub3A_400 = arith.subi %add3A_397, %sub3A_399 : vector<16xi32>
        %mul3A_401 = arith.constant 16 : i32
        %mul3A_402 = arith.muli %while3A_380, %mul3A_401 : i32
        %add3A_403 = vector.broadcast %mul3A_402 : i32 to vector<16xi32>
        %add3A_404 = arith.addi %add3A_403, %iota3A : vector<16xi32>
        tpu.vector_store_idx %arg12[%sub3A_400], %add3A_404 masked %ne3A_393 : memref<336xi32, #tpu.memory_space<vmem>>[vector<16xi32>], vector<16xi32>, vector<16xi1>
        tpu.vector_store_idx %arg13[%sub3A_400], %get3A_387 masked %ne3A_393 : memref<336xi32, #tpu.memory_space<vmem>>[vector<16xi32>], vector<16xi32>, vector<16xi1>
        %broadcast_in_dim3A_405 = vector.shape_cast %broadcast_in_dim3A_102 : vector<16xi32> to vector<16x1xi32>
        %gather3A_406 = vector.shape_cast %broadcast_in_dim3A_405 : vector<16x1xi32> to vector<16xi32>
        %gather3A_407 = tpu.dynamic_gather %masked_cumsum3A[%gather3A_406] in [0] : vector<16xi32>, vector<16xi32> -> vector<16xi32>
        %add3A_408 = arith.addi %while3A_381, %gather3A_407 : vector<16xi32>
        %broadcast_in_dim3A_409 = vector.shape_cast %broadcast_in_dim3A_102 : vector<16xi32> to vector<16x1xi32>
        %gather3A_410 = vector.shape_cast %broadcast_in_dim3A_409 : vector<16x1xi32> to vector<16xi32>
        %gather3A_411 = tpu.dynamic_gather %get3A_387[%gather3A_410] in [0] : vector<16xi32>, vector<16xi32> -> vector<16xi32>
        scf.yield %add3A_408, %gather3A_411 : vector<16xi32>, vector<16xi32>
      }
      %while3A_254 = arith.constant 1 : i32
      %while3A_255:2 = scf.for %while3A_380 = %while3A_251 to %while3A_247 step %while3A_254 iter_args(%while3A_381 = %while3A_253#0, %while3A_382 = %while3A_253#1) -> (vector<16xi32>, vector<16xi32>)  : i32 {
        %mul3A_383 = arith.constant 16 : i32
        %mul3A_384 = arith.muli %while3A_380, %mul3A_383 : i32
        %add3A_385 = arith.addi %sub3A_209, %mul3A_384 : i32
        %get3A_386 = arith.index_cast %add3A_385 : i32 to index
        %get3A_387 = tpu.vector_load %arg9[%get3A_386] {strides = array<i32>} : memref<320xi32, #tpu.memory_space<vmem>>, vector<16xi32>,
        %eq3A = arith.constant 0 : i32
        %eq3A_388 = vector.broadcast %eq3A : i32 to vector<16xi32>
        %eq3A_389 = arith.cmpi eq, %iota3A, %eq3A_388 : vector<16xi32>
        %broadcast_in_dim3A_390 = vector.shape_cast %and3A_100 : vector<16xi32> to vector<16x1xi32>
        %gather3A = vector.shape_cast %broadcast_in_dim3A_390 : vector<16x1xi32> to vector<16xi32>
        %gather3A_391 = tpu.dynamic_gather %get3A_387[%gather3A] in [0] : vector<16xi32>, vector<16xi32> -> vector<16xi32>
        %select_n3A_392 = arith.select %eq3A_389, %while3A_382, %gather3A_391 : vector<16xi1>, vector<16xi32>
        %ne3A_393 = arith.cmpi ne, %get3A_387, %select_n3A_392 : vector<16xi32>
        %select_n3A_394 = arith.select %ne3A_393, %broadcast_in_dim3A_239, %broadcast_in_dim3A_241 : vector<16xi1>, vector<16xi32>
        %broadcast_in_dim3A_395 = arith.constant true
        %broadcast_in_dim3A_396 = vector.broadcast %broadcast_in_dim3A_395 : i1 to vector<16xi1>
        %masked_cumsum3A = tpu.scan <sum>, %select_n3A_394 masked %broadcast_in_dim3A_396 : vector<16xi32>, vector<16xi1> -> vector<16xi32>
        %add3A_397 = arith.addi %while3A_381, %masked_cumsum3A : vector<16xi32>
        %sub3A_398 = arith.constant 1 : i32
        %sub3A_399 = vector.broadcast %sub3A_398 : i32 to vector<16xi32>
        %sub3A_400 = arith.subi %add3A_397, %sub3A_399 : vector<16xi32>
        %mul3A_401 = arith.constant 16 : i32
        %mul3A_402 = arith.muli %while3A_380, %mul3A_401 : i32
        %add3A_403 = vector.broadcast %mul3A_402 : i32 to vector<16xi32>
        %add3A_404 = arith.addi %add3A_403, %iota3A : vector<16xi32>
        tpu.vector_store_idx %arg12[%sub3A_400], %add3A_404 masked %ne3A_393 : memref<336xi32, #tpu.memory_space<vmem>>[vector<16xi32>], vector<16xi32>, vector<16xi1>
        tpu.vector_store_idx %arg13[%sub3A_400], %get3A_387 masked %ne3A_393 : memref<336xi32, #tpu.memory_space<vmem>>[vector<16xi32>], vector<16xi32>, vector<16xi1>
        %broadcast_in_dim3A_405 = vector.shape_cast %broadcast_in_dim3A_102 : vector<16xi32> to vector<16x1xi32>
        %gather3A_406 = vector.shape_cast %broadcast_in_dim3A_405 : vector<16x1xi32> to vector<16xi32>
        %gather3A_407 = tpu.dynamic_gather %masked_cumsum3A[%gather3A_406] in [0] : vector<16xi32>, vector<16xi32> -> vector<16xi32>
        %add3A_408 = arith.addi %while3A_381, %gather3A_407 : vector<16xi32>
        %broadcast_in_dim3A_409 = vector.shape_cast %broadcast_in_dim3A_102 : vector<16xi32> to vector<16x1xi32>
        %gather3A_410 = vector.shape_cast %broadcast_in_dim3A_409 : vector<16x1xi32> to vector<16xi32>
        %gather3A_411 = tpu.dynamic_gather %get3A_387[%gather3A_410] in [0] : vector<16xi32>, vector<16xi32> -> vector<16xi32>
        scf.yield %add3A_408, %gather3A_411 : vector<16xi32>, vector<16xi32>
      }
      %slice3A_256 = vector.extract_strided_slice %while3A_255#0 {offsets = [0], sizes = [1], strides = [1]} : vector<16xi32> to vector<1xi32>
      %squeeze3A_257 = vector.extract %slice3A_256[0] : i32 from vector<1xi32>
      %add3A_258 = arith.constant 1 : i32
      %add3A_259 = arith.addi %squeeze3A_257, %add3A_258 : i32
      %while3A_260 = arith.constant 0 : i32
      %while3A_261 = arith.constant 0 : i32
      %while3A_262 = arith.constant 0 : i32
      %while3A_263 = arith.subi %add3A_259, %while3A_260 : i32
      %while3A_264 = arith.addi %while3A_260, %while3A_263 : i32
      %while3A_265 = arith.constant 1 : i32
      %while3A_266 = arith.divsi %while3A_263, %while3A_265 : i32
      %while3A_267 = arith.muli %while3A_266, %while3A_265 : i32
      %while3A_268 = arith.addi %while3A_260, %while3A_267 : i32
      %while3A_269 = arith.constant 1 : i32
      %while3A_270:11 = scf.for %while3A_380 = %while3A_260 to %while3A_268 step %while3A_269 iter_args(%while3A_381 = %while3A_184, %while3A_382 = %while3A_185, %while3A_383 = %while3A_186, %while3A_384 = %while3A_187, %while3A_385 = %while3A_188, %while3A_386 = %while3A_189, %while3A_387 = %while3A_190, %while3A_388 = %while3A_191, %while3A_389 = %while3A_192, %while3A_390 = %while3A_261, %while3A_391 = %while3A_262) -> (i32, vector<16xf32>, vector<16xf32>, vector<16xf32>, vector<16xf32>, vector<16xf32>, vector<16xf32>, vector<16xf32>, vector<16xf32>, i32, i32)  : i32 {
        %sub3A_392 = arith.constant 1 : i32
        %sub3A_393 = arith.subi %squeeze3A_257, %sub3A_392 : i32
        %max3A_394 = arith.constant 0 : i32
        %max3A_395 = arith.maxsi %sub3A_393, %max3A_394 : i32
        %min3A_396 = arith.minsi %while3A_380, %max3A_395 : i32
        %lt3A_397 = arith.cmpi slt, %while3A_380, %squeeze3A_257 : i32
        %get3A_398 = arith.index_cast %min3A_396 : i32 to index
        %get3A_399 = tpu.vector_load %arg12[%get3A_398] {strides = array<i32>} : memref<336xi32, #tpu.memory_space<vmem>>, vector<16xi32>,
        %slice3A_400 = vector.extract_strided_slice %get3A_399 {offsets = [0], sizes = [1], strides = [1]} : vector<16xi32> to vector<1xi32>
        %squeeze3A_401 = vector.extract %slice3A_400[0] : i32 from vector<1xi32>
        %select_n3A_402 = arith.select %lt3A_397, %squeeze3A_401, %max3A_213 : i32
        %get3A_403 = arith.index_cast %min3A_396 : i32 to index
        %get3A_404 = tpu.vector_load %arg13[%get3A_403] {strides = array<i32>} : memref<336xi32, #tpu.memory_space<vmem>>, vector<16xi32>,
        %slice3A_405 = vector.extract_strided_slice %get3A_404 {offsets = [0], sizes = [1], strides = [1]} : vector<16xi32> to vector<1xi32>
        %squeeze3A_406 = vector.extract %slice3A_405[0] : i32 from vector<1xi32>
        %eq3A = arith.constant 0 : i32
        %eq3A_407 = arith.cmpi eq, %while3A_380, %eq3A : i32
        %sub3A_408 = arith.subi %while3A_381, %mul3A_2 : i32
        %lt3A_409 = arith.constant 320 : i32
        %lt3A_410 = arith.cmpi ult, %sub3A_408, %lt3A_409 : i32
        %not3A = arith.constant true
        %not3A_411 = arith.xori %eq3A_407, %not3A : i1
        %and3A_412 = arith.andi %not3A_411, %lt3A_410 : i1
        %convert_element_type3A_413 = arith.extui %and3A_412 : i1 to i32
        %cond3A_414 = arith.constant 0 : i32
        %cond3A_415 = arith.cmpi ne, %convert_element_type3A_413, %cond3A_414 : i32
        scf.if %cond3A_415 {
          %sub3A_426 = arith.subi %while3A_381, %mul3A_2 : i32
          %mul3A_427 = arith.constant 128 : i32
          %mul3A_428 = arith.muli %sub3A_426, %mul3A_427 : i32
          %add3A_429 = arith.constant 0 : i32
          %add3A_430 = arith.addi %mul3A_428, %add3A_429 : i32
          %swap3A = arith.index_cast %add3A_430 : i32 to index
          %swap3A_431 = tpu.vector_load %arg11[%swap3A] {strides = array<i32>} : memref<40960xf32, #tpu.memory_space<vmem>>, vector<16xf32>,
          tpu.vector_store %arg11[%swap3A], %while3A_382 {strides = array<i32>} : memref<40960xf32, #tpu.memory_space<vmem>>, vector<16xf32>,
          %mul3A_432 = arith.constant 128 : i32
          %mul3A_433 = arith.muli %sub3A_426, %mul3A_432 : i32
          %add3A_434 = arith.constant 16 : i32
          %add3A_435 = arith.addi %mul3A_433, %add3A_434 : i32
          %swap3A_436 = arith.index_cast %add3A_435 : i32 to index
          %swap3A_437 = tpu.vector_load %arg11[%swap3A_436] {strides = array<i32>} : memref<40960xf32, #tpu.memory_space<vmem>>, vector<16xf32>,
          tpu.vector_store %arg11[%swap3A_436], %while3A_383 {strides = array<i32>} : memref<40960xf32, #tpu.memory_space<vmem>>, vector<16xf32>,
          %mul3A_438 = arith.constant 128 : i32
          %mul3A_439 = arith.muli %sub3A_426, %mul3A_438 : i32
          %add3A_440 = arith.constant 32 : i32
          %add3A_441 = arith.addi %mul3A_439, %add3A_440 : i32
          %swap3A_442 = arith.index_cast %add3A_441 : i32 to index
          %swap3A_443 = tpu.vector_load %arg11[%swap3A_442] {strides = array<i32>} : memref<40960xf32, #tpu.memory_space<vmem>>, vector<16xf32>,
          tpu.vector_store %arg11[%swap3A_442], %while3A_384 {strides = array<i32>} : memref<40960xf32, #tpu.memory_space<vmem>>, vector<16xf32>,
          %mul3A_444 = arith.constant 128 : i32
          %mul3A_445 = arith.muli %sub3A_426, %mul3A_444 : i32
          %add3A_446 = arith.constant 48 : i32
          %add3A_447 = arith.addi %mul3A_445, %add3A_446 : i32
          %swap3A_448 = arith.index_cast %add3A_447 : i32 to index
          %swap3A_449 = tpu.vector_load %arg11[%swap3A_448] {strides = array<i32>} : memref<40960xf32, #tpu.memory_space<vmem>>, vector<16xf32>,
          tpu.vector_store %arg11[%swap3A_448], %while3A_385 {strides = array<i32>} : memref<40960xf32, #tpu.memory_space<vmem>>, vector<16xf32>,
          %mul3A_450 = arith.constant 128 : i32
          %mul3A_451 = arith.muli %sub3A_426, %mul3A_450 : i32
          %add3A_452 = arith.constant 64 : i32
          %add3A_453 = arith.addi %mul3A_451, %add3A_452 : i32
          %swap3A_454 = arith.index_cast %add3A_453 : i32 to index
          %swap3A_455 = tpu.vector_load %arg11[%swap3A_454] {strides = array<i32>} : memref<40960xf32, #tpu.memory_space<vmem>>, vector<16xf32>,
          tpu.vector_store %arg11[%swap3A_454], %while3A_386 {strides = array<i32>} : memref<40960xf32, #tpu.memory_space<vmem>>, vector<16xf32>,
          %mul3A_456 = arith.constant 128 : i32
          %mul3A_457 = arith.muli %sub3A_426, %mul3A_456 : i32
          %add3A_458 = arith.constant 80 : i32
          %add3A_459 = arith.addi %mul3A_457, %add3A_458 : i32
          %swap3A_460 = arith.index_cast %add3A_459 : i32 to index
          %swap3A_461 = tpu.vector_load %arg11[%swap3A_460] {strides = array<i32>} : memref<40960xf32, #tpu.memory_space<vmem>>, vector<16xf32>,
          tpu.vector_store %arg11[%swap3A_460], %while3A_387 {strides = array<i32>} : memref<40960xf32, #tpu.memory_space<vmem>>, vector<16xf32>,
          %mul3A_462 = arith.constant 128 : i32
          %mul3A_463 = arith.muli %sub3A_426, %mul3A_462 : i32
          %add3A_464 = arith.constant 96 : i32
          %add3A_465 = arith.addi %mul3A_463, %add3A_464 : i32
          %swap3A_466 = arith.index_cast %add3A_465 : i32 to index
          %swap3A_467 = tpu.vector_load %arg11[%swap3A_466] {strides = array<i32>} : memref<40960xf32, #tpu.memory_space<vmem>>, vector<16xf32>,
          tpu.vector_store %arg11[%swap3A_466], %while3A_388 {strides = array<i32>} : memref<40960xf32, #tpu.memory_space<vmem>>, vector<16xf32>,
          %mul3A_468 = arith.constant 128 : i32
          %mul3A_469 = arith.muli %sub3A_426, %mul3A_468 : i32
          %add3A_470 = arith.constant 112 : i32
          %add3A_471 = arith.addi %mul3A_469, %add3A_470 : i32
          %swap3A_472 = arith.index_cast %add3A_471 : i32 to index
          %swap3A_473 = tpu.vector_load %arg11[%swap3A_472] {strides = array<i32>} : memref<40960xf32, #tpu.memory_space<vmem>>, vector<16xf32>,
          tpu.vector_store %arg11[%swap3A_472], %while3A_389 {strides = array<i32>} : memref<40960xf32, #tpu.memory_space<vmem>>, vector<16xf32>,
        } else {
        }
        %select_n3A_416 = arith.select %eq3A_407, %while3A_381, %while3A_391 : i32
        %select_n3A_417 = arith.select %eq3A_407, %while3A_382, %broadcast_in_dim3A_104 : vector<16xf32>
        %select_n3A_418 = arith.select %eq3A_407, %while3A_383, %broadcast_in_dim3A_104 : vector<16xf32>
        %select_n3A_419 = arith.select %eq3A_407, %while3A_384, %broadcast_in_dim3A_104 : vector<16xf32>
        %select_n3A_420 = arith.select %eq3A_407, %while3A_385, %broadcast_in_dim3A_104 : vector<16xf32>
        %select_n3A_421 = arith.select %eq3A_407, %while3A_386, %broadcast_in_dim3A_104 : vector<16xf32>
        %select_n3A_422 = arith.select %eq3A_407, %while3A_387, %broadcast_in_dim3A_104 : vector<16xf32>
        %select_n3A_423 = arith.select %eq3A_407, %while3A_388, %broadcast_in_dim3A_104 : vector<16xf32>
        %select_n3A_424 = arith.select %eq3A_407, %while3A_389, %broadcast_in_dim3A_104 : vector<16xf32>
        %parallel_loop3A = arith.constant 1 : i32
        %parallel_loop3A_425:8 = scf.for %parallel_loop3A_426 = %while3A_390 to %select_n3A_402 step %parallel_loop3A iter_args(%parallel_loop3A_427 = %select_n3A_417, %parallel_loop3A_428 = %select_n3A_418, %parallel_loop3A_429 = %select_n3A_419, %parallel_loop3A_430 = %select_n3A_420, %parallel_loop3A_431 = %select_n3A_421, %parallel_loop3A_432 = %select_n3A_422, %parallel_loop3A_433 = %select_n3A_423, %parallel_loop3A_434 = %select_n3A_424) -> (vector<16xf32>, vector<16xf32>, vector<16xf32>, vector<16xf32>, vector<16xf32>, vector<16xf32>, vector<16xf32>, vector<16xf32>)  : i32 {
          %parallel_loop3A_435 = arith.addi %sub3A_209, %parallel_loop3A_426 : i32
          %parallel_loop3A_436 = arith.constant 128 : i32
          %parallel_loop3A_437 = arith.muli %parallel_loop3A_435, %parallel_loop3A_436 : i32
          %parallel_loop3A_438 = arith.constant 0 : i32
          %parallel_loop3A_439 = arith.addi %parallel_loop3A_437, %parallel_loop3A_438 : i32
          %parallel_loop3A_440 = arith.index_cast %parallel_loop3A_439 : i32 to index
          %parallel_loop3A_441 = tpu.vector_load %arg7[%parallel_loop3A_440] {strides = array<i32>} : memref<40960xf32, #tpu.memory_space<vmem>>, vector<16xf32>,
          %parallel_loop3A_442 = arith.maximumf %parallel_loop3A_427, %parallel_loop3A_441 : vector<16xf32>
          %parallel_loop3A_443 = arith.constant 16 : i32
          %parallel_loop3A_444 = arith.addi %parallel_loop3A_437, %parallel_loop3A_443 : i32
          %parallel_loop3A_445 = arith.index_cast %parallel_loop3A_444 : i32 to index
          %parallel_loop3A_446 = tpu.vector_load %arg7[%parallel_loop3A_445] {strides = array<i32>} : memref<40960xf32, #tpu.memory_space<vmem>>, vector<16xf32>,
          %parallel_loop3A_447 = arith.maximumf %parallel_loop3A_428, %parallel_loop3A_446 : vector<16xf32>
          %parallel_loop3A_448 = arith.constant 32 : i32
          %parallel_loop3A_449 = arith.addi %parallel_loop3A_437, %parallel_loop3A_448 : i32
          %parallel_loop3A_450 = arith.index_cast %parallel_loop3A_449 : i32 to index
          %parallel_loop3A_451 = tpu.vector_load %arg7[%parallel_loop3A_450] {strides = array<i32>} : memref<40960xf32, #tpu.memory_space<vmem>>, vector<16xf32>,
          %parallel_loop3A_452 = arith.maximumf %parallel_loop3A_429, %parallel_loop3A_451 : vector<16xf32>
          %parallel_loop3A_453 = arith.constant 48 : i32
          %parallel_loop3A_454 = arith.addi %parallel_loop3A_437, %parallel_loop3A_453 : i32
          %parallel_loop3A_455 = arith.index_cast %parallel_loop3A_454 : i32 to index
          %parallel_loop3A_456 = tpu.vector_load %arg7[%parallel_loop3A_455] {strides = array<i32>} : memref<40960xf32, #tpu.memory_space<vmem>>, vector<16xf32>,
          %parallel_loop3A_457 = arith.maximumf %parallel_loop3A_430, %parallel_loop3A_456 : vector<16xf32>
          %parallel_loop3A_458 = arith.constant 64 : i32
          %parallel_loop3A_459 = arith.addi %parallel_loop3A_437, %parallel_loop3A_458 : i32
          %parallel_loop3A_460 = arith.index_cast %parallel_loop3A_459 : i32 to index
          %parallel_loop3A_461 = tpu.vector_load %arg7[%parallel_loop3A_460] {strides = array<i32>} : memref<40960xf32, #tpu.memory_space<vmem>>, vector<16xf32>,
          %parallel_loop3A_462 = arith.maximumf %parallel_loop3A_431, %parallel_loop3A_461 : vector<16xf32>
          %parallel_loop3A_463 = arith.constant 80 : i32
          %parallel_loop3A_464 = arith.addi %parallel_loop3A_437, %parallel_loop3A_463 : i32
          %parallel_loop3A_465 = arith.index_cast %parallel_loop3A_464 : i32 to index
          %parallel_loop3A_466 = tpu.vector_load %arg7[%parallel_loop3A_465] {strides = array<i32>} : memref<40960xf32, #tpu.memory_space<vmem>>, vector<16xf32>,
          %parallel_loop3A_467 = arith.maximumf %parallel_loop3A_432, %parallel_loop3A_466 : vector<16xf32>
          %parallel_loop3A_468 = arith.constant 96 : i32
          %parallel_loop3A_469 = arith.addi %parallel_loop3A_437, %parallel_loop3A_468 : i32
          %parallel_loop3A_470 = arith.index_cast %parallel_loop3A_469 : i32 to index
          %parallel_loop3A_471 = tpu.vector_load %arg7[%parallel_loop3A_470] {strides = array<i32>} : memref<40960xf32, #tpu.memory_space<vmem>>, vector<16xf32>,
          %parallel_loop3A_472 = arith.maximumf %parallel_loop3A_433, %parallel_loop3A_471 : vector<16xf32>
          %parallel_loop3A_473 = arith.constant 112 : i32
          %parallel_loop3A_474 = arith.addi %parallel_loop3A_437, %parallel_loop3A_473 : i32
          %parallel_loop3A_475 = arith.index_cast %parallel_loop3A_474 : i32 to index
          %parallel_loop3A_476 = tpu.vector_load %arg7[%parallel_loop3A_475] {strides = array<i32>} : memref<40960xf32, #tpu.memory_space<vmem>>, vector<16xf32>,
          %parallel_loop3A_477 = arith.maximumf %parallel_loop3A_434, %parallel_loop3A_476 : vector<16xf32>
          scf.yield %parallel_loop3A_442, %parallel_loop3A_447, %parallel_loop3A_452, %parallel_loop3A_457, %parallel_loop3A_462, %parallel_loop3A_467, %parallel_loop3A_472, %parallel_loop3A_477 : vector<16xf32>, vector<16xf32>, vector<16xf32>, vector<16xf32>, vector<16xf32>, vector<16xf32>, vector<16xf32>, vector<16xf32>
        } {sc.loop_unroll_factor = 8 : i64, sc.parallel_access}
        scf.yield %select_n3A_416, %parallel_loop3A_425#0, %parallel_loop3A_425#1, %parallel_loop3A_425#2, %parallel_loop3A_425#3, %parallel_loop3A_425#4, %parallel_loop3A_425#5, %parallel_loop3A_425#6, %parallel_loop3A_425#7, %select_n3A_402, %squeeze3A_406 : i32, vector<16xf32>, vector<16xf32>, vector<16xf32>, vector<16xf32>, vector<16xf32>, vector<16xf32>, vector<16xf32>, vector<16xf32>, i32, i32
      }
      %while3A_271 = arith.constant 1 : i32
      %while3A_272:11 = scf.for %while3A_380 = %while3A_268 to %while3A_264 step %while3A_271 iter_args(%while3A_381 = %while3A_270#0, %while3A_382 = %while3A_270#1, %while3A_383 = %while3A_270#2, %while3A_384 = %while3A_270#3, %while3A_385 = %while3A_270#4, %while3A_386 = %while3A_270#5, %while3A_387 = %while3A_270#6, %while3A_388 = %while3A_270#7, %while3A_389 = %while3A_270#8, %while3A_390 = %while3A_270#9, %while3A_391 = %while3A_270#10) -> (i32, vector<16xf32>, vector<16xf32>, vector<16xf32>, vector<16xf32>, vector<16xf32>, vector<16xf32>, vector<16xf32>, vector<16xf32>, i32, i32)  : i32 {
        %sub3A_392 = arith.constant 1 : i32
        %sub3A_393 = arith.subi %squeeze3A_257, %sub3A_392 : i32
        %max3A_394 = arith.constant 0 : i32
        %max3A_395 = arith.maxsi %sub3A_393, %max3A_394 : i32
        %min3A_396 = arith.minsi %while3A_380, %max3A_395 : i32
        %lt3A_397 = arith.cmpi slt, %while3A_380, %squeeze3A_257 : i32
        %get3A_398 = arith.index_cast %min3A_396 : i32 to index
        %get3A_399 = tpu.vector_load %arg12[%get3A_398] {strides = array<i32>} : memref<336xi32, #tpu.memory_space<vmem>>, vector<16xi32>,
        %slice3A_400 = vector.extract_strided_slice %get3A_399 {offsets = [0], sizes = [1], strides = [1]} : vector<16xi32> to vector<1xi32>
        %squeeze3A_401 = vector.extract %slice3A_400[0] : i32 from vector<1xi32>
        %select_n3A_402 = arith.select %lt3A_397, %squeeze3A_401, %max3A_213 : i32
        %get3A_403 = arith.index_cast %min3A_396 : i32 to index
        %get3A_404 = tpu.vector_load %arg13[%get3A_403] {strides = array<i32>} : memref<336xi32, #tpu.memory_space<vmem>>, vector<16xi32>,
        %slice3A_405 = vector.extract_strided_slice %get3A_404 {offsets = [0], sizes = [1], strides = [1]} : vector<16xi32> to vector<1xi32>
        %squeeze3A_406 = vector.extract %slice3A_405[0] : i32 from vector<1xi32>
        %eq3A = arith.constant 0 : i32
        %eq3A_407 = arith.cmpi eq, %while3A_380, %eq3A : i32
        %sub3A_408 = arith.subi %while3A_381, %mul3A_2 : i32
        %lt3A_409 = arith.constant 320 : i32
        %lt3A_410 = arith.cmpi ult, %sub3A_408, %lt3A_409 : i32
        %not3A = arith.constant true
        %not3A_411 = arith.xori %eq3A_407, %not3A : i1
        %and3A_412 = arith.andi %not3A_411, %lt3A_410 : i1
        %convert_element_type3A_413 = arith.extui %and3A_412 : i1 to i32
        %cond3A_414 = arith.constant 0 : i32
        %cond3A_415 = arith.cmpi ne, %convert_element_type3A_413, %cond3A_414 : i32
        scf.if %cond3A_415 {
          %sub3A_426 = arith.subi %while3A_381, %mul3A_2 : i32
          %mul3A_427 = arith.constant 128 : i32
          %mul3A_428 = arith.muli %sub3A_426, %mul3A_427 : i32
          %add3A_429 = arith.constant 0 : i32
          %add3A_430 = arith.addi %mul3A_428, %add3A_429 : i32
          %swap3A = arith.index_cast %add3A_430 : i32 to index
          %swap3A_431 = tpu.vector_load %arg11[%swap3A] {strides = array<i32>} : memref<40960xf32, #tpu.memory_space<vmem>>, vector<16xf32>,
          tpu.vector_store %arg11[%swap3A], %while3A_382 {strides = array<i32>} : memref<40960xf32, #tpu.memory_space<vmem>>, vector<16xf32>,
          %mul3A_432 = arith.constant 128 : i32
          %mul3A_433 = arith.muli %sub3A_426, %mul3A_432 : i32
          %add3A_434 = arith.constant 16 : i32
          %add3A_435 = arith.addi %mul3A_433, %add3A_434 : i32
          %swap3A_436 = arith.index_cast %add3A_435 : i32 to index
          %swap3A_437 = tpu.vector_load %arg11[%swap3A_436] {strides = array<i32>} : memref<40960xf32, #tpu.memory_space<vmem>>, vector<16xf32>,
          tpu.vector_store %arg11[%swap3A_436], %while3A_383 {strides = array<i32>} : memref<40960xf32, #tpu.memory_space<vmem>>, vector<16xf32>,
          %mul3A_438 = arith.constant 128 : i32
          %mul3A_439 = arith.muli %sub3A_426, %mul3A_438 : i32
          %add3A_440 = arith.constant 32 : i32
          %add3A_441 = arith.addi %mul3A_439, %add3A_440 : i32
          %swap3A_442 = arith.index_cast %add3A_441 : i32 to index
          %swap3A_443 = tpu.vector_load %arg11[%swap3A_442] {strides = array<i32>} : memref<40960xf32, #tpu.memory_space<vmem>>, vector<16xf32>,
          tpu.vector_store %arg11[%swap3A_442], %while3A_384 {strides = array<i32>} : memref<40960xf32, #tpu.memory_space<vmem>>, vector<16xf32>,
          %mul3A_444 = arith.constant 128 : i32
          %mul3A_445 = arith.muli %sub3A_426, %mul3A_444 : i32
          %add3A_446 = arith.constant 48 : i32
          %add3A_447 = arith.addi %mul3A_445, %add3A_446 : i32
          %swap3A_448 = arith.index_cast %add3A_447 : i32 to index
          %swap3A_449 = tpu.vector_load %arg11[%swap3A_448] {strides = array<i32>} : memref<40960xf32, #tpu.memory_space<vmem>>, vector<16xf32>,
          tpu.vector_store %arg11[%swap3A_448], %while3A_385 {strides = array<i32>} : memref<40960xf32, #tpu.memory_space<vmem>>, vector<16xf32>,
          %mul3A_450 = arith.constant 128 : i32
          %mul3A_451 = arith.muli %sub3A_426, %mul3A_450 : i32
          %add3A_452 = arith.constant 64 : i32
          %add3A_453 = arith.addi %mul3A_451, %add3A_452 : i32
          %swap3A_454 = arith.index_cast %add3A_453 : i32 to index
          %swap3A_455 = tpu.vector_load %arg11[%swap3A_454] {strides = array<i32>} : memref<40960xf32, #tpu.memory_space<vmem>>, vector<16xf32>,
          tpu.vector_store %arg11[%swap3A_454], %while3A_386 {strides = array<i32>} : memref<40960xf32, #tpu.memory_space<vmem>>, vector<16xf32>,
          %mul3A_456 = arith.constant 128 : i32
          %mul3A_457 = arith.muli %sub3A_426, %mul3A_456 : i32
          %add3A_458 = arith.constant 80 : i32
          %add3A_459 = arith.addi %mul3A_457, %add3A_458 : i32
          %swap3A_460 = arith.index_cast %add3A_459 : i32 to index
          %swap3A_461 = tpu.vector_load %arg11[%swap3A_460] {strides = array<i32>} : memref<40960xf32, #tpu.memory_space<vmem>>, vector<16xf32>,
          tpu.vector_store %arg11[%swap3A_460], %while3A_387 {strides = array<i32>} : memref<40960xf32, #tpu.memory_space<vmem>>, vector<16xf32>,
          %mul3A_462 = arith.constant 128 : i32
          %mul3A_463 = arith.muli %sub3A_426, %mul3A_462 : i32
          %add3A_464 = arith.constant 96 : i32
          %add3A_465 = arith.addi %mul3A_463, %add3A_464 : i32
          %swap3A_466 = arith.index_cast %add3A_465 : i32 to index
          %swap3A_467 = tpu.vector_load %arg11[%swap3A_466] {strides = array<i32>} : memref<40960xf32, #tpu.memory_space<vmem>>, vector<16xf32>,
          tpu.vector_store %arg11[%swap3A_466], %while3A_388 {strides = array<i32>} : memref<40960xf32, #tpu.memory_space<vmem>>, vector<16xf32>,
          %mul3A_468 = arith.constant 128 : i32
          %mul3A_469 = arith.muli %sub3A_426, %mul3A_468 : i32
          %add3A_470 = arith.constant 112 : i32
          %add3A_471 = arith.addi %mul3A_469, %add3A_470 : i32
          %swap3A_472 = arith.index_cast %add3A_471 : i32 to index
          %swap3A_473 = tpu.vector_load %arg11[%swap3A_472] {strides = array<i32>} : memref<40960xf32, #tpu.memory_space<vmem>>, vector<16xf32>,
          tpu.vector_store %arg11[%swap3A_472], %while3A_389 {strides = array<i32>} : memref<40960xf32, #tpu.memory_space<vmem>>, vector<16xf32>,
        } else {
        }
        %select_n3A_416 = arith.select %eq3A_407, %while3A_381, %while3A_391 : i32
        %select_n3A_417 = arith.select %eq3A_407, %while3A_382, %broadcast_in_dim3A_104 : vector<16xf32>
        %select_n3A_418 = arith.select %eq3A_407, %while3A_383, %broadcast_in_dim3A_104 : vector<16xf32>
        %select_n3A_419 = arith.select %eq3A_407, %while3A_384, %broadcast_in_dim3A_104 : vector<16xf32>
        %select_n3A_420 = arith.select %eq3A_407, %while3A_385, %broadcast_in_dim3A_104 : vector<16xf32>
        %select_n3A_421 = arith.select %eq3A_407, %while3A_386, %broadcast_in_dim3A_104 : vector<16xf32>
        %select_n3A_422 = arith.select %eq3A_407, %while3A_387, %broadcast_in_dim3A_104 : vector<16xf32>
        %select_n3A_423 = arith.select %eq3A_407, %while3A_388, %broadcast_in_dim3A_104 : vector<16xf32>
        %select_n3A_424 = arith.select %eq3A_407, %while3A_389, %broadcast_in_dim3A_104 : vector<16xf32>
        %parallel_loop3A = arith.constant 1 : i32
        %parallel_loop3A_425:8 = scf.for %parallel_loop3A_426 = %while3A_390 to %select_n3A_402 step %parallel_loop3A iter_args(%parallel_loop3A_427 = %select_n3A_417, %parallel_loop3A_428 = %select_n3A_418, %parallel_loop3A_429 = %select_n3A_419, %parallel_loop3A_430 = %select_n3A_420, %parallel_loop3A_431 = %select_n3A_421, %parallel_loop3A_432 = %select_n3A_422, %parallel_loop3A_433 = %select_n3A_423, %parallel_loop3A_434 = %select_n3A_424) -> (vector<16xf32>, vector<16xf32>, vector<16xf32>, vector<16xf32>, vector<16xf32>, vector<16xf32>, vector<16xf32>, vector<16xf32>)  : i32 {
          %parallel_loop3A_435 = arith.addi %sub3A_209, %parallel_loop3A_426 : i32
          %parallel_loop3A_436 = arith.constant 128 : i32
          %parallel_loop3A_437 = arith.muli %parallel_loop3A_435, %parallel_loop3A_436 : i32
          %parallel_loop3A_438 = arith.constant 0 : i32
          %parallel_loop3A_439 = arith.addi %parallel_loop3A_437, %parallel_loop3A_438 : i32
          %parallel_loop3A_440 = arith.index_cast %parallel_loop3A_439 : i32 to index
          %parallel_loop3A_441 = tpu.vector_load %arg7[%parallel_loop3A_440] {strides = array<i32>} : memref<40960xf32, #tpu.memory_space<vmem>>, vector<16xf32>,
          %parallel_loop3A_442 = arith.maximumf %parallel_loop3A_427, %parallel_loop3A_441 : vector<16xf32>
          %parallel_loop3A_443 = arith.constant 16 : i32
          %parallel_loop3A_444 = arith.addi %parallel_loop3A_437, %parallel_loop3A_443 : i32
          %parallel_loop3A_445 = arith.index_cast %parallel_loop3A_444 : i32 to index
          %parallel_loop3A_446 = tpu.vector_load %arg7[%parallel_loop3A_445] {strides = array<i32>} : memref<40960xf32, #tpu.memory_space<vmem>>, vector<16xf32>,
          %parallel_loop3A_447 = arith.maximumf %parallel_loop3A_428, %parallel_loop3A_446 : vector<16xf32>
          %parallel_loop3A_448 = arith.constant 32 : i32
          %parallel_loop3A_449 = arith.addi %parallel_loop3A_437, %parallel_loop3A_448 : i32
          %parallel_loop3A_450 = arith.index_cast %parallel_loop3A_449 : i32 to index
          %parallel_loop3A_451 = tpu.vector_load %arg7[%parallel_loop3A_450] {strides = array<i32>} : memref<40960xf32, #tpu.memory_space<vmem>>, vector<16xf32>,
          %parallel_loop3A_452 = arith.maximumf %parallel_loop3A_429, %parallel_loop3A_451 : vector<16xf32>
          %parallel_loop3A_453 = arith.constant 48 : i32
          %parallel_loop3A_454 = arith.addi %parallel_loop3A_437, %parallel_loop3A_453 : i32
          %parallel_loop3A_455 = arith.index_cast %parallel_loop3A_454 : i32 to index
          %parallel_loop3A_456 = tpu.vector_load %arg7[%parallel_loop3A_455] {strides = array<i32>} : memref<40960xf32, #tpu.memory_space<vmem>>, vector<16xf32>,
          %parallel_loop3A_457 = arith.maximumf %parallel_loop3A_430, %parallel_loop3A_456 : vector<16xf32>
          %parallel_loop3A_458 = arith.constant 64 : i32
          %parallel_loop3A_459 = arith.addi %parallel_loop3A_437, %parallel_loop3A_458 : i32
          %parallel_loop3A_460 = arith.index_cast %parallel_loop3A_459 : i32 to index
          %parallel_loop3A_461 = tpu.vector_load %arg7[%parallel_loop3A_460] {strides = array<i32>} : memref<40960xf32, #tpu.memory_space<vmem>>, vector<16xf32>,
          %parallel_loop3A_462 = arith.maximumf %parallel_loop3A_431, %parallel_loop3A_461 : vector<16xf32>
          %parallel_loop3A_463 = arith.constant 80 : i32
          %parallel_loop3A_464 = arith.addi %parallel_loop3A_437, %parallel_loop3A_463 : i32
          %parallel_loop3A_465 = arith.index_cast %parallel_loop3A_464 : i32 to index
          %parallel_loop3A_466 = tpu.vector_load %arg7[%parallel_loop3A_465] {strides = array<i32>} : memref<40960xf32, #tpu.memory_space<vmem>>, vector<16xf32>,
          %parallel_loop3A_467 = arith.maximumf %parallel_loop3A_432, %parallel_loop3A_466 : vector<16xf32>
          %parallel_loop3A_468 = arith.constant 96 : i32
          %parallel_loop3A_469 = arith.addi %parallel_loop3A_437, %parallel_loop3A_468 : i32
          %parallel_loop3A_470 = arith.index_cast %parallel_loop3A_469 : i32 to index
          %parallel_loop3A_471 = tpu.vector_load %arg7[%parallel_loop3A_470] {strides = array<i32>} : memref<40960xf32, #tpu.memory_space<vmem>>, vector<16xf32>,
          %parallel_loop3A_472 = arith.maximumf %parallel_loop3A_433, %parallel_loop3A_471 : vector<16xf32>
          %parallel_loop3A_473 = arith.constant 112 : i32
          %parallel_loop3A_474 = arith.addi %parallel_loop3A_437, %parallel_loop3A_473 : i32
          %parallel_loop3A_475 = arith.index_cast %parallel_loop3A_474 : i32 to index
          %parallel_loop3A_476 = tpu.vector_load %arg7[%parallel_loop3A_475] {strides = array<i32>} : memref<40960xf32, #tpu.memory_space<vmem>>, vector<16xf32>,
          %parallel_loop3A_477 = arith.maximumf %parallel_loop3A_434, %parallel_loop3A_476 : vector<16xf32>
          scf.yield %parallel_loop3A_442, %parallel_loop3A_447, %parallel_loop3A_452, %parallel_loop3A_457, %parallel_loop3A_462, %parallel_loop3A_467, %parallel_loop3A_472, %parallel_loop3A_477 : vector<16xf32>, vector<16xf32>, vector<16xf32>, vector<16xf32>, vector<16xf32>, vector<16xf32>, vector<16xf32>, vector<16xf32>
        } {sc.loop_unroll_factor = 8 : i64, sc.parallel_access}
        scf.yield %select_n3A_416, %parallel_loop3A_425#0, %parallel_loop3A_425#1, %parallel_loop3A_425#2, %parallel_loop3A_425#3, %parallel_loop3A_425#4, %parallel_loop3A_425#5, %parallel_loop3A_425#6, %parallel_loop3A_425#7, %select_n3A_402, %squeeze3A_406 : i32, vector<16xf32>, vector<16xf32>, vector<16xf32>, vector<16xf32>, vector<16xf32>, vector<16xf32>, vector<16xf32>, vector<16xf32>, i32, i32
      }
      %add3A_273 = arith.constant 0 : i32
      %add3A_274 = arith.addi %mul3A_194, %add3A_273 : i32
      %add3A_275 = arith.constant 2 : i32
      %add3A_276 = arith.addi %add3A_274, %add3A_275 : i32
      %mul3A_277 = arith.constant 320 : i32
      %mul3A_278 = arith.muli %add3A_276, %mul3A_277 : i32
      %add3A_279 = arith.addi %multiple_of3A, %mul3A_278 : i32
      %min3A_280 = arith.constant 319680 : i32
      %min3A_281 = arith.minsi %add3A_279, %min3A_280 : i32
      %multiple_of3A_282 = tpu.assume_multiple %min3A_281, 16 : i32
      %lt3A_283 = arith.cmpi slt, %add3A_276, %select_n3A_94 : i32
      %convert_element_type3A_284 = arith.extui %lt3A_283 : i1 to i32
      %cond3A_285 = arith.constant 0 : i32
      %cond3A_286 = arith.cmpi ne, %convert_element_type3A_284, %cond3A_285 : i32
      scf.if %cond3A_286 {
        %mul3A_380 = arith.constant 128 : i32
        %mul3A_381 = arith.muli %multiple_of3A_282, %mul3A_380 : i32
        %dma_start3A = tpu.memref_slice %arg2[%mul3A_381] : memref<40960000xf32, #tpu.memory_space<hbm>> -> memref<40960xf32, #tpu.memory_space<hbm>>
        %dma_start3A_382 = tpu.memref_slice %arg2[%mul3A_381] : memref<40960000xf32, #tpu.memory_space<hbm>> -> memref<40960xf32, #tpu.memory_space<hbm>>
        tpu.enqueue_dma source(%dma_start3A_382 : memref<40960xf32, #tpu.memory_space<hbm>>) target(%arg7 : memref<40960xf32, #tpu.memory_space<vmem>>) target_semaphore(%arg14 : memref<!tpu.dma_semaphore, #tpu.memory_space<semaphore_mem>>)
        %dma_start3A_383 = tpu.memref_slice %arg3[%multiple_of3A_282] : memref<320000xi32, #tpu.memory_space<hbm>> -> memref<320xi32, #tpu.memory_space<hbm>>
        %dma_start3A_384 = tpu.memref_slice %arg3[%multiple_of3A_282] : memref<320000xi32, #tpu.memory_space<hbm>> -> memref<320xi32, #tpu.memory_space<hbm>>
        tpu.enqueue_dma source(%dma_start3A_384 : memref<320xi32, #tpu.memory_space<hbm>>) target(%arg9 : memref<320xi32, #tpu.memory_space<vmem>>) target_semaphore(%arg14 : memref<!tpu.dma_semaphore, #tpu.memory_space<semaphore_mem>>)
      } else {
      }
      %add3A_287 = arith.constant 1 : i32
      %add3A_288 = arith.addi %mul3A_194, %add3A_287 : i32
      %lt3A_289 = arith.cmpi slt, %add3A_288, %select_n3A_94 : i32
      %convert_element_type3A_290 = arith.extui %lt3A_289 : i1 to i32
      %cond3A_291 = arith.constant 0 : i32
      %cond3A_292 = arith.cmpi ne, %convert_element_type3A_290, %cond3A_291 : i32
      scf.if %cond3A_292 {
        %dma_wait3A = arith.constant 0 : i32
        %dma_wait3A_380 = tpu.memref_slice %arg2[%dma_wait3A] : memref<40960000xf32, #tpu.memory_space<hbm>> -> memref<40960xf32, #tpu.memory_space<hbm>>
        %dma_wait3A_381 = arith.constant 0 : i32
        %dma_wait3A_382 = tpu.memref_slice %arg2[%dma_wait3A_381] : memref<40960000xf32, #tpu.memory_space<hbm>> -> memref<40960xf32, #tpu.memory_space<hbm>>
        tpu.wait_dma2 semaphore(%arg15 : memref<!tpu.dma_semaphore, #tpu.memory_space<semaphore_mem>>) src(%dma_wait3A_382 : memref<40960xf32, #tpu.memory_space<hbm>>) dst(%arg8 : memref<40960xf32, #tpu.memory_space<vmem>>)
        %dma_wait3A_383 = arith.constant 0 : i32
        %dma_wait3A_384 = tpu.memref_slice %arg3[%dma_wait3A_383] : memref<320000xi32, #tpu.memory_space<hbm>> -> memref<320xi32, #tpu.memory_space<hbm>>
        %dma_wait3A_385 = arith.constant 0 : i32
        %dma_wait3A_386 = tpu.memref_slice %arg3[%dma_wait3A_385] : memref<320000xi32, #tpu.memory_space<hbm>> -> memref<320xi32, #tpu.memory_space<hbm>>
        tpu.wait_dma2 semaphore(%arg15 : memref<!tpu.dma_semaphore, #tpu.memory_space<semaphore_mem>>) src(%dma_wait3A_386 : memref<320xi32, #tpu.memory_space<hbm>>) dst(%arg10 : memref<320xi32, #tpu.memory_space<vmem>>)
      } else {
      }
      %add3A_293 = arith.constant 1 : i32
      %add3A_294 = arith.addi %mul3A_194, %add3A_293 : i32
      %mul3A_295 = arith.constant 320 : i32
      %mul3A_296 = arith.muli %add3A_294, %mul3A_295 : i32
      %add3A_297 = arith.addi %multiple_of3A, %mul3A_296 : i32
      %min3A_298 = arith.constant 319680 : i32
      %min3A_299 = arith.minsi %add3A_297, %min3A_298 : i32
      %multiple_of3A_300 = tpu.assume_multiple %min3A_299, 16 : i32
      %sub3A_301 = arith.subi %add3A_297, %multiple_of3A_300 : i32
      %sub3A_302 = arith.subi %multiple_of3A_65, %add3A_297 : i32
      %min3A_303 = arith.constant 320 : i32
      %min3A_304 = arith.minsi %min3A_303, %sub3A_302 : i32
      %max3A_305 = arith.constant 0 : i32
      %max3A_306 = arith.maxsi %min3A_304, %max3A_305 : i32
      %jit3A_307 = arith.constant 16 : i32
      %div3A_308 = arith.divsi %max3A_306, %jit3A_307 : i32
      %sign3A_309 = arith.constant 0 : i32
      %sign3A_310 = arith.cmpi sgt, %max3A_306, %sign3A_309 : i32
      %sign3A_311 = arith.extui %sign3A_310 : i1 to i32
      %sign3A_312 = arith.constant 0 : i32
      %sign3A_313 = arith.cmpi slt, %max3A_306, %sign3A_312 : i32
      %sign3A_314 = arith.extui %sign3A_313 : i1 to i32
      %sign3A_315 = arith.subi %sign3A_311, %sign3A_314 : i32
      %sign3A_316 = arith.constant 0 : i32
      %sign3A_317 = arith.cmpi sgt, %jit3A_307, %sign3A_316 : i32
      %sign3A_318 = arith.extui %sign3A_317 : i1 to i32
      %sign3A_319 = arith.constant 0 : i32
      %sign3A_320 = arith.cmpi slt, %jit3A_307, %sign3A_319 : i32
      %sign3A_321 = arith.extui %sign3A_320 : i1 to i32
      %sign3A_322 = arith.subi %sign3A_318, %sign3A_321 : i32
      %ne3A_323 = arith.cmpi ne, %sign3A_315, %sign3A_322 : i32
      %rem3A_324 = arith.remsi %max3A_306, %jit3A_307 : i32
      %ne3A_325 = arith.constant 0 : i32
      %ne3A_326 = arith.cmpi ne, %rem3A_324, %ne3A_325 : i32
      %and3A_327 = arith.andi %ne3A_323, %ne3A_326 : i1
      %sub3A_328 = arith.constant 1 : i32
      %sub3A_329 = arith.subi %div3A_308, %sub3A_328 : i32
      %select_n3A_330 = arith.select %and3A_327, %sub3A_329, %div3A_308 : i32
      %broadcast_in_dim3A_331 = arith.constant 1 : i32
      %broadcast_in_dim3A_332 = vector.broadcast %broadcast_in_dim3A_331 : i32 to vector<16xi32>
      %broadcast_in_dim3A_333 = arith.constant 0 : i32
      %broadcast_in_dim3A_334 = vector.broadcast %broadcast_in_dim3A_333 : i32 to vector<16xi32>
      %broadcast_in_dim3A_335 = arith.constant 0 : i32
      %broadcast_in_dim3A_336 = vector.broadcast %broadcast_in_dim3A_335 : i32 to vector<16xi32>
      %broadcast_in_dim3A_337 = vector.broadcast %while3A_272#0 : i32 to vector<16xi32>
      %while3A_338 = arith.constant 0 : i32
      %while3A_339 = arith.subi %select_n3A_330, %while3A_338 : i32
      %while3A_340 = arith.addi %while3A_338, %while3A_339 : i32
      %while3A_341 = arith.constant 1 : i32
      %while3A_342 = arith.divsi %while3A_339, %while3A_341 : i32
      %while3A_343 = arith.muli %while3A_342, %while3A_341 : i32
      %while3A_344 = arith.addi %while3A_338, %while3A_343 : i32
      %while3A_345 = arith.constant 1 : i32
      %while3A_346:2 = scf.for %while3A_380 = %while3A_338 to %while3A_344 step %while3A_345 iter_args(%while3A_381 = %broadcast_in_dim3A_336, %while3A_382 = %broadcast_in_dim3A_337) -> (vector<16xi32>, vector<16xi32>)  : i32 {
        %mul3A_383 = arith.constant 16 : i32
        %mul3A_384 = arith.muli %while3A_380, %mul3A_383 : i32
        %add3A_385 = arith.addi %sub3A_301, %mul3A_384 : i32
        %get3A_386 = arith.index_cast %add3A_385 : i32 to index
        %get3A_387 = tpu.vector_load %arg10[%get3A_386] {strides = array<i32>} : memref<320xi32, #tpu.memory_space<vmem>>, vector<16xi32>,
        %eq3A = arith.constant 0 : i32
        %eq3A_388 = vector.broadcast %eq3A : i32 to vector<16xi32>
        %eq3A_389 = arith.cmpi eq, %iota3A, %eq3A_388 : vector<16xi32>
        %broadcast_in_dim3A_390 = vector.shape_cast %and3A_100 : vector<16xi32> to vector<16x1xi32>
        %gather3A = vector.shape_cast %broadcast_in_dim3A_390 : vector<16x1xi32> to vector<16xi32>
        %gather3A_391 = tpu.dynamic_gather %get3A_387[%gather3A] in [0] : vector<16xi32>, vector<16xi32> -> vector<16xi32>
        %select_n3A_392 = arith.select %eq3A_389, %while3A_382, %gather3A_391 : vector<16xi1>, vector<16xi32>
        %ne3A_393 = arith.cmpi ne, %get3A_387, %select_n3A_392 : vector<16xi32>
        %select_n3A_394 = arith.select %ne3A_393, %broadcast_in_dim3A_332, %broadcast_in_dim3A_334 : vector<16xi1>, vector<16xi32>
        %broadcast_in_dim3A_395 = arith.constant true
        %broadcast_in_dim3A_396 = vector.broadcast %broadcast_in_dim3A_395 : i1 to vector<16xi1>
        %masked_cumsum3A = tpu.scan <sum>, %select_n3A_394 masked %broadcast_in_dim3A_396 : vector<16xi32>, vector<16xi1> -> vector<16xi32>
        %add3A_397 = arith.addi %while3A_381, %masked_cumsum3A : vector<16xi32>
        %sub3A_398 = arith.constant 1 : i32
        %sub3A_399 = vector.broadcast %sub3A_398 : i32 to vector<16xi32>
        %sub3A_400 = arith.subi %add3A_397, %sub3A_399 : vector<16xi32>
        %mul3A_401 = arith.constant 16 : i32
        %mul3A_402 = arith.muli %while3A_380, %mul3A_401 : i32
        %add3A_403 = vector.broadcast %mul3A_402 : i32 to vector<16xi32>
        %add3A_404 = arith.addi %add3A_403, %iota3A : vector<16xi32>
        tpu.vector_store_idx %arg12[%sub3A_400], %add3A_404 masked %ne3A_393 : memref<336xi32, #tpu.memory_space<vmem>>[vector<16xi32>], vector<16xi32>, vector<16xi1>
        tpu.vector_store_idx %arg13[%sub3A_400], %get3A_387 masked %ne3A_393 : memref<336xi32, #tpu.memory_space<vmem>>[vector<16xi32>], vector<16xi32>, vector<16xi1>
        %broadcast_in_dim3A_405 = vector.shape_cast %broadcast_in_dim3A_102 : vector<16xi32> to vector<16x1xi32>
        %gather3A_406 = vector.shape_cast %broadcast_in_dim3A_405 : vector<16x1xi32> to vector<16xi32>
        %gather3A_407 = tpu.dynamic_gather %masked_cumsum3A[%gather3A_406] in [0] : vector<16xi32>, vector<16xi32> -> vector<16xi32>
        %add3A_408 = arith.addi %while3A_381, %gather3A_407 : vector<16xi32>
        %broadcast_in_dim3A_409 = vector.shape_cast %broadcast_in_dim3A_102 : vector<16xi32> to vector<16x1xi32>
        %gather3A_410 = vector.shape_cast %broadcast_in_dim3A_409 : vector<16x1xi32> to vector<16xi32>
        %gather3A_411 = tpu.dynamic_gather %get3A_387[%gather3A_410] in [0] : vector<16xi32>, vector<16xi32> -> vector<16xi32>
        scf.yield %add3A_408, %gather3A_411 : vector<16xi32>, vector<16xi32>
      }
      %while3A_347 = arith.constant 1 : i32
      %while3A_348:2 = scf.for %while3A_380 = %while3A_344 to %while3A_340 step %while3A_347 iter_args(%while3A_381 = %while3A_346#0, %while3A_382 = %while3A_346#1) -> (vector<16xi32>, vector<16xi32>)  : i32 {
        %mul3A_383 = arith.constant 16 : i32
        %mul3A_384 = arith.muli %while3A_380, %mul3A_383 : i32
        %add3A_385 = arith.addi %sub3A_301, %mul3A_384 : i32
        %get3A_386 = arith.index_cast %add3A_385 : i32 to index
        %get3A_387 = tpu.vector_load %arg10[%get3A_386] {strides = array<i32>} : memref<320xi32, #tpu.memory_space<vmem>>, vector<16xi32>,
        %eq3A = arith.constant 0 : i32
        %eq3A_388 = vector.broadcast %eq3A : i32 to vector<16xi32>
        %eq3A_389 = arith.cmpi eq, %iota3A, %eq3A_388 : vector<16xi32>
        %broadcast_in_dim3A_390 = vector.shape_cast %and3A_100 : vector<16xi32> to vector<16x1xi32>
        %gather3A = vector.shape_cast %broadcast_in_dim3A_390 : vector<16x1xi32> to vector<16xi32>
        %gather3A_391 = tpu.dynamic_gather %get3A_387[%gather3A] in [0] : vector<16xi32>, vector<16xi32> -> vector<16xi32>
        %select_n3A_392 = arith.select %eq3A_389, %while3A_382, %gather3A_391 : vector<16xi1>, vector<16xi32>
        %ne3A_393 = arith.cmpi ne, %get3A_387, %select_n3A_392 : vector<16xi32>
        %select_n3A_394 = arith.select %ne3A_393, %broadcast_in_dim3A_332, %broadcast_in_dim3A_334 : vector<16xi1>, vector<16xi32>
        %broadcast_in_dim3A_395 = arith.constant true
        %broadcast_in_dim3A_396 = vector.broadcast %broadcast_in_dim3A_395 : i1 to vector<16xi1>
        %masked_cumsum3A = tpu.scan <sum>, %select_n3A_394 masked %broadcast_in_dim3A_396 : vector<16xi32>, vector<16xi1> -> vector<16xi32>
        %add3A_397 = arith.addi %while3A_381, %masked_cumsum3A : vector<16xi32>
        %sub3A_398 = arith.constant 1 : i32
        %sub3A_399 = vector.broadcast %sub3A_398 : i32 to vector<16xi32>
        %sub3A_400 = arith.subi %add3A_397, %sub3A_399 : vector<16xi32>
        %mul3A_401 = arith.constant 16 : i32
        %mul3A_402 = arith.muli %while3A_380, %mul3A_401 : i32
        %add3A_403 = vector.broadcast %mul3A_402 : i32 to vector<16xi32>
        %add3A_404 = arith.addi %add3A_403, %iota3A : vector<16xi32>
        tpu.vector_store_idx %arg12[%sub3A_400], %add3A_404 masked %ne3A_393 : memref<336xi32, #tpu.memory_space<vmem>>[vector<16xi32>], vector<16xi32>, vector<16xi1>
        tpu.vector_store_idx %arg13[%sub3A_400], %get3A_387 masked %ne3A_393 : memref<336xi32, #tpu.memory_space<vmem>>[vector<16xi32>], vector<16xi32>, vector<16xi1>
        %broadcast_in_dim3A_405 = vector.shape_cast %broadcast_in_dim3A_102 : vector<16xi32> to vector<16x1xi32>
        %gather3A_406 = vector.shape_cast %broadcast_in_dim3A_405 : vector<16x1xi32> to vector<16xi32>
        %gather3A_407 = tpu.dynamic_gather %masked_cumsum3A[%gather3A_406] in [0] : vector<16xi32>, vector<16xi32> -> vector<16xi32>
        %add3A_408 = arith.addi %while3A_381, %gather3A_407 : vector<16xi32>
        %broadcast_in_dim3A_409 = vector.shape_cast %broadcast_in_dim3A_102 : vector<16xi32> to vector<16x1xi32>
        %gather3A_410 = vector.shape_cast %broadcast_in_dim3A_409 : vector<16x1xi32> to vector<16xi32>
        %gather3A_411 = tpu.dynamic_gather %get3A_387[%gather3A_410] in [0] : vector<16xi32>, vector<16xi32> -> vector<16xi32>
        scf.yield %add3A_408, %gather3A_411 : vector<16xi32>, vector<16xi32>
      }
      %slice3A_349 = vector.extract_strided_slice %while3A_348#0 {offsets = [0], sizes = [1], strides = [1]} : vector<16xi32> to vector<1xi32>
      %squeeze3A_350 = vector.extract %slice3A_349[0] : i32 from vector<1xi32>
      %add3A_351 = arith.constant 1 : i32
      %add3A_352 = arith.addi %squeeze3A_350, %add3A_351 : i32
      %while3A_353 = arith.constant 0 : i32
      %while3A_354 = arith.constant 0 : i32
      %while3A_355 = arith.constant 0 : i32
      %while3A_356 = arith.subi %add3A_352, %while3A_353 : i32
      %while3A_357 = arith.addi %while3A_353, %while3A_356 : i32
      %while3A_358 = arith.constant 1 : i32
      %while3A_359 = arith.divsi %while3A_356, %while3A_358 : i32
      %while3A_360 = arith.muli %while3A_359, %while3A_358 : i32
      %while3A_361 = arith.addi %while3A_353, %while3A_360 : i32
      %while3A_362 = arith.constant 1 : i32
      %while3A_363:11 = scf.for %while3A_380 = %while3A_353 to %while3A_361 step %while3A_362 iter_args(%while3A_381 = %while3A_272#0, %while3A_382 = %while3A_272#1, %while3A_383 = %while3A_272#2, %while3A_384 = %while3A_272#3, %while3A_385 = %while3A_272#4, %while3A_386 = %while3A_272#5, %while3A_387 = %while3A_272#6, %while3A_388 = %while3A_272#7, %while3A_389 = %while3A_272#8, %while3A_390 = %while3A_354, %while3A_391 = %while3A_355) -> (i32, vector<16xf32>, vector<16xf32>, vector<16xf32>, vector<16xf32>, vector<16xf32>, vector<16xf32>, vector<16xf32>, vector<16xf32>, i32, i32)  : i32 {
        %sub3A_392 = arith.constant 1 : i32
        %sub3A_393 = arith.subi %squeeze3A_350, %sub3A_392 : i32
        %max3A_394 = arith.constant 0 : i32
        %max3A_395 = arith.maxsi %sub3A_393, %max3A_394 : i32
        %min3A_396 = arith.minsi %while3A_380, %max3A_395 : i32
        %lt3A_397 = arith.cmpi slt, %while3A_380, %squeeze3A_350 : i32
        %get3A_398 = arith.index_cast %min3A_396 : i32 to index
        %get3A_399 = tpu.vector_load %arg12[%get3A_398] {strides = array<i32>} : memref<336xi32, #tpu.memory_space<vmem>>, vector<16xi32>,
        %slice3A_400 = vector.extract_strided_slice %get3A_399 {offsets = [0], sizes = [1], strides = [1]} : vector<16xi32> to vector<1xi32>
        %squeeze3A_401 = vector.extract %slice3A_400[0] : i32 from vector<1xi32>
        %select_n3A_402 = arith.select %lt3A_397, %squeeze3A_401, %max3A_306 : i32
        %get3A_403 = arith.index_cast %min3A_396 : i32 to index
        %get3A_404 = tpu.vector_load %arg13[%get3A_403] {strides = array<i32>} : memref<336xi32, #tpu.memory_space<vmem>>, vector<16xi32>,
        %slice3A_405 = vector.extract_strided_slice %get3A_404 {offsets = [0], sizes = [1], strides = [1]} : vector<16xi32> to vector<1xi32>
        %squeeze3A_406 = vector.extract %slice3A_405[0] : i32 from vector<1xi32>
        %eq3A = arith.constant 0 : i32
        %eq3A_407 = arith.cmpi eq, %while3A_380, %eq3A : i32
        %sub3A_408 = arith.subi %while3A_381, %mul3A_2 : i32
        %lt3A_409 = arith.constant 320 : i32
        %lt3A_410 = arith.cmpi ult, %sub3A_408, %lt3A_409 : i32
        %not3A = arith.constant true
        %not3A_411 = arith.xori %eq3A_407, %not3A : i1
        %and3A_412 = arith.andi %not3A_411, %lt3A_410 : i1
        %convert_element_type3A_413 = arith.extui %and3A_412 : i1 to i32
        %cond3A_414 = arith.constant 0 : i32
        %cond3A_415 = arith.cmpi ne, %convert_element_type3A_413, %cond3A_414 : i32
        scf.if %cond3A_415 {
          %sub3A_426 = arith.subi %while3A_381, %mul3A_2 : i32
          %mul3A_427 = arith.constant 128 : i32
          %mul3A_428 = arith.muli %sub3A_426, %mul3A_427 : i32
          %add3A_429 = arith.constant 0 : i32
          %add3A_430 = arith.addi %mul3A_428, %add3A_429 : i32
          %swap3A = arith.index_cast %add3A_430 : i32 to index
          %swap3A_431 = tpu.vector_load %arg11[%swap3A] {strides = array<i32>} : memref<40960xf32, #tpu.memory_space<vmem>>, vector<16xf32>,
          tpu.vector_store %arg11[%swap3A], %while3A_382 {strides = array<i32>} : memref<40960xf32, #tpu.memory_space<vmem>>, vector<16xf32>,
          %mul3A_432 = arith.constant 128 : i32
          %mul3A_433 = arith.muli %sub3A_426, %mul3A_432 : i32
          %add3A_434 = arith.constant 16 : i32
          %add3A_435 = arith.addi %mul3A_433, %add3A_434 : i32
          %swap3A_436 = arith.index_cast %add3A_435 : i32 to index
          %swap3A_437 = tpu.vector_load %arg11[%swap3A_436] {strides = array<i32>} : memref<40960xf32, #tpu.memory_space<vmem>>, vector<16xf32>,
          tpu.vector_store %arg11[%swap3A_436], %while3A_383 {strides = array<i32>} : memref<40960xf32, #tpu.memory_space<vmem>>, vector<16xf32>,
          %mul3A_438 = arith.constant 128 : i32
          %mul3A_439 = arith.muli %sub3A_426, %mul3A_438 : i32
          %add3A_440 = arith.constant 32 : i32
          %add3A_441 = arith.addi %mul3A_439, %add3A_440 : i32
          %swap3A_442 = arith.index_cast %add3A_441 : i32 to index
          %swap3A_443 = tpu.vector_load %arg11[%swap3A_442] {strides = array<i32>} : memref<40960xf32, #tpu.memory_space<vmem>>, vector<16xf32>,
          tpu.vector_store %arg11[%swap3A_442], %while3A_384 {strides = array<i32>} : memref<40960xf32, #tpu.memory_space<vmem>>, vector<16xf32>,
          %mul3A_444 = arith.constant 128 : i32
          %mul3A_445 = arith.muli %sub3A_426, %mul3A_444 : i32
          %add3A_446 = arith.constant 48 : i32
          %add3A_447 = arith.addi %mul3A_445, %add3A_446 : i32
          %swap3A_448 = arith.index_cast %add3A_447 : i32 to index
          %swap3A_449 = tpu.vector_load %arg11[%swap3A_448] {strides = array<i32>} : memref<40960xf32, #tpu.memory_space<vmem>>, vector<16xf32>,
          tpu.vector_store %arg11[%swap3A_448], %while3A_385 {strides = array<i32>} : memref<40960xf32, #tpu.memory_space<vmem>>, vector<16xf32>,
          %mul3A_450 = arith.constant 128 : i32
          %mul3A_451 = arith.muli %sub3A_426, %mul3A_450 : i32
          %add3A_452 = arith.constant 64 : i32
          %add3A_453 = arith.addi %mul3A_451, %add3A_452 : i32
          %swap3A_454 = arith.index_cast %add3A_453 : i32 to index
          %swap3A_455 = tpu.vector_load %arg11[%swap3A_454] {strides = array<i32>} : memref<40960xf32, #tpu.memory_space<vmem>>, vector<16xf32>,
          tpu.vector_store %arg11[%swap3A_454], %while3A_386 {strides = array<i32>} : memref<40960xf32, #tpu.memory_space<vmem>>, vector<16xf32>,
          %mul3A_456 = arith.constant 128 : i32
          %mul3A_457 = arith.muli %sub3A_426, %mul3A_456 : i32
          %add3A_458 = arith.constant 80 : i32
          %add3A_459 = arith.addi %mul3A_457, %add3A_458 : i32
          %swap3A_460 = arith.index_cast %add3A_459 : i32 to index
          %swap3A_461 = tpu.vector_load %arg11[%swap3A_460] {strides = array<i32>} : memref<40960xf32, #tpu.memory_space<vmem>>, vector<16xf32>,
          tpu.vector_store %arg11[%swap3A_460], %while3A_387 {strides = array<i32>} : memref<40960xf32, #tpu.memory_space<vmem>>, vector<16xf32>,
          %mul3A_462 = arith.constant 128 : i32
          %mul3A_463 = arith.muli %sub3A_426, %mul3A_462 : i32
          %add3A_464 = arith.constant 96 : i32
          %add3A_465 = arith.addi %mul3A_463, %add3A_464 : i32
          %swap3A_466 = arith.index_cast %add3A_465 : i32 to index
          %swap3A_467 = tpu.vector_load %arg11[%swap3A_466] {strides = array<i32>} : memref<40960xf32, #tpu.memory_space<vmem>>, vector<16xf32>,
          tpu.vector_store %arg11[%swap3A_466], %while3A_388 {strides = array<i32>} : memref<40960xf32, #tpu.memory_space<vmem>>, vector<16xf32>,
          %mul3A_468 = arith.constant 128 : i32
          %mul3A_469 = arith.muli %sub3A_426, %mul3A_468 : i32
          %add3A_470 = arith.constant 112 : i32
          %add3A_471 = arith.addi %mul3A_469, %add3A_470 : i32
          %swap3A_472 = arith.index_cast %add3A_471 : i32 to index
          %swap3A_473 = tpu.vector_load %arg11[%swap3A_472] {strides = array<i32>} : memref<40960xf32, #tpu.memory_space<vmem>>, vector<16xf32>,
          tpu.vector_store %arg11[%swap3A_472], %while3A_389 {strides = array<i32>} : memref<40960xf32, #tpu.memory_space<vmem>>, vector<16xf32>,
        } else {
        }
        %select_n3A_416 = arith.select %eq3A_407, %while3A_381, %while3A_391 : i32
        %select_n3A_417 = arith.select %eq3A_407, %while3A_382, %broadcast_in_dim3A_104 : vector<16xf32>
        %select_n3A_418 = arith.select %eq3A_407, %while3A_383, %broadcast_in_dim3A_104 : vector<16xf32>
        %select_n3A_419 = arith.select %eq3A_407, %while3A_384, %broadcast_in_dim3A_104 : vector<16xf32>
        %select_n3A_420 = arith.select %eq3A_407, %while3A_385, %broadcast_in_dim3A_104 : vector<16xf32>
        %select_n3A_421 = arith.select %eq3A_407, %while3A_386, %broadcast_in_dim3A_104 : vector<16xf32>
        %select_n3A_422 = arith.select %eq3A_407, %while3A_387, %broadcast_in_dim3A_104 : vector<16xf32>
        %select_n3A_423 = arith.select %eq3A_407, %while3A_388, %broadcast_in_dim3A_104 : vector<16xf32>
        %select_n3A_424 = arith.select %eq3A_407, %while3A_389, %broadcast_in_dim3A_104 : vector<16xf32>
        %parallel_loop3A = arith.constant 1 : i32
        %parallel_loop3A_425:8 = scf.for %parallel_loop3A_426 = %while3A_390 to %select_n3A_402 step %parallel_loop3A iter_args(%parallel_loop3A_427 = %select_n3A_417, %parallel_loop3A_428 = %select_n3A_418, %parallel_loop3A_429 = %select_n3A_419, %parallel_loop3A_430 = %select_n3A_420, %parallel_loop3A_431 = %select_n3A_421, %parallel_loop3A_432 = %select_n3A_422, %parallel_loop3A_433 = %select_n3A_423, %parallel_loop3A_434 = %select_n3A_424) -> (vector<16xf32>, vector<16xf32>, vector<16xf32>, vector<16xf32>, vector<16xf32>, vector<16xf32>, vector<16xf32>, vector<16xf32>)  : i32 {
          %parallel_loop3A_435 = arith.addi %sub3A_301, %parallel_loop3A_426 : i32
          %parallel_loop3A_436 = arith.constant 128 : i32
          %parallel_loop3A_437 = arith.muli %parallel_loop3A_435, %parallel_loop3A_436 : i32
          %parallel_loop3A_438 = arith.constant 0 : i32
          %parallel_loop3A_439 = arith.addi %parallel_loop3A_437, %parallel_loop3A_438 : i32
          %parallel_loop3A_440 = arith.index_cast %parallel_loop3A_439 : i32 to index
          %parallel_loop3A_441 = tpu.vector_load %arg8[%parallel_loop3A_440] {strides = array<i32>} : memref<40960xf32, #tpu.memory_space<vmem>>, vector<16xf32>,
          %parallel_loop3A_442 = arith.maximumf %parallel_loop3A_427, %parallel_loop3A_441 : vector<16xf32>
          %parallel_loop3A_443 = arith.constant 16 : i32
          %parallel_loop3A_444 = arith.addi %parallel_loop3A_437, %parallel_loop3A_443 : i32
          %parallel_loop3A_445 = arith.index_cast %parallel_loop3A_444 : i32 to index
          %parallel_loop3A_446 = tpu.vector_load %arg8[%parallel_loop3A_445] {strides = array<i32>} : memref<40960xf32, #tpu.memory_space<vmem>>, vector<16xf32>,
          %parallel_loop3A_447 = arith.maximumf %parallel_loop3A_428, %parallel_loop3A_446 : vector<16xf32>
          %parallel_loop3A_448 = arith.constant 32 : i32
          %parallel_loop3A_449 = arith.addi %parallel_loop3A_437, %parallel_loop3A_448 : i32
          %parallel_loop3A_450 = arith.index_cast %parallel_loop3A_449 : i32 to index
          %parallel_loop3A_451 = tpu.vector_load %arg8[%parallel_loop3A_450] {strides = array<i32>} : memref<40960xf32, #tpu.memory_space<vmem>>, vector<16xf32>,
          %parallel_loop3A_452 = arith.maximumf %parallel_loop3A_429, %parallel_loop3A_451 : vector<16xf32>
          %parallel_loop3A_453 = arith.constant 48 : i32
          %parallel_loop3A_454 = arith.addi %parallel_loop3A_437, %parallel_loop3A_453 : i32
          %parallel_loop3A_455 = arith.index_cast %parallel_loop3A_454 : i32 to index
          %parallel_loop3A_456 = tpu.vector_load %arg8[%parallel_loop3A_455] {strides = array<i32>} : memref<40960xf32, #tpu.memory_space<vmem>>, vector<16xf32>,
          %parallel_loop3A_457 = arith.maximumf %parallel_loop3A_430, %parallel_loop3A_456 : vector<16xf32>
          %parallel_loop3A_458 = arith.constant 64 : i32
          %parallel_loop3A_459 = arith.addi %parallel_loop3A_437, %parallel_loop3A_458 : i32
          %parallel_loop3A_460 = arith.index_cast %parallel_loop3A_459 : i32 to index
          %parallel_loop3A_461 = tpu.vector_load %arg8[%parallel_loop3A_460] {strides = array<i32>} : memref<40960xf32, #tpu.memory_space<vmem>>, vector<16xf32>,
          %parallel_loop3A_462 = arith.maximumf %parallel_loop3A_431, %parallel_loop3A_461 : vector<16xf32>
          %parallel_loop3A_463 = arith.constant 80 : i32
          %parallel_loop3A_464 = arith.addi %parallel_loop3A_437, %parallel_loop3A_463 : i32
          %parallel_loop3A_465 = arith.index_cast %parallel_loop3A_464 : i32 to index
          %parallel_loop3A_466 = tpu.vector_load %arg8[%parallel_loop3A_465] {strides = array<i32>} : memref<40960xf32, #tpu.memory_space<vmem>>, vector<16xf32>,
          %parallel_loop3A_467 = arith.maximumf %parallel_loop3A_432, %parallel_loop3A_466 : vector<16xf32>
          %parallel_loop3A_468 = arith.constant 96 : i32
          %parallel_loop3A_469 = arith.addi %parallel_loop3A_437, %parallel_loop3A_468 : i32
          %parallel_loop3A_470 = arith.index_cast %parallel_loop3A_469 : i32 to index
          %parallel_loop3A_471 = tpu.vector_load %arg8[%parallel_loop3A_470] {strides = array<i32>} : memref<40960xf32, #tpu.memory_space<vmem>>, vector<16xf32>,
          %parallel_loop3A_472 = arith.maximumf %parallel_loop3A_433, %parallel_loop3A_471 : vector<16xf32>
          %parallel_loop3A_473 = arith.constant 112 : i32
          %parallel_loop3A_474 = arith.addi %parallel_loop3A_437, %parallel_loop3A_473 : i32
          %parallel_loop3A_475 = arith.index_cast %parallel_loop3A_474 : i32 to index
          %parallel_loop3A_476 = tpu.vector_load %arg8[%parallel_loop3A_475] {strides = array<i32>} : memref<40960xf32, #tpu.memory_space<vmem>>, vector<16xf32>,
          %parallel_loop3A_477 = arith.maximumf %parallel_loop3A_434, %parallel_loop3A_476 : vector<16xf32>
          scf.yield %parallel_loop3A_442, %parallel_loop3A_447, %parallel_loop3A_452, %parallel_loop3A_457, %parallel_loop3A_462, %parallel_loop3A_467, %parallel_loop3A_472, %parallel_loop3A_477 : vector<16xf32>, vector<16xf32>, vector<16xf32>, vector<16xf32>, vector<16xf32>, vector<16xf32>, vector<16xf32>, vector<16xf32>
        } {sc.loop_unroll_factor = 8 : i64, sc.parallel_access}
        scf.yield %select_n3A_416, %parallel_loop3A_425#0, %parallel_loop3A_425#1, %parallel_loop3A_425#2, %parallel_loop3A_425#3, %parallel_loop3A_425#4, %parallel_loop3A_425#5, %parallel_loop3A_425#6, %parallel_loop3A_425#7, %select_n3A_402, %squeeze3A_406 : i32, vector<16xf32>, vector<16xf32>, vector<16xf32>, vector<16xf32>, vector<16xf32>, vector<16xf32>, vector<16xf32>, vector<16xf32>, i32, i32
      }
      %while3A_364 = arith.constant 1 : i32
      %while3A_365:11 = scf.for %while3A_380 = %while3A_361 to %while3A_357 step %while3A_364 iter_args(%while3A_381 = %while3A_363#0, %while3A_382 = %while3A_363#1, %while3A_383 = %while3A_363#2, %while3A_384 = %while3A_363#3, %while3A_385 = %while3A_363#4, %while3A_386 = %while3A_363#5, %while3A_387 = %while3A_363#6, %while3A_388 = %while3A_363#7, %while3A_389 = %while3A_363#8, %while3A_390 = %while3A_363#9, %while3A_391 = %while3A_363#10) -> (i32, vector<16xf32>, vector<16xf32>, vector<16xf32>, vector<16xf32>, vector<16xf32>, vector<16xf32>, vector<16xf32>, vector<16xf32>, i32, i32)  : i32 {
        %sub3A_392 = arith.constant 1 : i32
        %sub3A_393 = arith.subi %squeeze3A_350, %sub3A_392 : i32
        %max3A_394 = arith.constant 0 : i32
        %max3A_395 = arith.maxsi %sub3A_393, %max3A_394 : i32
        %min3A_396 = arith.minsi %while3A_380, %max3A_395 : i32
        %lt3A_397 = arith.cmpi slt, %while3A_380, %squeeze3A_350 : i32
        %get3A_398 = arith.index_cast %min3A_396 : i32 to index
        %get3A_399 = tpu.vector_load %arg12[%get3A_398] {strides = array<i32>} : memref<336xi32, #tpu.memory_space<vmem>>, vector<16xi32>,
        %slice3A_400 = vector.extract_strided_slice %get3A_399 {offsets = [0], sizes = [1], strides = [1]} : vector<16xi32> to vector<1xi32>
        %squeeze3A_401 = vector.extract %slice3A_400[0] : i32 from vector<1xi32>
        %select_n3A_402 = arith.select %lt3A_397, %squeeze3A_401, %max3A_306 : i32
        %get3A_403 = arith.index_cast %min3A_396 : i32 to index
        %get3A_404 = tpu.vector_load %arg13[%get3A_403] {strides = array<i32>} : memref<336xi32, #tpu.memory_space<vmem>>, vector<16xi32>,
        %slice3A_405 = vector.extract_strided_slice %get3A_404 {offsets = [0], sizes = [1], strides = [1]} : vector<16xi32> to vector<1xi32>
        %squeeze3A_406 = vector.extract %slice3A_405[0] : i32 from vector<1xi32>
        %eq3A = arith.constant 0 : i32
        %eq3A_407 = arith.cmpi eq, %while3A_380, %eq3A : i32
        %sub3A_408 = arith.subi %while3A_381, %mul3A_2 : i32
        %lt3A_409 = arith.constant 320 : i32
        %lt3A_410 = arith.cmpi ult, %sub3A_408, %lt3A_409 : i32
        %not3A = arith.constant true
        %not3A_411 = arith.xori %eq3A_407, %not3A : i1
        %and3A_412 = arith.andi %not3A_411, %lt3A_410 : i1
        %convert_element_type3A_413 = arith.extui %and3A_412 : i1 to i32
        %cond3A_414 = arith.constant 0 : i32
        %cond3A_415 = arith.cmpi ne, %convert_element_type3A_413, %cond3A_414 : i32
        scf.if %cond3A_415 {
          %sub3A_426 = arith.subi %while3A_381, %mul3A_2 : i32
          %mul3A_427 = arith.constant 128 : i32
          %mul3A_428 = arith.muli %sub3A_426, %mul3A_427 : i32
          %add3A_429 = arith.constant 0 : i32
          %add3A_430 = arith.addi %mul3A_428, %add3A_429 : i32
          %swap3A = arith.index_cast %add3A_430 : i32 to index
          %swap3A_431 = tpu.vector_load %arg11[%swap3A] {strides = array<i32>} : memref<40960xf32, #tpu.memory_space<vmem>>, vector<16xf32>,
          tpu.vector_store %arg11[%swap3A], %while3A_382 {strides = array<i32>} : memref<40960xf32, #tpu.memory_space<vmem>>, vector<16xf32>,
          %mul3A_432 = arith.constant 128 : i32
          %mul3A_433 = arith.muli %sub3A_426, %mul3A_432 : i32
          %add3A_434 = arith.constant 16 : i32
          %add3A_435 = arith.addi %mul3A_433, %add3A_434 : i32
          %swap3A_436 = arith.index_cast %add3A_435 : i32 to index
          %swap3A_437 = tpu.vector_load %arg11[%swap3A_436] {strides = array<i32>} : memref<40960xf32, #tpu.memory_space<vmem>>, vector<16xf32>,
          tpu.vector_store %arg11[%swap3A_436], %while3A_383 {strides = array<i32>} : memref<40960xf32, #tpu.memory_space<vmem>>, vector<16xf32>,
          %mul3A_438 = arith.constant 128 : i32
          %mul3A_439 = arith.muli %sub3A_426, %mul3A_438 : i32
          %add3A_440 = arith.constant 32 : i32
          %add3A_441 = arith.addi %mul3A_439, %add3A_440 : i32
          %swap3A_442 = arith.index_cast %add3A_441 : i32 to index
          %swap3A_443 = tpu.vector_load %arg11[%swap3A_442] {strides = array<i32>} : memref<40960xf32, #tpu.memory_space<vmem>>, vector<16xf32>,
          tpu.vector_store %arg11[%swap3A_442], %while3A_384 {strides = array<i32>} : memref<40960xf32, #tpu.memory_space<vmem>>, vector<16xf32>,
          %mul3A_444 = arith.constant 128 : i32
          %mul3A_445 = arith.muli %sub3A_426, %mul3A_444 : i32
          %add3A_446 = arith.constant 48 : i32
          %add3A_447 = arith.addi %mul3A_445, %add3A_446 : i32
          %swap3A_448 = arith.index_cast %add3A_447 : i32 to index
          %swap3A_449 = tpu.vector_load %arg11[%swap3A_448] {strides = array<i32>} : memref<40960xf32, #tpu.memory_space<vmem>>, vector<16xf32>,
          tpu.vector_store %arg11[%swap3A_448], %while3A_385 {strides = array<i32>} : memref<40960xf32, #tpu.memory_space<vmem>>, vector<16xf32>,
          %mul3A_450 = arith.constant 128 : i32
          %mul3A_451 = arith.muli %sub3A_426, %mul3A_450 : i32
          %add3A_452 = arith.constant 64 : i32
          %add3A_453 = arith.addi %mul3A_451, %add3A_452 : i32
          %swap3A_454 = arith.index_cast %add3A_453 : i32 to index
          %swap3A_455 = tpu.vector_load %arg11[%swap3A_454] {strides = array<i32>} : memref<40960xf32, #tpu.memory_space<vmem>>, vector<16xf32>,
          tpu.vector_store %arg11[%swap3A_454], %while3A_386 {strides = array<i32>} : memref<40960xf32, #tpu.memory_space<vmem>>, vector<16xf32>,
          %mul3A_456 = arith.constant 128 : i32
          %mul3A_457 = arith.muli %sub3A_426, %mul3A_456 : i32
          %add3A_458 = arith.constant 80 : i32
          %add3A_459 = arith.addi %mul3A_457, %add3A_458 : i32
          %swap3A_460 = arith.index_cast %add3A_459 : i32 to index
          %swap3A_461 = tpu.vector_load %arg11[%swap3A_460] {strides = array<i32>} : memref<40960xf32, #tpu.memory_space<vmem>>, vector<16xf32>,
          tpu.vector_store %arg11[%swap3A_460], %while3A_387 {strides = array<i32>} : memref<40960xf32, #tpu.memory_space<vmem>>, vector<16xf32>,
          %mul3A_462 = arith.constant 128 : i32
          %mul3A_463 = arith.muli %sub3A_426, %mul3A_462 : i32
          %add3A_464 = arith.constant 96 : i32
          %add3A_465 = arith.addi %mul3A_463, %add3A_464 : i32
          %swap3A_466 = arith.index_cast %add3A_465 : i32 to index
          %swap3A_467 = tpu.vector_load %arg11[%swap3A_466] {strides = array<i32>} : memref<40960xf32, #tpu.memory_space<vmem>>, vector<16xf32>,
          tpu.vector_store %arg11[%swap3A_466], %while3A_388 {strides = array<i32>} : memref<40960xf32, #tpu.memory_space<vmem>>, vector<16xf32>,
          %mul3A_468 = arith.constant 128 : i32
          %mul3A_469 = arith.muli %sub3A_426, %mul3A_468 : i32
          %add3A_470 = arith.constant 112 : i32
          %add3A_471 = arith.addi %mul3A_469, %add3A_470 : i32
          %swap3A_472 = arith.index_cast %add3A_471 : i32 to index
          %swap3A_473 = tpu.vector_load %arg11[%swap3A_472] {strides = array<i32>} : memref<40960xf32, #tpu.memory_space<vmem>>, vector<16xf32>,
          tpu.vector_store %arg11[%swap3A_472], %while3A_389 {strides = array<i32>} : memref<40960xf32, #tpu.memory_space<vmem>>, vector<16xf32>,
        } else {
        }
        %select_n3A_416 = arith.select %eq3A_407, %while3A_381, %while3A_391 : i32
        %select_n3A_417 = arith.select %eq3A_407, %while3A_382, %broadcast_in_dim3A_104 : vector<16xf32>
        %select_n3A_418 = arith.select %eq3A_407, %while3A_383, %broadcast_in_dim3A_104 : vector<16xf32>
        %select_n3A_419 = arith.select %eq3A_407, %while3A_384, %broadcast_in_dim3A_104 : vector<16xf32>
        %select_n3A_420 = arith.select %eq3A_407, %while3A_385, %broadcast_in_dim3A_104 : vector<16xf32>
        %select_n3A_421 = arith.select %eq3A_407, %while3A_386, %broadcast_in_dim3A_104 : vector<16xf32>
        %select_n3A_422 = arith.select %eq3A_407, %while3A_387, %broadcast_in_dim3A_104 : vector<16xf32>
        %select_n3A_423 = arith.select %eq3A_407, %while3A_388, %broadcast_in_dim3A_104 : vector<16xf32>
        %select_n3A_424 = arith.select %eq3A_407, %while3A_389, %broadcast_in_dim3A_104 : vector<16xf32>
        %parallel_loop3A = arith.constant 1 : i32
        %parallel_loop3A_425:8 = scf.for %parallel_loop3A_426 = %while3A_390 to %select_n3A_402 step %parallel_loop3A iter_args(%parallel_loop3A_427 = %select_n3A_417, %parallel_loop3A_428 = %select_n3A_418, %parallel_loop3A_429 = %select_n3A_419, %parallel_loop3A_430 = %select_n3A_420, %parallel_loop3A_431 = %select_n3A_421, %parallel_loop3A_432 = %select_n3A_422, %parallel_loop3A_433 = %select_n3A_423, %parallel_loop3A_434 = %select_n3A_424) -> (vector<16xf32>, vector<16xf32>, vector<16xf32>, vector<16xf32>, vector<16xf32>, vector<16xf32>, vector<16xf32>, vector<16xf32>)  : i32 {
          %parallel_loop3A_435 = arith.addi %sub3A_301, %parallel_loop3A_426 : i32
          %parallel_loop3A_436 = arith.constant 128 : i32
          %parallel_loop3A_437 = arith.muli %parallel_loop3A_435, %parallel_loop3A_436 : i32
          %parallel_loop3A_438 = arith.constant 0 : i32
          %parallel_loop3A_439 = arith.addi %parallel_loop3A_437, %parallel_loop3A_438 : i32
          %parallel_loop3A_440 = arith.index_cast %parallel_loop3A_439 : i32 to index
          %parallel_loop3A_441 = tpu.vector_load %arg8[%parallel_loop3A_440] {strides = array<i32>} : memref<40960xf32, #tpu.memory_space<vmem>>, vector<16xf32>,
          %parallel_loop3A_442 = arith.maximumf %parallel_loop3A_427, %parallel_loop3A_441 : vector<16xf32>
          %parallel_loop3A_443 = arith.constant 16 : i32
          %parallel_loop3A_444 = arith.addi %parallel_loop3A_437, %parallel_loop3A_443 : i32
          %parallel_loop3A_445 = arith.index_cast %parallel_loop3A_444 : i32 to index
          %parallel_loop3A_446 = tpu.vector_load %arg8[%parallel_loop3A_445] {strides = array<i32>} : memref<40960xf32, #tpu.memory_space<vmem>>, vector<16xf32>,
          %parallel_loop3A_447 = arith.maximumf %parallel_loop3A_428, %parallel_loop3A_446 : vector<16xf32>
          %parallel_loop3A_448 = arith.constant 32 : i32
          %parallel_loop3A_449 = arith.addi %parallel_loop3A_437, %parallel_loop3A_448 : i32
          %parallel_loop3A_450 = arith.index_cast %parallel_loop3A_449 : i32 to index
          %parallel_loop3A_451 = tpu.vector_load %arg8[%parallel_loop3A_450] {strides = array<i32>} : memref<40960xf32, #tpu.memory_space<vmem>>, vector<16xf32>,
          %parallel_loop3A_452 = arith.maximumf %parallel_loop3A_429, %parallel_loop3A_451 : vector<16xf32>
          %parallel_loop3A_453 = arith.constant 48 : i32
          %parallel_loop3A_454 = arith.addi %parallel_loop3A_437, %parallel_loop3A_453 : i32
          %parallel_loop3A_455 = arith.index_cast %parallel_loop3A_454 : i32 to index
          %parallel_loop3A_456 = tpu.vector_load %arg8[%parallel_loop3A_455] {strides = array<i32>} : memref<40960xf32, #tpu.memory_space<vmem>>, vector<16xf32>,
          %parallel_loop3A_457 = arith.maximumf %parallel_loop3A_430, %parallel_loop3A_456 : vector<16xf32>
          %parallel_loop3A_458 = arith.constant 64 : i32
          %parallel_loop3A_459 = arith.addi %parallel_loop3A_437, %parallel_loop3A_458 : i32
          %parallel_loop3A_460 = arith.index_cast %parallel_loop3A_459 : i32 to index
          %parallel_loop3A_461 = tpu.vector_load %arg8[%parallel_loop3A_460] {strides = array<i32>} : memref<40960xf32, #tpu.memory_space<vmem>>, vector<16xf32>,
          %parallel_loop3A_462 = arith.maximumf %parallel_loop3A_431, %parallel_loop3A_461 : vector<16xf32>
          %parallel_loop3A_463 = arith.constant 80 : i32
          %parallel_loop3A_464 = arith.addi %parallel_loop3A_437, %parallel_loop3A_463 : i32
          %parallel_loop3A_465 = arith.index_cast %parallel_loop3A_464 : i32 to index
          %parallel_loop3A_466 = tpu.vector_load %arg8[%parallel_loop3A_465] {strides = array<i32>} : memref<40960xf32, #tpu.memory_space<vmem>>, vector<16xf32>,
          %parallel_loop3A_467 = arith.maximumf %parallel_loop3A_432, %parallel_loop3A_466 : vector<16xf32>
          %parallel_loop3A_468 = arith.constant 96 : i32
          %parallel_loop3A_469 = arith.addi %parallel_loop3A_437, %parallel_loop3A_468 : i32
          %parallel_loop3A_470 = arith.index_cast %parallel_loop3A_469 : i32 to index
          %parallel_loop3A_471 = tpu.vector_load %arg8[%parallel_loop3A_470] {strides = array<i32>} : memref<40960xf32, #tpu.memory_space<vmem>>, vector<16xf32>,
          %parallel_loop3A_472 = arith.maximumf %parallel_loop3A_433, %parallel_loop3A_471 : vector<16xf32>
          %parallel_loop3A_473 = arith.constant 112 : i32
          %parallel_loop3A_474 = arith.addi %parallel_loop3A_437, %parallel_loop3A_473 : i32
          %parallel_loop3A_475 = arith.index_cast %parallel_loop3A_474 : i32 to index
          %parallel_loop3A_476 = tpu.vector_load %arg8[%parallel_loop3A_475] {strides = array<i32>} : memref<40960xf32, #tpu.memory_space<vmem>>, vector<16xf32>,
          %parallel_loop3A_477 = arith.maximumf %parallel_loop3A_434, %parallel_loop3A_476 : vector<16xf32>
          scf.yield %parallel_loop3A_442, %parallel_loop3A_447, %parallel_loop3A_452, %parallel_loop3A_457, %parallel_loop3A_462, %parallel_loop3A_467, %parallel_loop3A_472, %parallel_loop3A_477 : vector<16xf32>, vector<16xf32>, vector<16xf32>, vector<16xf32>, vector<16xf32>, vector<16xf32>, vector<16xf32>, vector<16xf32>
        } {sc.loop_unroll_factor = 8 : i64, sc.parallel_access}
        scf.yield %select_n3A_416, %parallel_loop3A_425#0, %parallel_loop3A_425#1, %parallel_loop3A_425#2, %parallel_loop3A_425#3, %parallel_loop3A_425#4, %parallel_loop3A_425#5, %parallel_loop3A_425#6, %parallel_loop3A_425#7, %select_n3A_402, %squeeze3A_406 : i32, vector<16xf32>, vector<16xf32>, vector<16xf32>, vector<16xf32>, vector<16xf32>, vector<16xf32>, vector<16xf32>, vector<16xf32>, i32, i32
      }
      %add3A_366 = arith.constant 1 : i32
      %add3A_367 = arith.addi %mul3A_194, %add3A_366 : i32
      %add3A_368 = arith.constant 2 : i32
      %add3A_369 = arith.addi %add3A_367, %add3A_368 : i32
      %mul3A_370 = arith.constant 320 : i32
      %mul3A_371 = arith.muli %add3A_369, %mul3A_370 : i32
      %add3A_372 = arith.addi %multiple_of3A, %mul3A_371 : i32
      %min3A_373 = arith.constant 319680 : i32
      %min3A_374 = arith.minsi %add3A_372, %min3A_373 : i32
      %multiple_of3A_375 = tpu.assume_multiple %min3A_374, 16 : i32
      %lt3A_376 = arith.cmpi slt, %add3A_369, %select_n3A_94 : i32
      %convert_element_type3A_377 = arith.extui %lt3A_376 : i1 to i32
      %cond3A_378 = arith.constant 0 : i32
      %cond3A_379 = arith.cmpi ne, %convert_element_type3A_377, %cond3A_378 : i32
      scf.if %cond3A_379 {
        %mul3A_380 = arith.constant 128 : i32
        %mul3A_381 = arith.muli %multiple_of3A_375, %mul3A_380 : i32
        %dma_start3A = tpu.memref_slice %arg2[%mul3A_381] : memref<40960000xf32, #tpu.memory_space<hbm>> -> memref<40960xf32, #tpu.memory_space<hbm>>
        %dma_start3A_382 = tpu.memref_slice %arg2[%mul3A_381] : memref<40960000xf32, #tpu.memory_space<hbm>> -> memref<40960xf32, #tpu.memory_space<hbm>>
        tpu.enqueue_dma source(%dma_start3A_382 : memref<40960xf32, #tpu.memory_space<hbm>>) target(%arg8 : memref<40960xf32, #tpu.memory_space<vmem>>) target_semaphore(%arg15 : memref<!tpu.dma_semaphore, #tpu.memory_space<semaphore_mem>>)
        %dma_start3A_383 = tpu.memref_slice %arg3[%multiple_of3A_375] : memref<320000xi32, #tpu.memory_space<hbm>> -> memref<320xi32, #tpu.memory_space<hbm>>
        %dma_start3A_384 = tpu.memref_slice %arg3[%multiple_of3A_375] : memref<320000xi32, #tpu.memory_space<hbm>> -> memref<320xi32, #tpu.memory_space<hbm>>
        tpu.enqueue_dma source(%dma_start3A_384 : memref<320xi32, #tpu.memory_space<hbm>>) target(%arg10 : memref<320xi32, #tpu.memory_space<vmem>>) target_semaphore(%arg15 : memref<!tpu.dma_semaphore, #tpu.memory_space<semaphore_mem>>)
      } else {
      }
      scf.yield %while3A_365#0, %while3A_365#1, %while3A_365#2, %while3A_365#3, %while3A_365#4, %while3A_365#5, %while3A_365#6, %while3A_365#7, %while3A_365#8 : i32, vector<16xf32>, vector<16xf32>, vector<16xf32>, vector<16xf32>, vector<16xf32>, vector<16xf32>, vector<16xf32>, vector<16xf32>
    }
    %mul3A_160 = arith.constant 2 : i32
    %mul3A_161 = arith.muli %select_n3A_132, %mul3A_160 : i32
    %add3A_162 = arith.constant 0 : i32
    %add3A_163 = arith.addi %mul3A_161, %add3A_162 : i32
    %lt3A = arith.cmpi slt, %add3A_163, %select_n3A_94 : i32
    %convert_element_type3A_164 = arith.extui %lt3A : i1 to i32
    %cond3A_165 = arith.constant 0 : i32
    %cond3A_166 = arith.cmpi ne, %convert_element_type3A_164, %cond3A_165 : i32
    scf.if %cond3A_166 {
      %dma_wait3A = arith.constant 0 : i32
      %dma_wait3A_183 = tpu.memref_slice %arg2[%dma_wait3A] : memref<40960000xf32, #tpu.memory_space<hbm>> -> memref<40960xf32, #tpu.memory_space<hbm>>
      %dma_wait3A_184 = arith.constant 0 : i32
      %dma_wait3A_185 = tpu.memref_slice %arg2[%dma_wait3A_184] : memref<40960000xf32, #tpu.memory_space<hbm>> -> memref<40960xf32, #tpu.memory_space<hbm>>
      tpu.wait_dma2 semaphore(%arg14 : memref<!tpu.dma_semaphore, #tpu.memory_space<semaphore_mem>>) src(%dma_wait3A_185 : memref<40960xf32, #tpu.memory_space<hbm>>) dst(%arg7 : memref<40960xf32, #tpu.memory_space<vmem>>)
      %dma_wait3A_186 = arith.constant 0 : i32
      %dma_wait3A_187 = tpu.memref_slice %arg3[%dma_wait3A_186] : memref<320000xi32, #tpu.memory_space<hbm>> -> memref<320xi32, #tpu.memory_space<hbm>>
      %dma_wait3A_188 = arith.constant 0 : i32
      %dma_wait3A_189 = tpu.memref_slice %arg3[%dma_wait3A_188] : memref<320000xi32, #tpu.memory_space<hbm>> -> memref<320xi32, #tpu.memory_space<hbm>>
      tpu.wait_dma2 semaphore(%arg14 : memref<!tpu.dma_semaphore, #tpu.memory_space<semaphore_mem>>) src(%dma_wait3A_189 : memref<320xi32, #tpu.memory_space<hbm>>) dst(%arg9 : memref<320xi32, #tpu.memory_space<vmem>>)
    } else {
    }
    %mul3A_167 = arith.constant 2 : i32
    %mul3A_168 = arith.muli %select_n3A_132, %mul3A_167 : i32
    %add3A_169 = arith.constant 1 : i32
    %add3A_170 = arith.addi %mul3A_168, %add3A_169 : i32
    %lt3A_171 = arith.cmpi slt, %add3A_170, %select_n3A_94 : i32
    %convert_element_type3A_172 = arith.extui %lt3A_171 : i1 to i32
    %cond3A_173 = arith.constant 0 : i32
    %cond3A_174 = arith.cmpi ne, %convert_element_type3A_172, %cond3A_173 : i32
    scf.if %cond3A_174 {
      %dma_wait3A = arith.constant 0 : i32
      %dma_wait3A_183 = tpu.memref_slice %arg2[%dma_wait3A] : memref<40960000xf32, #tpu.memory_space<hbm>> -> memref<40960xf32, #tpu.memory_space<hbm>>
      %dma_wait3A_184 = arith.constant 0 : i32
      %dma_wait3A_185 = tpu.memref_slice %arg2[%dma_wait3A_184] : memref<40960000xf32, #tpu.memory_space<hbm>> -> memref<40960xf32, #tpu.memory_space<hbm>>
      tpu.wait_dma2 semaphore(%arg15 : memref<!tpu.dma_semaphore, #tpu.memory_space<semaphore_mem>>) src(%dma_wait3A_185 : memref<40960xf32, #tpu.memory_space<hbm>>) dst(%arg8 : memref<40960xf32, #tpu.memory_space<vmem>>)
      %dma_wait3A_186 = arith.constant 0 : i32
      %dma_wait3A_187 = tpu.memref_slice %arg3[%dma_wait3A_186] : memref<320000xi32, #tpu.memory_space<hbm>> -> memref<320xi32, #tpu.memory_space<hbm>>
      %dma_wait3A_188 = arith.constant 0 : i32
      %dma_wait3A_189 = tpu.memref_slice %arg3[%dma_wait3A_188] : memref<320000xi32, #tpu.memory_space<hbm>> -> memref<320xi32, #tpu.memory_space<hbm>>
      tpu.wait_dma2 semaphore(%arg15 : memref<!tpu.dma_semaphore, #tpu.memory_space<semaphore_mem>>) src(%dma_wait3A_189 : memref<320xi32, #tpu.memory_space<hbm>>) dst(%arg10 : memref<320xi32, #tpu.memory_space<vmem>>)
    } else {
    }
    %sub3A_175 = arith.subi %while3A_159#0, %mul3A_2 : i32
    %lt3A_176 = arith.constant 320 : i32
    %lt3A_177 = arith.cmpi ult, %sub3A_175, %lt3A_176 : i32
    %convert_element_type3A_178 = arith.extui %lt3A_177 : i1 to i32
    %cond3A_179 = arith.constant 0 : i32
    %cond3A_180 = arith.cmpi ne, %convert_element_type3A_178, %cond3A_179 : i32
    scf.if %cond3A_180 {
      %sub3A_183 = arith.subi %while3A_159#0, %mul3A_2 : i32
      %mul3A_184 = arith.constant 128 : i32
      %mul3A_185 = arith.muli %sub3A_183, %mul3A_184 : i32
      %add3A_186 = arith.constant 0 : i32
      %add3A_187 = arith.addi %mul3A_185, %add3A_186 : i32
      %swap3A = arith.index_cast %add3A_187 : i32 to index
      %swap3A_188 = tpu.vector_load %arg11[%swap3A] {strides = array<i32>} : memref<40960xf32, #tpu.memory_space<vmem>>, vector<16xf32>,
      tpu.vector_store %arg11[%swap3A], %while3A_159#1 {strides = array<i32>} : memref<40960xf32, #tpu.memory_space<vmem>>, vector<16xf32>,
      %mul3A_189 = arith.constant 128 : i32
      %mul3A_190 = arith.muli %sub3A_183, %mul3A_189 : i32
      %add3A_191 = arith.constant 16 : i32
      %add3A_192 = arith.addi %mul3A_190, %add3A_191 : i32
      %swap3A_193 = arith.index_cast %add3A_192 : i32 to index
      %swap3A_194 = tpu.vector_load %arg11[%swap3A_193] {strides = array<i32>} : memref<40960xf32, #tpu.memory_space<vmem>>, vector<16xf32>,
      tpu.vector_store %arg11[%swap3A_193], %while3A_159#2 {strides = array<i32>} : memref<40960xf32, #tpu.memory_space<vmem>>, vector<16xf32>,
      %mul3A_195 = arith.constant 128 : i32
      %mul3A_196 = arith.muli %sub3A_183, %mul3A_195 : i32
      %add3A_197 = arith.constant 32 : i32
      %add3A_198 = arith.addi %mul3A_196, %add3A_197 : i32
      %swap3A_199 = arith.index_cast %add3A_198 : i32 to index
      %swap3A_200 = tpu.vector_load %arg11[%swap3A_199] {strides = array<i32>} : memref<40960xf32, #tpu.memory_space<vmem>>, vector<16xf32>,
      tpu.vector_store %arg11[%swap3A_199], %while3A_159#3 {strides = array<i32>} : memref<40960xf32, #tpu.memory_space<vmem>>, vector<16xf32>,
      %mul3A_201 = arith.constant 128 : i32
      %mul3A_202 = arith.muli %sub3A_183, %mul3A_201 : i32
      %add3A_203 = arith.constant 48 : i32
      %add3A_204 = arith.addi %mul3A_202, %add3A_203 : i32
      %swap3A_205 = arith.index_cast %add3A_204 : i32 to index
      %swap3A_206 = tpu.vector_load %arg11[%swap3A_205] {strides = array<i32>} : memref<40960xf32, #tpu.memory_space<vmem>>, vector<16xf32>,
      tpu.vector_store %arg11[%swap3A_205], %while3A_159#4 {strides = array<i32>} : memref<40960xf32, #tpu.memory_space<vmem>>, vector<16xf32>,
      %mul3A_207 = arith.constant 128 : i32
      %mul3A_208 = arith.muli %sub3A_183, %mul3A_207 : i32
      %add3A_209 = arith.constant 64 : i32
      %add3A_210 = arith.addi %mul3A_208, %add3A_209 : i32
      %swap3A_211 = arith.index_cast %add3A_210 : i32 to index
      %swap3A_212 = tpu.vector_load %arg11[%swap3A_211] {strides = array<i32>} : memref<40960xf32, #tpu.memory_space<vmem>>, vector<16xf32>,
      tpu.vector_store %arg11[%swap3A_211], %while3A_159#5 {strides = array<i32>} : memref<40960xf32, #tpu.memory_space<vmem>>, vector<16xf32>,
      %mul3A_213 = arith.constant 128 : i32
      %mul3A_214 = arith.muli %sub3A_183, %mul3A_213 : i32
      %add3A_215 = arith.constant 80 : i32
      %add3A_216 = arith.addi %mul3A_214, %add3A_215 : i32
      %swap3A_217 = arith.index_cast %add3A_216 : i32 to index
      %swap3A_218 = tpu.vector_load %arg11[%swap3A_217] {strides = array<i32>} : memref<40960xf32, #tpu.memory_space<vmem>>, vector<16xf32>,
      tpu.vector_store %arg11[%swap3A_217], %while3A_159#6 {strides = array<i32>} : memref<40960xf32, #tpu.memory_space<vmem>>, vector<16xf32>,
      %mul3A_219 = arith.constant 128 : i32
      %mul3A_220 = arith.muli %sub3A_183, %mul3A_219 : i32
      %add3A_221 = arith.constant 96 : i32
      %add3A_222 = arith.addi %mul3A_220, %add3A_221 : i32
      %swap3A_223 = arith.index_cast %add3A_222 : i32 to index
      %swap3A_224 = tpu.vector_load %arg11[%swap3A_223] {strides = array<i32>} : memref<40960xf32, #tpu.memory_space<vmem>>, vector<16xf32>,
      tpu.vector_store %arg11[%swap3A_223], %while3A_159#7 {strides = array<i32>} : memref<40960xf32, #tpu.memory_space<vmem>>, vector<16xf32>,
      %mul3A_225 = arith.constant 128 : i32
      %mul3A_226 = arith.muli %sub3A_183, %mul3A_225 : i32
      %add3A_227 = arith.constant 112 : i32
      %add3A_228 = arith.addi %mul3A_226, %add3A_227 : i32
      %swap3A_229 = arith.index_cast %add3A_228 : i32 to index
      %swap3A_230 = tpu.vector_load %arg11[%swap3A_229] {strides = array<i32>} : memref<40960xf32, #tpu.memory_space<vmem>>, vector<16xf32>,
      tpu.vector_store %arg11[%swap3A_229], %while3A_159#8 {strides = array<i32>} : memref<40960xf32, #tpu.memory_space<vmem>>, vector<16xf32>,
    } else {
    }
    %mul3A_181 = arith.constant 128 : i32
    %mul3A_182 = arith.muli %mul3A_2, %mul3A_181 : i32
    "tpu.region"() ({
      %run_scoped3A = tpu.sem_alloc : memref<!tpu.dma_semaphore, #tpu.memory_space<semaphore_mem>>
      %dma_start3A = tpu.memref_slice %arg5[%mul3A_182] : memref<1310720xf32, #tpu.memory_space<hbm>> -> memref<40960xf32, #tpu.memory_space<hbm>>
      %dma_start3A_183 = tpu.memref_slice %arg5[%mul3A_182] : memref<1310720xf32, #tpu.memory_space<hbm>> -> memref<40960xf32, #tpu.memory_space<hbm>>
      tpu.enqueue_dma source(%arg11 : memref<40960xf32, #tpu.memory_space<vmem>>) target(%dma_start3A_183 : memref<40960xf32, #tpu.memory_space<hbm>>) target_semaphore(%run_scoped3A : memref<!tpu.dma_semaphore, #tpu.memory_space<semaphore_mem>>)
      %dma_wait3A = tpu.memref_slice %arg5[%mul3A_182] : memref<1310720xf32, #tpu.memory_space<hbm>> -> memref<40960xf32, #tpu.memory_space<hbm>>
      %dma_wait3A_184 = tpu.memref_slice %arg5[%mul3A_182] : memref<1310720xf32, #tpu.memory_space<hbm>> -> memref<40960xf32, #tpu.memory_space<hbm>>
      tpu.wait_dma2 semaphore(%run_scoped3A : memref<!tpu.dma_semaphore, #tpu.memory_space<semaphore_mem>>) src(%arg11 : memref<40960xf32, #tpu.memory_space<vmem>>) dst(%dma_wait3A_184 : memref<40960xf32, #tpu.memory_space<hbm>>)
      tpu.yield
    }) : () -> ()
    return
  }
}

</mosaic_0001>

<sc_bundles>
// kernel: _segment_max_sc.3.cloned.1.call-start
scs
__scs_entry_jumppad:
0x0: {  	(pc) =	sbr.rel $0x88, $3  }
0x1: {  	(tag) =	ssettag $0x0;
	lr =	simm.s32 $0x1  }
0x2: {  	[smem:$0x3F9E] =	sst lr;
	_ =	strace $0xD0000000  }
0x3: {  	_ = 	snop  }
0x4: {  	_ = 	snop  }
0x5: {  	_ = 	snop  }
0x6: {  	_ = 	snop  }
0x7: {  	_ = 	snop  }
__scs_overlays_trampoline_lowered:
0x8: {  	[smem:$0x3FAD] =	sst s0  }
0x9: {  	[smem:$0x3FAE] =	sst s1  }
0xa: {  	[smem:$0x3FAF] =	sst s2  }
0xb: {  	[smem:$0x3FB0] =	sst s3  }
0xc: {  	[smem:$0x3FB1] =	sst s4  }
0xd: {  	[smem:$0x3FB2] =	sst s5  }
0xe: {  	[smem:$0x3FB3] =	sst s6  }
0xf: {  	[smem:$0x3FB4] =	sst s7  }
0x10: {  	[smem:$0x3FB5] =	sst s8  }
0x11: {  	[smem:$0x3FB6] =	sst s9;
	s0 =	simm.s32 @!p0 $0x0  }
0x12: {  	s1 =	sld [smem:$0x3F9C];
	s0 =	simm.s32 @p0 $0x1  }
0x13: {  	[smem:$0x3FB7] =	sst s0;
	s0 =	simm.s32 @!p1 $0x0  }
0x14: {  	s2 =	sld [smem:$0x3F9B];
	s0 =	simm.s32 @p1 $0x1  }
0x15: {  	[smem:$0x3FB8] =	sst s0;
	s0 =	simm.s32 @!p2 $0x0  }
0x16: {  	s3 =	sld [smem:$0x3FDB];
	s0 =	simm.s32 @p2 $0x1  }
0x17: {  	s4 =	simm.s32 $0x1BF5;
	[smem:$0x3FBA] =	sst s0  }
0x18: {  	s0 =	sld [smem:$0x3F9D];
	_ =	swait.ge [sflag:s4], $0x0  }
0x19: {  	s7 =	sld [smem:$0x3F9E]  }
0x1a: {  	s8 =	sadd.s32 $0xFFFFE003, lr  }
0x1b: {  	s9 =	sadd.s32 $0xFFFFFEF7, lr;
	s5 =	simm.s32 $0xFFFFFFFF;
	p2 =	slt.u32 s8, $0xFFFFF086  }
0x1c: {  	p1 =	slt.u32 s9, $0xF7A;
	s5 =	simm.s32 @!p2 $0x0  }
0x1d: {  	s5 =	simm.s32 @p1 $0x1;
	p0 =	seq.s32 s7, s2  }
0x1e: {  	s7 =	smul.u32 @!p0 $0xF7A, s2;
	p2 =	seq.s32 @!p0 s5, $0x0  }
0x1f: {  	s9 =	smul.u32 $0xF7A, s1;
	s8 =	simm.s32 @!p0 $0x1BF5;
	p2 =	por !p2, p0  }
0x20: {  	[sflag:s8] =	ssyncset.s32 @!p0 $0xFFFFF086;
	s6 =	sadd.s32 @!p0 s3, s7;
	s7 =	simm.s32 @!p0 $0x108  }
0x21: {  	s3 =	sadd.s32 s3, s9;
	s6 =	sadd.s32 @!p0 $0x88, s6;
	s7 =	simm.s32 @p2 $0x1082  }
0x22: {  	[simem:s7], [sflag:s8] =	dma.local @!p0 [hbm:s6], $0xF7A  }
0x23: {  	s9 =	sor.u32 $0xD0000000, s2;
	s6 =	simm.s32 $0x108;
	_ =	swait.ge @!p0 [sflag:s8], $0x0  }
0x24: {  	s3 =	sadd.s32 $0x88, s3;
	s6 =	simm.s32 @!p1 $0x1082;
	[sflag:s4] =	ssyncset.s32 $0xFFFFF086  }
0x25: {  	[simem:s6], [sflag:s4] =	dma.local [hbm:s3], $0xF7A  }
0x26: {  	[smem:$0x3F9E] =	sst s1;
	(tag) =	ssettag s2;
	_ =	strace s9  }
0x27: {  	s1 =	sld [smem:$0x3FAE]  }
0x28: {  	s2 =	sld [smem:$0x3FAF]  }
0x29: {  	s4 =	sld [smem:$0x3FB1]  }
0x2a: {  	p0 =	seq.s32 s5, $0x0;
	s5 =	sld [smem:$0x3FB2]  }
0x2b: {  	s6 =	sld [smem:$0x3FB3]  }
0x2c: {  	s7 =	sld [smem:$0x3FB4]  }
0x2d: {  	s3 =	simm.s32 $0x108;
	s8 =	sld [smem:$0x3FB5]  }
0x2e: {  	s3 =	simm.s32 @!p0 $0x1082;
	s9 =	sld [smem:$0x3FB6]  }
0x2f: {  	lr =	sadd.s32 s0, s3;
	s0 =	sld [smem:$0x3FAD]  }
0x30: {  	s3 =	sld [smem:$0x3FB0]  }
0x31: {  	[smem:$0x3FB9] =	sst s10  }
0x32: {  	s10 =	sld [smem:$0x3FB7];
	_ =	sdelay $0x3  }
0x33: {  	p0 =	seq.s32 s10, $0x1;
	s10 =	sld [smem:$0x3FB9];
	_ =	sdelay $0x3  }
0x34: {  	[smem:$0x3FB9] =	sst s10  }
0x35: {  	s10 =	sld [smem:$0x3FB8];
	_ =	sdelay $0x3  }
0x36: {  	p1 =	seq.s32 s10, $0x1;
	s10 =	sld [smem:$0x3FB9];
	_ =	sdelay $0x3  }
0x37: {  	[smem:$0x3FB9] =	sst s10  }
0x38: {  	s10 =	sld [smem:$0x3FBA]  }
0x39: {  	_ = 	snop;
	(pc) =	sbr.ind lr, $3  }
0x3a: {  	_ = 	snop  }
0x3b: {  	_ = 	snop  }
0x3c: {  	p2 =	seq.s32 s10, $0x1;
	s10 =	sld [smem:$0x3FB9]  }
0x3d: {  	_ =	shalt  }
0x3e: {  	_ =	shalt  }
0x3f: {  	_ =	shalt  }
0x40: {  	_ =	shalt  }
0x41: {  	_ =	shalt  }
0x42: {  	_ =	shalt  }
0x43: {  	_ =	shalt  }
0x44: {  	_ =	shalt  }
0x45: {  	_ =	shalt  }
0x46: {  	_ =	shalt  }
0x47: {  	_ =	shalt  }
0x48: {  	_ =	shalt  }
0x49: {  	_ =	shalt  }
0x4a: {  	_ =	shalt  }
0x4b: {  	_ =	shalt  }
0x4c: {  	_ =	shalt  }
0x4d: {  	_ =	shalt  }
0x4e: {  	_ =	shalt  }
0x4f: {  	_ =	shalt  }
0x50: {  	_ =	shalt  }
0x51: {  	_ =	shalt  }
0x52: {  	_ =	shalt  }
0x53: {  	_ =	shalt  }
0x54: {  	_ =	shalt  }
0x55: {  	_ =	shalt  }
0x56: {  	_ =	shalt  }
0x57: {  	_ =	shalt  }
0x58: {  	_ =	shalt  }
0x59: {  	_ =	shalt  }
0x5a: {  	_ =	shalt  }
0x5b: {  	_ =	shalt  }
0x5c: {  	_ =	shalt  }
0x5d: {  	_ =	shalt  }
0x5e: {  	_ =	shalt  }
0x5f: {  	_ =	shalt  }
0x60: {  	_ =	shalt  }
0x61: {  	_ =	shalt  }
0x62: {  	_ =	shalt  }
0x63: {  	_ =	shalt  }
0x64: {  	_ =	shalt  }
0x65: {  	_ =	shalt  }
0x66: {  	_ =	shalt  }
0x67: {  	_ =	shalt  }
0x68: {  	_ =	shalt  }
0x69: {  	_ =	shalt  }
0x6a: {  	_ =	shalt  }
0x6b: {  	_ =	shalt  }
0x6c: {  	_ =	shalt  }
0x6d: {  	_ =	shalt  }
0x6e: {  	_ =	shalt  }
0x6f: {  	_ =	shalt  }
0x70: {  	_ =	shalt  }
0x71: {  	_ =	shalt  }
0x72: {  	_ =	shalt  }
0x73: {  	_ =	shalt  }
0x74: {  	_ =	shalt  }
0x75: {  	_ =	shalt  }
0x76: {  	_ =	shalt  }
0x77: {  	_ =	shalt  }
0x78: {  	_ =	shalt  }
0x79: {  	_ =	shalt  }
0x7a: {  	_ =	shalt  }
0x7b: {  	_ =	shalt  }
0x7c: {  	_ =	shalt  }
0x7d: {  	_ =	shalt  }
0x7e: {  	_ =	shalt  }
0x7f: {  	_ =	shalt  }
0x80: {  	_ =	shalt  }
0x81: {  	_ =	shalt  }
0x82: {  	_ =	shalt  }
0x83: {  	_ =	shalt  }
0x84: {  	_ =	shalt  }
0x85: {  	_ =	shalt  }
0x86: {  	_ =	shalt  }
0x87: {  	_ =	shalt  }
.Lfunc_end0:
.L_simem_size_0:
called_computation_lowered:
.L_overlay_start_0:
0x88: {  	s2 =	sld [smem:$0x3FD9]  }
0x89: {  	s3 =	sld [smem:$0x3FFE];
	_ =	sdelay $0x1  }
0x8a: {  	s1 =	srdreg.scid  }
0x8b: {  	s0 =	sand.u32 $0x1, s1  }
0x8c: {  	s18 =	sshll.u32 s0, $0xA;
	s2 =	sadd.s32 s3, s2  }
0x8d: {  	s2 =	sadd.s32 s2, s18  }
0x8e: {  	[smem:$0x3FC5] =	sst s2  }
0x8f: {  	_ = 	snop  }
0x90: {  	s2 =	sld [smem:$0x3FC9]  }
0x91: {  	s19 =	sld [smem:$0x3FC8]  }
0x92: {  	s4 =	sld [smem:$0x3FC7]  }
0x93: {  	s5 =	sld [smem:$0x3FD0];
	(tm) =	ssettm $0x1  }
0x94: {  	s6 =	sld [smem:$0x3FFB];
	_ =	sdelay $0x3  }
0x95: {  	_ =	strace s6  }
0x96: {  	s6 =	sld [smem:$0x3FFC];
	_ =	sdelay $0x3  }
0x97: {  	_ =	strace s6  }
0x98: {  	s6 =	sld [smem:$0x3FFD];
	_ =	sdelay $0x3  }
0x99: {  	_ =	strace s6  }
0x9a: {  	_ =	strace $0x8FFFFFFF  }
0x9b: {  	s20 =	sld [smem:$0x3FDB];
	_ =	sdelay $0x1  }
0x9c: {  	s7 =	simm.s32 $_scs_section_size  }
0x9d: {  	s8 =	simm.s32 $_size__tile_overlayer_lowered;
	s9 =	simm.s32 $_tile_overlayer_lowered  }
0x9e: {  	s23 =	simm.s32 $0x1BFF;
	s22 =	sshll.u32 s9, $0x1;
	s6 =	sadd.s32 s7, s20  }
0x9f: {  	s10 =	simm.s32 $0x0;
	s21 =	sshll.u32 s8, $0x1;
	s8 =	sadd.s32 s22, s6  }
0xa0: {  	[timem:s10], [sflag:s23] =	dma.local [hbm:s8], s21  }
0xa1: {  	_ =	swait.ge [sflag:s23], s21  }
0xa2: {  	s7 =	ssub.s32 $0x0, s21;
	[sflag:s23] =	ssyncset.done $0x0  }
0xa3: {  	[sflag:s23] =	ssyncadd.s32 s7;
	_ =	sdelay $0x1  }
0xa4: {  	s24 =	simm.s32 $0x1B8B  }
0xa5: {  	_ =	swait.ge [sflag:s24], $0x1  }
0xa6: {  	[sflag:s24] =	ssyncset.done $0x0  }
0xa7: {  	s25 =	simm.s32 $0x1B8E;
	[sflag:s24] =	ssyncadd.s32 $0xFFFFFFFF  }
0xa8: {  	s26 =	simm.s32 $execute0_lowered;
	[smem:$0x3FD2] =	sst s25  }
0xa9: {  	s7 =	sshll.u32 s26, $0x1;
	_ =	strace $0x80000046;
	[dreg:$0x1] =	wrdreg $0xFFFFFFFF  }
0xaa: {  	s28 =	simm.s32 $_size_execute0_lowered;
	s6 =	sadd.s32 s6, s7;
	[dreg:$0x0] =	wrdreg $0x0  }
0xab: {  	s7 =	sshll.u32 s28, $0x1;
	[dreg:$0x2] =	wrdreg s6  }
0xac: {  	[dreg:$0x3] =	wrdreg s7  }
0xad: {  	[dreg:$0x4] =	wrdreg $0xC0  }
0xae: {  	_ =	task [dreg:s10], $0x5FFFF  }
0xaf: {  	[dreg:$0x1] =	wrdreg $0xFFFFFFFF  }
0xb0: {  	[dreg:$0x0] =	wrdreg $0x60  }
0xb1: {  	[dreg:$0x2] =	wrdreg s2  }
0xb2: {  	[dreg:$0x3] =	wrdreg s19  }
0xb3: {  	[dreg:$0x4] =	wrdreg s4  }
0xb4: {  	[dreg:$0x5] =	wrdreg s5  }
0xb5: {  	[dreg:$0x6] =	wrdreg $0x9  }
0xb6: {  	_ =	task.clear_ibuf [dreg:s10], $0x7FFFF;
	_ =	strace $0x90000046  }
0xb7: {  	s29 =	simm.s32 $0x9;
	_ =	strace $0x80000048  }
0xb8: {  	_ =	swait.ge [sflag:s29], $0x1  }
0xb9: {  	[sflag:s29] =	ssyncadd.s32 $0xFFFFFFFF  }
0xba: {  	_ =	strace $0x90000048  }
0xbb: {  	_ =	sfence  }
0xbc: {  	s30 =	sld [smem:$0x0];
	_ =	sdelay $0x2  }
0xbd: {  	s31 =	sshll.u32 s1, $0xD;
	s1 =	sshrl.u32 s1, $0x2  }
0xbe: {  	s3 =	sand.u32 $0x4000, s31;
	s1 =	sadd.s32 s1, s30  }
0xbf: {  	s0 =	sor.u32 s3, s0;
	s1 =	sshll.u32 s1, $0x11  }
0xc0: {  	s0 =	sor.u32 s1, s0  }
0xc1: {  	s0 =	sadd.s32 $0x8F2B, s0  }
0xc2: {  	[sflag:s0] =	ssyncadd.remote.s32 $0x1  }
0xc3: {  	_ =	sfence.sel $0xFFFF  }
0xc4: {  	[dreg:$0x0] =	wrdreg $0xFFFFFFFF;
	(pc) =	sbr.abs _section_cstart, $3  }
0xc5: {  	[dreg:$0x1] =	wrdreg $0xFFFFFFFF  }
0xc6: {  	_ =	task.clear_ibuf [dreg:s10], $0x2FFFF;
	_ =	strace $0x9FFFFFFF  }
0xc7: {  	(tm) =	ssettm $0x7FFFFFFF  }
tec
execute0_lowered:
.L_overlay_start_1:
0x0: {  	(tag) =	ssettag $0x1  }
0x1: {  	s1 =	rddreg [dreg:$0x0]  }
0x2: {  	s0 =	srdreg.scid;
	s4 =	stileid.u32  }
0x3: {  	s2 =	rddreg [dreg:$0x1];
	s0 =	sand.u32 $0x1, s0;
	s4 =	sshll.u32 s4, $0x1  }
0x4: {  	s3 =	rddreg [dreg:$0x3];
	s7 =	sor.u32 s0, s4  }
0x5: {  	v0 =	vimm.s32 $0xEDCBA987;
	v1 =	vimm.s32 $0x6543210F;
	s6 =	simm.s32 $0x0;
	s11 =	simm.s32 $0x1E380;
	s4 =	smul.u32 $0x1400, s7  }
.Ltmp0:
0x6: {  	v0 =	vunpack.c.l.s4.s8 v0;
	v1 =	vunpack.c.l.s4.s8 v1;
	[smem:$0x7FF] =	sst s6;
	s0 =	ssub.s32 $0x2, s0;
	(pc) =	sbr.rel .LBB2_1-.Ltmp0, $4  }
0x7: {  	s12 =	simm.s32 $0x1E500;
	_ =	strace $0x80000047;
	s5 =	sshrl.u32 s0, $0x1  }
0x8: {  	v2 =	vunpack.c.0.s8.s32 v0;
	v1 =	vunpack.c.0.s8.s32 v1;
	[dreg:$0x5] =	wrdreg s7;
	s0 =	ssub.s32 s0, s5;
	s3 =	sadd.s32 s3, s4  }
0x9: {  	v3 =	vlaneseq.u32;
	v4 =	vimm.s32 $0xF;
	s7 =	smul.u32 $0x140, s7;
	s0 =	smax.u32 s0, $0x1;
	[dreg:$0x6] =	wrdreg s3  }
0xa: {  	v0 =	vimm.f32 $0.0e+00;
	v1 =	vcombine.low v1, v2;
	v2 =	vimm.s32 $0x0;
	s4 =	simm.s32 $0x0;
	[dreg:$0x7] =	wrdreg s0;
	s3 =	simm.s32 $0x3  }
.LBB2_4:
0xb: {  	v6 =	vimm.f32 $0.0e+00;
	v5 =	vimm.f32 $0.0e+00  }
0xc: {  	v9 =	vimm.f32 $0.0e+00;
	v8 =	vimm.f32 $0.0e+00;
	v7 =	vimm.f32 $0.0e+00  }
0xd: {  	s28 =	simm.s32 $0xFFFFFFFF;
	v12 =	vimm.f32 $0.0e+00;
	v11 =	vimm.f32 $0.0e+00;
	v10 =	vimm.f32 $0.0e+00  }
.LBB2_39:
0xe: {  	s0 =	sshll.u32 s19, $0x1  }
0xf: {  	p0 =	sge.s32 s0, s15  }
0x10: {  	s3 =	simm.s32 @!p0 $0x1  }
0x11: {  	_ =	swait.ge @!p0 [sflag:s3], $0xA000  }
0x12: {  	[sflag:s3] =	ssyncset.done @!p0 $0x0  }
0x13: {  	[sflag:s3] =	ssyncadd.s32 @!p0 $0xFFFF6000  }
0x14: {  	s0 =	sor.u32 $0x1, s0;
	_ =	swait.ge @!p0 [sflag:s3], $0x140  }
0x15: {  	p1 =	sge.s32 s0, s15;
	[sflag:s3] =	ssyncset.done @!p0 $0x0  }
0x16: {  	s0 =	simm.s32 @!p1 $0x2;
	[sflag:s3] =	ssyncadd.s32 @!p0 $0xFFFFFEC0  }
0x17: {  	_ =	swait.ge @!p1 [sflag:s0], $0xA000  }
0x18: {  	[sflag:s0] =	ssyncset.done @!p1 $0x0  }
0x19: {  	s3 =	ssub.s32 s28, s7;
	[sflag:s0] =	ssyncadd.s32 @!p1 $0xFFFF6000  }
0x1a: {  	p0 =	sgt.u32 s3, $0x13F;
	_ =	swait.ge @!p1 [sflag:s0], $0x140  }
0x1b: {  	s3 =	sshll.u32 @!p0 s3, $0x7;
	[sflag:s0] =	ssyncset.done @!p1 $0x0  }
0x1c: {  	[sflag:s0] =	ssyncadd.s32 @!p1 $0xFFFFFEC0;
	s0 =	sand.u32 @!p0 $0x3FFFFF80, s3  }
0x1d: {  	[tilespmem:s0+$0x14380] =	vst @!p0 v6  }
0x1e: {  	[tilespmem:s0+$0x14390] =	vst @!p0 v5  }
0x1f: {  	[tilespmem:s0+$0x143A0] =	vst @!p0 v9  }
0x20: {  	[tilespmem:s0+$0x143B0] =	vst @!p0 v8  }
0x21: {  	[tilespmem:s0+$0x143C0] =	vst @!p0 v7  }
0x22: {  	[tilespmem:s0+$0x143D0] =	vst @!p0 v12  }
0x23: {  	s6 =	simm.s32 $0x0;
	[tilespmem:s0+$0x143E0] =	vst @!p0 v11  }
0x24: {  	s30 =	simm.s32 $0x14380;
	s29 =	rddreg [dreg:$0x6];
	s3 =	simm.s32 $0x3;
	[tilespmem:s0+$0x143F0] =	vst @!p0 v10  }
0x25: {  	[hbm4b:s29+s6] =	stream.linear.scatter [tilespmem:s30], [sflag:$0x3], $0xA000, $0x38;
	[tilespmem:$0x1E680] =	vst v63  }
0x26: {  	_ =	swait.ge [sflag:s3], $0xA000  }
0x27: {  	s4 =	rddreg [dreg:$0x8]  }
0x28: {  	s31 =	rddreg [dreg:$0x7];
	s4 =	sadd.s32 $0x1, s4  }
0x29: {  	p0 =	sne.s32 s4, s31  }
.Ltmp1:
0x2a: {  	_ = 	snop;
	(pc) =	sbr.rel @!p0 .LBB2_40-.Ltmp1, $3  }
0x2b: {  	_ =	sdelay $0x1  }
0x2c: {  	[sflag:s3] =	ssyncset.done $0x0  }
0x2d: {  	[sflag:s3] =	ssyncadd.s32 $0xFFFF6000  }
.LBB2_1:
0x2e: {  	[dreg:$0x8] =	wrdreg s4  }
0x2f: {  	s0 =	rddreg [dreg:$0x2]  }
0x30: {  	[tilespmem:s6], [sflag:$0x3] =	stream.linear.gather [hbm4b:s0+s6], $0x80, $0x38;
	[tilespmem:$0x1E680] =	vst v63  }
0x31: {  	_ =	swait.ge [sflag:s3], $0x80  }
0x32: {  	[sflag:s3] =	ssyncset.done $0x0  }
0x33: {  	s31 =	rddreg [dreg:$0x5];
	[sflag:s3] =	ssyncadd.s32 $0xFFFFFF80  }
0x34: {  	v5 =	vld [tilespmem:s31+$0x0]  }
0x35: {  	s0 =	simm.s32 $0x0;
	s3 =	simm.s32 $0x200;
	v6 =	vld [tilespmem:s31+$0x1]  }
.LBB2_2:
0x36: {  	p0 =	sne.s32 s3, $0x27E00;
	[tilespmem:s0+$0x143F0] =	vst v0  }
0x37: {  	[tilespmem:s0+$0x14380] =	vst v0  }
0x38: {  	[tilespmem:s0+$0x14390] =	vst v0  }
.Ltmp2:
0x39: {  	[tilespmem:s0+$0x143A0] =	vst v0;
	(pc) =	sbr.rel @p0 .LBB2_2-.Ltmp2, $4  }
0x3a: {  	[tilespmem:s0+$0x143B0] =	vst v0  }
0x3b: {  	[tilespmem:s0+$0x143C0] =	vst v0  }
0x3c: {  	[tilespmem:s0+$0x143D0] =	vst v0  }
0x3d: {  	[tilespmem:s0+$0x143E0] =	vst v0;
	s0 =	sshra.s32 s3, $0x2;
	s3 =	sadd.s32 $0x200, s3  }
0x3e: {  	(v2sf) =	vpush v5, $0x0  }
0x3f: {  	(v2sf) =	vpush v6, $0x0;
	_ =	sdelay $0xd  }
0x40: {  	s3 =	spop (v2sf)  }
0x41: {  	s4 =	spop (v2sf);
	s5 =	sshra.s32 s3, $0x1F;
	s6 =	sand.u32 $0xF, s3  }
0x42: {  	p0 =	slt.s32 s3, $0x1;
	s5 =	sshrl.u32 s5, $0x1C;
	p1 =	sne.s32 s6, $0x0  }
0x43: {  	s4 =	sadd.s32 $0xF, s4;
	s3 =	sadd.s32 s5, s3;
	p0 =	por !p0, !p1  }
0x44: {  	s23 =	sand.u32 $0xF, s4;
	s24 =	sshra.s32 s4, $0x1F;
	p4 =	slt.s32 s4, $0x1  }
0x45: {  	s5 =	simm.s32 $0x1;
	s3 =	sshra.s32 s3, $0x4;
	p2 =	sne.s32 s23, $0x0  }
0x46: {  	p0 =	por !p0, !p0;
	s6 =	sshrl.u32 s24, $0x1C;
	p1 =	por !p4, !p2  }
0x47: {  	s4 =	sadd.s32 s6, s4;
	s6 =	simm.s32 $0x1;
	p1 =	por !p1, !p1  }
0x48: {  	s5 =	simm.s32 @!p0 $0x0;
	s4 =	sshrl.u32 s4, $0x4;
	s6 =	simm.s32 @!p1 $0x0  }
0x49: {  	s3 =	ssub.s32 s3, s5;
	s4 =	ssub.s32 s4, s6  }
0x4a: {  	s16 =	sshll.u32 s3, $0x4;
	s17 =	sshll.u32 s4, $0x4  }
0x4b: {  	s18 =	ssub.s32 s17, s16  }
0x4c: {  	s25 =	sadd.s32 $0x13F, s18  }
0x4d: {  	s26 =	smulhi.u32 $0x66666667, s25;
	s4 =	sshra.s32 s25, $0x1F  }
0x4e: {  	s28 =	smul.u32 $0x66666667, s4;
	_ =	sdelay $0x1  }
0x4f: {  	s5 =	sadd.s32 s28, s26  }
0x50: {  	s6 =	sshrl.u32 s5, $0x1F;
	s5 =	sshra.s32 s5, $0x7  }
0x51: {  	s5 =	sadd.s32 s6, s5  }
0x52: {  	[tilespmem:s0+$0x143F0] =	vst v0;
	s15 =	sadd.s32 s4, s5  }
0x53: {  	[tilespmem:s0+$0x14380] =	vst v0;
	p1 =	slt.s32 s15, $0x1  }
0x54: {  	[tilespmem:s0+$0x14390] =	vst v0;
	p0 =	slt.s32 @!p1 s16, $0x4E0C0  }
0x55: {  	[tilespmem:s0+$0x143A0] =	vst v0;
	s4 =	smov.u32 s16;
	p0 =	por !p0, p1  }
0x56: {  	[tilespmem:s0+$0x143B0] =	vst v0;
	s4 =	simm.s32 @p0 $0x4E0C0  }
0x57: {  	[tilespmem:s0+$0x143C0] =	vst v0;
	s5 =	sshll.u32 @!p1 s4, $0x4  }
0x58: {  	[tilespmem:s0+$0x143D0] =	vst v0;
	s5 =	sand.u32 @!p1 $0x1FFFFF00, s5  }
0x59: {  	[tilespmem:s0+$0x143E0] =	vst v0;
	s6 =	simm.s32 @!p1 $0x80;
	s0 =	sadd.s32 @!p1 s1, s5;
	s5 =	simm.s32 @!p1 $0x0  }
0x5a: {  	[tilespmem:s6], [sflag:$0x1] =	stream.linear.gather @!p1 [hbm4b:s0+s5], $0xA000, $0x38;
	[tilespmem:$0x1E680] =	vst v63  }
0x5b: {  	p2 =	seq.s32 @!p1 s15, $0x1;
	s0 =	sshrl.u32 @!p1 s4, $0x3  }
0x5c: {  	p0 =	por p2, p1;
	s4 =	simm.s32 @!p1 $0x14080;
	s0 =	sadd.s32 @!p1 s2, s0  }
0x5d: {  	[tilespmem:s4], [sflag:$0x1] =	stream.linear.gather @!p1 [hbm4b:s0+s5], $0x140, $0x38;
	[tilespmem:$0x1E680] =	vst v63  }
0x5e: {  	s0 =	sadd.s32 @!p0 $0x140, s16  }
0x5f: {  	p3 =	slt.s32 @!p0 s0, $0x4E0C0  }
0x60: {  	p2 =	por @!p1 !p3, p2  }
0x61: {  	p1 =	por !p2, p1  }
0x62: {  	s29 =	sadd.s32 $0x1, s15;
	p5 =	slt.s32 s15, $0x0;
	s0 =	simm.s32 @!p1 $0x4E0C0  }
0x63: {  	s30 =	sand.u32 $0x1, s29;
	s31 =	sshrl.u32 s29, $0x1F;
	s6 =	sshll.u32 @!p0 s0, $0x4  }
0x64: {  	p6 =	seq.s32 s30, $0x1;
	s8 =	simm.s32 @!p0 $0xA080;
	s5 =	sand.u32 @!p0 $0x1FFFFF00, s6  }
0x65: {  	p1 =	por !p5, !p6;
	s6 =	simm.s32 @!p0 $0x0;
	s5 =	sadd.s32 @!p0 s1, s5  }
0x66: {  	[tilespmem:s8], [sflag:$0x2] =	stream.linear.gather @!p0 [hbm4b:s5+s6], $0xA000, $0x38;
	[tilespmem:$0x1E680] =	vst v63  }
0x67: {  	s4 =	sadd.s32 s31, s29;
	p1 =	por !p1, !p1;
	s5 =	simm.s32 $0x1  }
0x68: {  	s4 =	sshra.s32 s4, $0x1;
	s0 =	sshrl.u32 @!p0 s0, $0x3;
	s5 =	simm.s32 @!p1 $0x0  }
0x69: {  	s0 =	sadd.s32 @!p0 s2, s0;
	s19 =	ssub.s32 s4, s5;
	s4 =	simm.s32 @!p0 $0x14200  }
0x6a: {  	[tilespmem:s4], [sflag:$0x2] =	stream.linear.gather @!p0 [hbm4b:s0+s6], $0x140, $0x38;
	[tilespmem:$0x1E680] =	vst v63  }
0x6b: {  	p0 =	slt.s32 s19, $0x1  }
.Ltmp3:
0x6c: {  	_ = 	snop;
	(pc) =	sbr.rel @p0 .LBB2_4-.Ltmp3, $1  }
0x6d: {  	_ =	sdelay $0x3  }
.Ltmp4:
0x6e: {  	(pc) =	sbr.rel .LBB2_6-.Ltmp4, $4  }
0x6f: {  	s0 =	sshll.u32 s3, $0x6  }
0x70: {  	s31 =	ssub.s32 s17, s16;
	v10 =	vimm.f32 $0.0e+00;
	v11 =	vimm.f32 $0.0e+00;
	s23 =	sadd.s32 $0x140, s16;
	s24 =	simm.s32 $0x0  }
0x71: {  	v12 =	vimm.f32 $0.0e+00;
	v7 =	vimm.f32 $0.0e+00;
	v8 =	vimm.f32 $0.0e+00;
	s28 =	simm.s32 $0xFFFFFFFF;
	s25 =	smov.u32 s16;
	s0 =	sshra.s32 s0, $0x2  }
0x72: {  	v9 =	vimm.f32 $0.0e+00;
	v5 =	vimm.f32 $0.0e+00;
	v6 =	vimm.f32 $0.0e+00;
	s20 =	sadd.s32 $0xFFFFFEC0, s31;
	s21 =	sadd.s32 $0x14080, s0;
	s22 =	sadd.s32 $0x14340, s0  }
.LBB2_28:
0x73: {  	s28 =	smov.u32 s29  }
.LBB2_38:
0x74: {  	s0 =	sadd.s32 $0x3, s26  }
0x75: {  	p0 =	sge.s32 s0, s15  }
0x76: {  	s0 =	smul.u32 @!p0 $0x140, s0;
	_ =	sdelay $0x1  }
0x77: {  	s0 =	sadd.s32 @!p0 s16, s0  }
0x78: {  	p1 =	slt.s32 @!p0 s0, $0x4E0C0  }
0x79: {  	p1 =	por !p1, p0  }
0x7a: {  	s0 =	simm.s32 @p1 $0x4E0C0  }
0x7b: {  	s3 =	sshll.u32 @!p0 s0, $0x4  }
0x7c: {  	s4 =	simm.s32 @!p0 $0x0;
	s3 =	sand.u32 @!p0 $0x1FFFFF00, s3  }
0x7d: {  	s5 =	simm.s32 @!p0 $0xA080;
	s0 =	sshrl.u32 @!p0 s0, $0x3;
	s3 =	sadd.s32 @!p0 s1, s3  }
0x7e: {  	[tilespmem:s5], [sflag:$0x2] =	stream.linear.gather @!p0 [hbm4b:s3+s4], $0xA000, $0x38;
	[tilespmem:$0x1E680] =	vst v63  }
0x7f: {  	s24 =	sadd.s32 $0x1, s24;
	s0 =	sadd.s32 @!p0 s2, s0;
	s3 =	simm.s32 @!p0 $0x14200  }
0x80: {  	[tilespmem:s3], [sflag:$0x2] =	stream.linear.gather @!p0 [hbm4b:s0+s4], $0x140, $0x38;
	[tilespmem:$0x1E680] =	vst v63  }
0x81: {  	p0 =	sne.s32 s24, s19  }
.Ltmp5:
0x82: {  	_ = 	snop;
	(pc) =	sbr.rel @!p0 .LBB2_39-.Ltmp5, $3  }
0x83: {  	_ =	sdelay $0x1  }
0x84: {  	s18 =	sadd.s32 $0xFFFFFD80, s18;
	s20 =	sadd.s32 $0xFFFFFD80, s20;
	s21 =	sadd.s32 $0x280, s21  }
0x85: {  	s25 =	sadd.s32 $0x280, s25;
	s22 =	sadd.s32 $0x280, s22;
	s23 =	sadd.s32 $0x280, s23  }
.LBB2_6:
0x86: {  	s0 =	smul.u32 $0x280, s24  }
0x87: {  	s26 =	sshll.u32 s24, $0x1  }
0x88: {  	p0 =	sge.s32 s26, s15;
	s0 =	sadd.s32 s16, s0  }
0x89: {  	s4 =	simm.s32 @!p0 $0x1;
	s3 =	ssub.s32 s17, s0  }
0x8a: {  	_ =	swait.ge @!p0 [sflag:s4], $0xA000;
	p2 =	slt.s32 s3, $0x1  }
.Ltmp6:
0x8b: {  	[sflag:s4] =	ssyncset.done @!p0 $0x0;
	(pc) =	sbr.rel @p2 .LBB2_7-.Ltmp6, $4  }
0x8c: {  	[sflag:s4] =	ssyncadd.s32 @!p0 $0xFFFF6000  }
0x8d: {  	_ =	swait.ge @!p0 [sflag:s4], $0x140  }
0x8e: {  	p1 =	slt.s32 s25, $0x4E0C0;
	s0 =	smov.u32 s25;
	[sflag:s4] =	ssyncset.done @!p0 $0x0  }
0x8f: {  	s0 =	simm.s32 @!p1 $0x4E0C0;
	[sflag:s4] =	ssyncadd.s32 @!p0 $0xFFFFFEC0  }
0x90: {  	s4 =	sshll.u32 s0, $0x2  }
0x91: {  	s4 =	ssub.s32 $0x0, s4  }
0x92: {  	s4 =	sshra.s32 s4, $0x2  }
0x93: {  	s4 =	sadd.s32 s4, s21  }
0x94: {  	v13 =	vld [tilespmem:s4+$0x0];
	_ =	sdelay $0x4  }
0x95: {  	v14 =	vperm.xlane v13, v1  }
0x96: {  	v15 =	vmov s28;
	vm0 =	vmmov $0x1  }
0x97: {  	v14 =	vsel vm0, v15, v14  }
0x98: {  	vm1 =	vne.s32 v13, v14  }
0x99: {  	v14 =	vsel vm1, $0x1, v2  }
0x9a: {  	(xrf0) =	vadd.scan.msk.s32 $0xffff, v14;
	_ =	sdelay $0x1  }
0x9b: {  	p0 =	sgt.s32 s18, $0x0;
	s5 =	smov.u32 s18  }
0x9c: {  	s5 =	simm.s32 @!p0 $0x0  }
0x9d: {  	s5 =	smin.u32 s5, $0x140  }
0x9e: {  	s5 =	sshrl.u32 s5, $0x4  }
0x9f: {  	s5 =	smax.u32 s5, $0x1;
	v14 =	vimm.s32 $0x0;
	v15, _, _ =	vpop (xrf0)  }
0xa0: {  	s5 =	sshll.u32 s5, $0x4;
	v16 =	vadd.s32 v15, v14  }
0xa1: {  	p0 =	sne.s32 s5, $0x10;
	v16 =	vadd.s32 $0xFFFFFFFF, v16  }
.Ltmp7:
0xa2: {  	_ = 	snop;
	(pc) =	sbr.rel @!p0 .LBB2_10-.Ltmp7, $4  }
0xa3: {  	v15 =	vperm.xlane v15, v4  }
0xa4: {  	s6 =	simm.s32 $0x0  }
0xa5: {  	v17 =	vor.u32 s6, v3;
	v14 =	vadd.s32 v14, v15;
	v15 =	vperm.xlane v13, v4  }
0xa6: {  	s6 =	simm.s32 $0x10;
	[tilespmem:v16+s11+$0x0] =	vst.idx.msk vm1, v17  }
.LBB2_9:
0xa7: {  	[tilespmem:v16+s12+$0x0] =	vst.idx.msk vm1, v13;
	s4 =	sadd.s32 $0x10, s4;
	v16 =	vmov v15;
	s8 =	smov.u32 s6;
	s6 =	sadd.s32 $0x10, s6  }
0xa8: {  	v13 =	vld [tilespmem:s4+$0x0];
	p0 =	sne.s32 s5, s6;
	_ =	sdelay $0x4  }
0xa9: {  	v17 =	vperm.xlane v13, v1;
	v15 =	vperm.xlane v13, v4;
	_ =	sdelay $0x1  }
0xaa: {  	v16 =	vsel vm0, v16, v17  }
0xab: {  	vm1 =	vne.s32 v13, v16  }
0xac: {  	v16 =	vsel vm1, $0x1, v2  }
0xad: {  	(xrf0) =	vadd.scan.msk.s32 $0xffff, v16;
	_ =	sdelay $0x5  }
0xae: {  	v16, _, _ =	vpop (xrf0)  }
0xaf: {  	v17 =	vadd.s32 v16, v14;
	v18 =	vperm.xlane v16, v4  }
0xb0: {  	v16 =	vadd.s32 $0xFFFFFFFF, v17  }
.Ltmp8:
0xb1: {  	v14 =	vadd.s32 v14, v18;
	(pc) =	sbr.rel @p0 .LBB2_9-.Ltmp8, $3  }
0xb2: {  	_ =	sdelay $0x1  }
0xb3: {  	v17 =	vor.u32 s8, v3  }
0xb4: {  	[tilespmem:v16+s11+$0x0] =	vst.idx.msk vm1, v17  }
.LBB2_10:
0xb5: {  	_ = 	snop  }
.Ltmp9:
0xb6: {  	_ = 	snop;
	(pc) =	sbr.rel .LBB2_11-.Ltmp9, $2  }
0xb7: {  	_ =	sdelay $0x2  }
0xb8: {  	[tilespmem:v16+s12+$0x0] =	vst.idx.msk vm1, v13  }
.LBB2_7:
0xb9: {  	v14 =	vimm.s32 $0x0  }
.LBB2_11:
0xba: {  	(v2sf) =	vpush v14, $0x0;
	_ =	sdelay $0xe  }
0xbb: {  	s30 =	spop (v2sf)  }
0xbc: {  	p0 =	sgt.u32 s30, $0x7FFFFFFE  }
.Ltmp10:
0xbd: {  	_ = 	snop;
	(pc) =	sbr.rel @p0 .LBB2_12-.Ltmp10, $1  }
0xbe: {  	_ =	sdelay $0x3  }
.Ltmp11:
0xbf: {  	(pc) =	sbr.rel .LBB2_14-.Ltmp11, $4  }
0xc0: {  	_ = 	snop  }
0xc1: {  	p0 =	sgt.s32 s3, $0x0;
	s4 =	smax.u32 s30, $0x1;
	s0 =	ssub.s32 s25, s0  }
0xc2: {  	s10 =	simm.s32 $0x0;
	s13 =	simm.s32 $0x0;
	s3 =	simm.s32 @!p0 $0x0  }
0xc3: {  	s4 =	sadd.s32 $0xFFFFFFFF, s4;
	s5 =	smin.u32 s3, $0x140;
	s3 =	simm.s32 $0x0  }
.LBB2_21:
0xc4: {  	s29 =	smov.u32 s3  }
0xc5: {  	s29 =	smov.u32 @p0 s28;
	p0 =	sne.s32 s13, s30  }
.Ltmp12:
0xc6: {  	_ = 	snop;
	(pc) =	sbr.rel @!p0 .LBB2_22-.Ltmp12, $3  }
0xc7: {  	_ =	sdelay $0x1  }
0xc8: {  	s6 =	sadd.s32 $0x1, s13;
	s3 =	smov.u32 s8  }
0xc9: {  	s10 =	smov.u32 s31;
	s13 =	smov.u32 s6;
	s28 =	smov.u32 s29  }
.LBB2_14:
0xca: {  	p0 =	slt.s32 s13, s4;
	s6 =	smov.u32 s4  }
0xcb: {  	s6 =	smov.u32 @p0 s13  }
0xcc: {  	v13 =	vld [tilespmem:s6+$0x1E380];
	_ =	sdelay $0x4  }
0xcd: {  	(v2sf) =	vpush v13, $0x0;
	_ =	sdelay $0x7  }
0xce: {  	v13 =	vld [tilespmem:s6+$0x1E500];
	_ =	sdelay $0x2  }
0xcf: {  	p0 =	seq.s32 s13, $0x0;
	s6 =	ssub.s32 s28, s7  }
0xd0: {  	p1 =	sgt.u32 @!p0 s6, $0x13F  }
0xd1: {  	p1 =	por p1, p0;
	(v2sf) =	vpush v13, $0x0  }
0xd2: {  	p2 =	slt.s32 s13, s30;
	s6 =	sshll.u32 @!p1 s6, $0x7  }
0xd3: {  	s31 =	smov.u32 s5;
	s14 =	sand.u32 @!p1 $0x3FFFFF80, s6;
	s8 =	spop (v2sf)  }
0xd4: {  	[tilespmem:s14+$0x14380] =	vst @!p1 v6;
	s31 =	smov.u32 @p2 s8  }
0xd5: {  	[tilespmem:s14+$0x14390] =	vst @!p1 v5;
	s29 =	ssub.s32 s31, s10  }
0xd6: {  	[tilespmem:s14+$0x143A0] =	vst @!p1 v9;
	s9 =	sshra.s32 s29, $0x1F  }
0xd7: {  	[tilespmem:s14+$0x143B0] =	vst @!p1 v8;
	s6 =	sshrl.u32 s9, $0x1D  }
0xd8: {  	[tilespmem:s14+$0x143C0] =	vst @!p1 v7;
	s6 =	sadd.s32 s6, s29  }
0xd9: {  	[tilespmem:s14+$0x143D0] =	vst @!p1 v12;
	s9 =	sand.u32 $0xFFFFFFF8, s6  }
0xda: {  	[tilespmem:s14+$0x143E0] =	vst @!p1 v11;
	s6 =	sadd.s32 s10, s9  }
0xdb: {  	[tilespmem:s14+$0x143F0] =	vst @!p1 v10;
	p1 =	sge.s32 s10, s6  }
.Ltmp13:
0xdc: {  	_ = 	snop;
	(pc) =	sbr.rel @p1 .LBB2_18-.Ltmp13, $4  }
0xdd: {  	_ = 	snop  }
0xde: {  	v6 =	vpsel !p0, $0xFF800000, v6;
	v5 =	vpsel !p0, $0xFF800000, v5  }
0xdf: {  	v9 =	vpsel !p0, $0xFF800000, v9;
	v8 =	vpsel !p0, $0xFF800000, v8;
	v7 =	vpsel !p0, $0xFF800000, v7  }
0xe0: {  	v12 =	vpsel !p0, $0xFF800000, v12;
	v11 =	vpsel !p0, $0xFF800000, v11;
	v10 =	vpsel !p0, $0xFF800000, v10;
	s8 =	spop (v2sf)  }
0xe1: {  	s14 =	sadd.s32 s10, s0  }
0xe2: {  	s14 =	sshll.u32 s14, $0x9  }
0xe3: {  	s14 =	sshra.s32 s14, $0x2  }
0xe4: {  	s14 =	sadd.s32 $0xF0, s14  }
0xe5: {  	v23 =	vld [tilespmem:s14+$0x310]  }
0xe6: {  	v24 =	vld [tilespmem:s14+$0x320]  }
0xe7: {  	v25 =	vld [tilespmem:s14+$0x330]  }
0xe8: {  	v27 =	vld [tilespmem:s14+$0x340]  }
0xe9: {  	v28 =	vld [tilespmem:s14+$0x350]  }
0xea: {  	v13 =	vld [tilespmem:s14+$0x360]  }
0xeb: {  	v14 =	vld [tilespmem:s14+$0x370]  }
0xec: {  	v26 =	vld [tilespmem:s14+$0x290]  }
0xed: {  	v29 =	vld [tilespmem:s14+$0x2A0]  }
0xee: {  	v31 =	vld [tilespmem:s14+$0x2B0]  }
0xef: {  	v32 =	vld [tilespmem:s14+$0x2C0]  }
0xf0: {  	v33 =	vld [tilespmem:s14+$0x2D0]  }
0xf1: {  	v15 =	vld [tilespmem:s14+$0x2E0]  }
0xf2: {  	v16 =	vld [tilespmem:s14+$0x2F0]  }
0xf3: {  	v30 =	vld [tilespmem:s14+$0x210]  }
0xf4: {  	v34 =	vld [tilespmem:s14+$0x220]  }
0xf5: {  	v35 =	vld [tilespmem:s14+$0x230]  }
0xf6: {  	v36 =	vld [tilespmem:s14+$0x240]  }
0xf7: {  	v37 =	vld [tilespmem:s14+$0x250]  }
0xf8: {  	v17 =	vld [tilespmem:s14+$0x260]  }
0xf9: {  	v18 =	vld [tilespmem:s14+$0x270]  }
0xfa: {  	v38 =	vld [tilespmem:s14+$0x190]  }
0xfb: {  	v39 =	vld [tilespmem:s14+$0x1A0]  }
0xfc: {  	v40 =	vld [tilespmem:s14+$0x1B0]  }
0xfd: {  	v41 =	vld [tilespmem:s14+$0x1C0]  }
0xfe: {  	v42 =	vld [tilespmem:s14+$0x1D0]  }
0xff: {  	v19 =	vld [tilespmem:s14+$0x1E0]  }
0x100: {  	v20 =	vld [tilespmem:s14+$0x1F0]  }
0x101: {  	v43 =	vld [tilespmem:s14+$0x110]  }
0x102: {  	v44 =	vld [tilespmem:s14+$0x120]  }
0x103: {  	v45 =	vld [tilespmem:s14+$0x130]  }
0x104: {  	v46 =	vld [tilespmem:s14+$0x140]  }
0x105: {  	v47 =	vld [tilespmem:s14+$0x150]  }
0x106: {  	v21 =	vld [tilespmem:s14+$0x160]  }
0x107: {  	v48 =	vld [tilespmem:s14+$0x90]  }
0x108: {  	v49 =	vld [tilespmem:s14+$0xA0]  }
0x109: {  	v50 =	vld [tilespmem:s14+$0xB0]  }
0x10a: {  	v51 =	vld [tilespmem:s14+$0x10]  }
0x10b: {  	v52 =	vld [tilespmem:s14+$0xFFFFFF90]  }
0x10c: {  	v53 =	vld [tilespmem:s14+$0xFFFFFFA0]  }
0x10d: {  	v54 =	vld [tilespmem:s14+$0x20]  }
0x10e: {  	v57 =	vld [tilespmem:s14+$0x30]  }
0x10f: {  	v61 =	vld [tilespmem:s14+$0xFFFFFFB0]  }
0x110: {  	v62 =	vld [tilespmem:s14+$0xFFFFFFC0]  }
0x111: {  	v63 =	vld [tilespmem:s14+$0xFFFFFFD0]  }
0x112: {  	v60 =	vld [tilespmem:s14+$0x40]  }
0x113: {  	v55 =	vld [tilespmem:s14+$0xC0]  }
0x114: {  	v22 =	vld [tilespmem:s14+$0x170];
	v6 =	vmax.f32 v6, v52  }
0x115: {  	v56 =	vld [tilespmem:s14+$0xD0];
	v5 =	vmax.f32 v5, v53;
	v9 =	vmax.f32 v9, v61;
	v8 =	vmax.f32 v8, v62  }
0x116: {  	v58 =	vld [tilespmem:s14+$0xE0];
	v7 =	vmax.f32 v7, v63;
	v6 =	vmax.f32 v6, v51;
	v5 =	vmax.f32 v5, v54  }
0x117: {  	v54 =	vld [tilespmem:s14+$0x50];
	v9 =	vmax.f32 v9, v57;
	v8 =	vmax.f32 v8, v60;
	v6 =	vmax.f32 v6, v48  }
0x118: {  	v59 =	vld [tilespmem:s14+$0xF0];
	v5 =	vmax.f32 v5, v49;
	v9 =	vmax.f32 v9, v50;
	v8 =	vmax.f32 v8, v55  }
0x119: {  	v61 =	vld [tilespmem:s14+$0x0];
	v6 =	vmax.f32 v6, v43;
	v5 =	vmax.f32 v5, v44;
	v9 =	vmax.f32 v9, v45  }
0x11a: {  	v62 =	vld [tilespmem:s14+$0x80];
	v8 =	vmax.f32 v8, v46;
	v6 =	vmax.f32 v6, v38;
	v5 =	vmax.f32 v5, v39  }
0x11b: {  	v60 =	vld [tilespmem:s14+$0xFFFFFFF0];
	v9 =	vmax.f32 v9, v40;
	v8 =	vmax.f32 v8, v41;
	v5 =	vmax.f32 v5, v34  }
0x11c: {  	v6 =	vmax.f32 v6, v30;
	v5 =	vmax.f32 v5, v29;
	v29 =	vld [tilespmem:s14+$0x60];
	v7 =	vmax.f32 v7, v54  }
0x11d: {  	v6 =	vmax.f32 v6, v26;
	v5 =	vmax.f32 v5, v24;
	v24 =	vld [tilespmem:s14+$0xFFFFFFE0];
	v7 =	vmax.f32 v7, v56  }
0x11e: {  	s10 =	sadd.s32 $0x8, s10;
	v9 =	vmax.f32 v9, v35;
	v6 =	vmax.f32 v6, v23;
	v23 =	vld [tilespmem:s14+$0x70];
	v7 =	vmax.f32 v7, v47  }
0x11f: {  	p1 =	slt.s32 s10, s6;
	v63 =	vld [tilespmem:s14+$0x100];
	v8 =	vmax.f32 v8, v36;
	v10 =	vmax.f32 v10, v61;
	v7 =	vmax.f32 v7, v42  }
.Ltmp14:
0x120: {  	v30 =	vld [tilespmem:s14+$0x180];
	v9 =	vmax.f32 v9, v31;
	v8 =	vmax.f32 v8, v32;
	v7 =	vmax.f32 v7, v37;
	(pc) =	sbr.rel @!p1 .LBB2_17-.Ltmp14, $4  }
0x121: {  	v26 =	vld [tilespmem:s14+$0x200];
	v9 =	vmax.f32 v9, v25;
	v8 =	vmax.f32 v8, v27;
	v7 =	vmax.f32 v7, v33  }
0x122: {  	v7 =	vmax.f32 v7, v28;
	v12 =	vmax.f32 v12, v24;
	v24 =	vmax.f32 v11, v60;
	v11 =	vld [tilespmem:s14+$0x280]  }
0x123: {  	v25 =	vmax.f32 v12, v29;
	v23 =	vmax.f32 v24, v23;
	v24 =	vmax.f32 v10, v62;
	v12 =	vld [tilespmem:s14+$0x300]  }
0x124: {  	v10 =	vmax.f32 v25, v58;
	v23 =	vmax.f32 v23, v59;
	v25 =	vmax.f32 v24, v63;
	v24 =	vld [tilespmem:s14+$0x380];
	s14 =	sadd.s32 $0x400, s14  }
.LBB2_16:
0x125: {  	v29 =	vld [tilespmem:s14+$0x310];
	v10 =	vmax.f32 v10, v21;
	v21 =	vmax.f32 v23, v22;
	v22 =	vmax.f32 v25, v30  }
0x126: {  	v30 =	vld [tilespmem:s14+$0x320];
	v19 =	vmax.f32 v10, v19;
	v20 =	vmax.f32 v21, v20;
	v21 =	vmax.f32 v22, v26  }
0x127: {  	v10 =	vld [tilespmem:s14+$0x330];
	v17 =	vmax.f32 v19, v17;
	v18 =	vmax.f32 v20, v18;
	v19 =	vmax.f32 v21, v11  }
0x128: {  	v11 =	vld [tilespmem:s14+$0x340];
	v15 =	vmax.f32 v17, v15;
	v16 =	vmax.f32 v18, v16;
	v17 =	vmax.f32 v19, v12  }
0x129: {  	v25 =	vld [tilespmem:s14+$0x350];
	v12 =	vmax.f32 v15, v13;
	v23 =	vmax.f32 v16, v14;
	v24 =	vmax.f32 v17, v24  }
0x12a: {  	v13 =	vld [tilespmem:s14+$0x360]  }
0x12b: {  	v14 =	vld [tilespmem:s14+$0x370]  }
0x12c: {  	v31 =	vld [tilespmem:s14+$0x290]  }
0x12d: {  	v32 =	vld [tilespmem:s14+$0x2A0]  }
0x12e: {  	v26 =	vld [tilespmem:s14+$0x2B0]  }
0x12f: {  	v27 =	vld [tilespmem:s14+$0x2C0]  }
0x130: {  	v28 =	vld [tilespmem:s14+$0x2D0]  }
0x131: {  	v15 =	vld [tilespmem:s14+$0x2E0]  }
0x132: {  	v16 =	vld [tilespmem:s14+$0x2F0]  }
0x133: {  	v33 =	vld [tilespmem:s14+$0x210]  }
0x134: {  	v34 =	vld [tilespmem:s14+$0x220]  }
0x135: {  	v35 =	vld [tilespmem:s14+$0x230]  }
0x136: {  	v36 =	vld [tilespmem:s14+$0x240]  }
0x137: {  	v37 =	vld [tilespmem:s14+$0x250]  }
0x138: {  	v17 =	vld [tilespmem:s14+$0x260]  }
0x139: {  	v18 =	vld [tilespmem:s14+$0x270]  }
0x13a: {  	v38 =	vld [tilespmem:s14+$0x190]  }
0x13b: {  	v39 =	vld [tilespmem:s14+$0x1A0]  }
0x13c: {  	v40 =	vld [tilespmem:s14+$0x1B0]  }
0x13d: {  	v41 =	vld [tilespmem:s14+$0x1C0]  }
0x13e: {  	v42 =	vld [tilespmem:s14+$0x1D0]  }
0x13f: {  	v19 =	vld [tilespmem:s14+$0x1E0]  }
0x140: {  	v20 =	vld [tilespmem:s14+$0x1F0]  }
0x141: {  	v43 =	vld [tilespmem:s14+$0x110]  }
0x142: {  	v44 =	vld [tilespmem:s14+$0x120]  }
0x143: {  	v45 =	vld [tilespmem:s14+$0x130]  }
0x144: {  	v46 =	vld [tilespmem:s14+$0x140]  }
0x145: {  	v47 =	vld [tilespmem:s14+$0x150]  }
0x146: {  	v21 =	vld [tilespmem:s14+$0x160]  }
0x147: {  	v22 =	vld [tilespmem:s14+$0x170]  }
0x148: {  	v48 =	vld [tilespmem:s14+$0x90]  }
0x149: {  	v49 =	vld [tilespmem:s14+$0xA0]  }
0x14a: {  	v50 =	vld [tilespmem:s14+$0xB0]  }
0x14b: {  	v51 =	vld [tilespmem:s14+$0x10]  }
0x14c: {  	v52 =	vld [tilespmem:s14+$0xFFFFFF90]  }
0x14d: {  	v53 =	vld [tilespmem:s14+$0xFFFFFFA0]  }
0x14e: {  	v54 =	vld [tilespmem:s14+$0x20]  }
0x14f: {  	v55 =	vld [tilespmem:s14+$0xC0]  }
0x150: {  	v56 =	vld [tilespmem:s14+$0xD0]  }
0x151: {  	v57 =	vld [tilespmem:s14+$0x30]  }
0x152: {  	v6 =	vmax.f32 v6, v52;
	v5 =	vmax.f32 v5, v53;
	v52 =	vld [tilespmem:s14+$0x40]  }
0x153: {  	v6 =	vmax.f32 v6, v51;
	v53 =	vld [tilespmem:s14+$0xFFFFFFB0];
	v5 =	vmax.f32 v5, v54  }
0x154: {  	v6 =	vmax.f32 v6, v48;
	v51 =	vld [tilespmem:s14+$0xFFFFFFC0];
	v5 =	vmax.f32 v5, v49  }
0x155: {  	v6 =	vmax.f32 v6, v43;
	v48 =	vld [tilespmem:s14+$0xFFFFFFD0];
	v5 =	vmax.f32 v5, v44  }
0x156: {  	v6 =	vmax.f32 v6, v38;
	v43 =	vld [tilespmem:s14+$0x50];
	v5 =	vmax.f32 v5, v39  }
0x157: {  	v6 =	vmax.f32 v6, v33;
	v38 =	vld [tilespmem:s14+$0xE0];
	v5 =	vmax.f32 v5, v34  }
0x158: {  	v6 =	vmax.f32 v6, v31;
	v33 =	vld [tilespmem:s14+$0xF0];
	v5 =	vmax.f32 v5, v32  }
0x159: {  	v6 =	vmax.f32 v6, v29;
	v31 =	vld [tilespmem:s14+$0x60];
	v5 =	vmax.f32 v5, v30  }
0x15a: {  	v9 =	vmax.f32 v9, v53;
	v8 =	vmax.f32 v8, v51;
	v7 =	vmax.f32 v7, v48;
	v29 =	vld [tilespmem:s14+$0x70]  }
0x15b: {  	v9 =	vmax.f32 v9, v57;
	v8 =	vmax.f32 v8, v52;
	v32 =	vld [tilespmem:s14+$0xFFFFFFE0];
	v7 =	vmax.f32 v7, v43  }
0x15c: {  	v9 =	vmax.f32 v9, v50;
	v8 =	vmax.f32 v8, v55;
	v34 =	vld [tilespmem:s14+$0xFFFFFFF0];
	v7 =	vmax.f32 v7, v56  }
0x15d: {  	s10 =	sadd.s32 $0x8, s10;
	v9 =	vmax.f32 v9, v45;
	v8 =	vmax.f32 v8, v46;
	v39 =	vld [tilespmem:s14+$0x0];
	v7 =	vmax.f32 v7, v47  }
0x15e: {  	p1 =	slt.s32 s10, s6;
	v9 =	vmax.f32 v9, v40;
	v8 =	vmax.f32 v8, v41;
	v43 =	vld [tilespmem:s14+$0x80];
	v7 =	vmax.f32 v7, v42  }
0x15f: {  	v9 =	vmax.f32 v9, v35;
	v8 =	vmax.f32 v8, v36;
	v40 =	vld [tilespmem:s14+$0x100];
	v7 =	vmax.f32 v7, v37  }
.Ltmp15:
0x160: {  	v9 =	vmax.f32 v9, v26;
	v8 =	vmax.f32 v8, v27;
	v30 =	vld [tilespmem:s14+$0x180];
	v7 =	vmax.f32 v7, v28;
	(pc) =	sbr.rel @p1 .LBB2_16-.Ltmp15, $4  }
0x161: {  	v9 =	vmax.f32 v9, v10;
	v8 =	vmax.f32 v8, v11;
	v26 =	vld [tilespmem:s14+$0x200];
	v7 =	vmax.f32 v7, v25  }
0x162: {  	v10 =	vmax.f32 v12, v32;
	v12 =	vmax.f32 v23, v34;
	v23 =	vmax.f32 v24, v39;
	v11 =	vld [tilespmem:s14+$0x280]  }
0x163: {  	v10 =	vmax.f32 v10, v31;
	v24 =	vmax.f32 v12, v29;
	v25 =	vmax.f32 v23, v43;
	v12 =	vld [tilespmem:s14+$0x300]  }
0x164: {  	v10 =	vmax.f32 v10, v38;
	v23 =	vmax.f32 v24, v33;
	v25 =	vmax.f32 v25, v40;
	v24 =	vld [tilespmem:s14+$0x380];
	s14 =	sadd.s32 $0x400, s14  }
.LBB2_17:
0x165: {  	v10 =	vmax.f32 v10, v21;
	v58 =	vmax.f32 v23, v22;
	v59 =	vmax.f32 v25, v30  }
0x166: {  	v10 =	vmax.f32 v10, v19;
	v60 =	vmax.f32 v58, v20;
	v61 =	vmax.f32 v59, v26  }
0x167: {  	v10 =	vmax.f32 v10, v17;
	v62 =	vmax.f32 v60, v18;
	v11 =	vmax.f32 v61, v11  }
0x168: {  	v10 =	vmax.f32 v10, v15;
	v15 =	vmax.f32 v62, v16;
	v63 =	vmax.f32 v11, v12  }
0x169: {  	v12 =	vmax.f32 v10, v13;
	v11 =	vmax.f32 v15, v14;
	v10 =	vmax.f32 v63, v24  }
.LBB2_18:
0x16a: {  	p1 =	sge.s32 s6, s31  }
.Ltmp16:
0x16b: {  	_ = 	snop;
	(pc) =	sbr.rel @p1 .LBB2_21-.Ltmp16, $1  }
0x16c: {  	_ =	sdelay $0x3  }
0x16d: {  	s6 =	ssub.s32 s29, s9;
	s29 =	sadd.s32 s31, s0  }
0x16e: {  	s9 =	ssub.s32 s29, s6  }
0x16f: {  	s9 =	sshll.u32 s9, $0x9  }
0x170: {  	s9 =	sshra.s32 s9, $0x2  }
0x171: {  	s9 =	sadd.s32 $0xC0, s9  }
.LBB2_20:
0x172: {  	v13 =	vld [tilespmem:s9+$0xFFFFFFC0]  }
0x173: {  	v14 =	vld [tilespmem:s9+$0xFFFFFFD0]  }
0x174: {  	v15 =	vld [tilespmem:s9+$0xFFFFFFE0]  }
0x175: {  	v16 =	vld [tilespmem:s9+$0xFFFFFFF0]  }
0x176: {  	v17 =	vld [tilespmem:s9+$0x0]  }
0x177: {  	v18 =	vld [tilespmem:s9+$0x10]  }
0x178: {  	v19 =	vld [tilespmem:s9+$0x20]  }
0x179: {  	v20 =	vld [tilespmem:s9+$0x30];
	p1 =	sne.s32 s6, $0x1  }
.Ltmp17:
0x17a: {  	_ = 	snop;
	(pc) =	sbr.rel @p1 .LBB2_20-.Ltmp17, $4  }
0x17b: {  	_ = 	snop  }
0x17c: {  	v6 =	vmax.f32 v6, v13;
	v5 =	vmax.f32 v5, v14  }
0x17d: {  	v9 =	vmax.f32 v9, v15;
	v8 =	vmax.f32 v8, v16;
	v7 =	vmax.f32 v7, v17  }
0x17e: {  	s9 =	sadd.s32 $0x80, s9;
	s6 =	sadd.s32 $0xFFFFFFFF, s6;
	v12 =	vmax.f32 v12, v18;
	v11 =	vmax.f32 v11, v19;
	v10 =	vmax.f32 v10, v20  }
.Ltmp18:
0x17f: {  	_ = 	snop;
	(pc) =	sbr.rel .LBB2_21-.Ltmp18, $1  }
0x180: {  	_ =	sdelay $0x3  }
.LBB2_12:
0x181: {  	s29 =	smov.u32 s28  }
.LBB2_22:
0x182: {  	s0 =	sadd.s32 $0x2, s26  }
0x183: {  	p0 =	sge.s32 s0, s15  }
0x184: {  	s0 =	smul.u32 @!p0 $0x140, s0;
	_ =	sdelay $0x1  }
0x185: {  	s0 =	sadd.s32 @!p0 s16, s0  }
0x186: {  	p1 =	slt.s32 @!p0 s0, $0x4E0C0  }
0x187: {  	p1 =	por !p1, p0  }
0x188: {  	s0 =	simm.s32 @p1 $0x4E0C0  }
0x189: {  	s3 =	sshll.u32 @!p0 s0, $0x4  }
0x18a: {  	s4 =	simm.s32 @!p0 $0x0;
	s3 =	sand.u32 @!p0 $0x1FFFFF00, s3  }
0x18b: {  	s5 =	simm.s32 @!p0 $0x80;
	s0 =	sshrl.u32 @!p0 s0, $0x3;
	s3 =	sadd.s32 @!p0 s1, s3  }
0x18c: {  	[tilespmem:s5], [sflag:$0x1] =	stream.linear.gather @!p0 [hbm4b:s3+s4], $0xA000, $0x38;
	[tilespmem:$0x1E680] =	vst v63  }
0x18d: {  	s31 =	sor.u32 $0x1, s26;
	s0 =	sadd.s32 @!p0 s2, s0;
	s3 =	simm.s32 @!p0 $0x14080  }
0x18e: {  	[tilespmem:s3], [sflag:$0x1] =	stream.linear.gather @!p0 [hbm4b:s0+s4], $0x140, $0x38;
	[tilespmem:$0x1E680] =	vst v63  }
0x18f: {  	s0 =	smul.u32 $0x140, s31;
	_ =	sdelay $0x1  }
0x190: {  	p0 =	sge.s32 s31, s15;
	s0 =	sadd.s32 s16, s0  }
0x191: {  	s4 =	simm.s32 @!p0 $0x2;
	s3 =	ssub.s32 s17, s0  }
0x192: {  	_ =	swait.ge @!p0 [sflag:s4], $0xA000;
	p2 =	slt.s32 s3, $0x1  }
.Ltmp19:
0x193: {  	[sflag:s4] =	ssyncset.done @!p0 $0x0;
	(pc) =	sbr.rel @p2 .LBB2_23-.Ltmp19, $4  }
0x194: {  	[sflag:s4] =	ssyncadd.s32 @!p0 $0xFFFF6000  }
0x195: {  	_ =	swait.ge @!p0 [sflag:s4], $0x140  }
0x196: {  	p1 =	slt.s32 s23, $0x4E0C0;
	s0 =	smov.u32 s23;
	[sflag:s4] =	ssyncset.done @!p0 $0x0  }
0x197: {  	s0 =	simm.s32 @!p1 $0x4E0C0;
	[sflag:s4] =	ssyncadd.s32 @!p0 $0xFFFFFEC0  }
0x198: {  	s4 =	sshll.u32 s0, $0x2  }
0x199: {  	s4 =	ssub.s32 $0x0, s4  }
0x19a: {  	s4 =	sshra.s32 s4, $0x2  }
0x19b: {  	s4 =	sadd.s32 s4, s22  }
0x19c: {  	v13 =	vld [tilespmem:s4+$0x0];
	_ =	sdelay $0x4  }
0x19d: {  	v14 =	vperm.xlane v13, v1  }
0x19e: {  	v15 =	vmov s29;
	vm0 =	vmmov $0x1  }
0x19f: {  	v14 =	vsel vm0, v15, v14  }
0x1a0: {  	vm1 =	vne.s32 v13, v14  }
0x1a1: {  	v14 =	vsel vm1, $0x1, v2  }
0x1a2: {  	(xrf0) =	vadd.scan.msk.s32 $0xffff, v14;
	_ =	sdelay $0x1  }
0x1a3: {  	p0 =	sgt.s32 s20, $0x0;
	s5 =	smov.u32 s20  }
0x1a4: {  	s5 =	simm.s32 @!p0 $0x0  }
0x1a5: {  	s5 =	smin.u32 s5, $0x140  }
0x1a6: {  	s5 =	sshrl.u32 s5, $0x4  }
0x1a7: {  	s5 =	smax.u32 s5, $0x1;
	v14 =	vimm.s32 $0x0;
	v15, _, _ =	vpop (xrf0)  }
0x1a8: {  	s5 =	sshll.u32 s5, $0x4;
	v16 =	vadd.s32 v15, v14  }
0x1a9: {  	p0 =	sne.s32 s5, $0x10;
	v16 =	vadd.s32 $0xFFFFFFFF, v16  }
.Ltmp20:
0x1aa: {  	_ = 	snop;
	(pc) =	sbr.rel @!p0 .LBB2_26-.Ltmp20, $4  }
0x1ab: {  	v15 =	vperm.xlane v15, v4  }
0x1ac: {  	s6 =	simm.s32 $0x0  }
0x1ad: {  	v17 =	vor.u32 s6, v3;
	v14 =	vadd.s32 v14, v15;
	v15 =	vperm.xlane v13, v4  }
0x1ae: {  	s6 =	simm.s32 $0x10;
	[tilespmem:v16+s11+$0x0] =	vst.idx.msk vm1, v17  }
.LBB2_25:
0x1af: {  	[tilespmem:v16+s12+$0x0] =	vst.idx.msk vm1, v13;
	s4 =	sadd.s32 $0x10, s4;
	v16 =	vmov v15;
	s8 =	smov.u32 s6;
	s6 =	sadd.s32 $0x10, s6  }
0x1b0: {  	v13 =	vld [tilespmem:s4+$0x0];
	p0 =	sne.s32 s5, s6;
	_ =	sdelay $0x4  }
0x1b1: {  	v17 =	vperm.xlane v13, v1;
	v15 =	vperm.xlane v13, v4;
	_ =	sdelay $0x1  }
0x1b2: {  	v16 =	vsel vm0, v16, v17  }
0x1b3: {  	vm1 =	vne.s32 v13, v16  }
0x1b4: {  	v16 =	vsel vm1, $0x1, v2  }
0x1b5: {  	(xrf0) =	vadd.scan.msk.s32 $0xffff, v16;
	_ =	sdelay $0x5  }
0x1b6: {  	v16, _, _ =	vpop (xrf0)  }
0x1b7: {  	v17 =	vadd.s32 v16, v14;
	v18 =	vperm.xlane v16, v4  }
0x1b8: {  	v16 =	vadd.s32 $0xFFFFFFFF, v17  }
.Ltmp21:
0x1b9: {  	v14 =	vadd.s32 v14, v18;
	(pc) =	sbr.rel @p0 .LBB2_25-.Ltmp21, $3  }
0x1ba: {  	_ =	sdelay $0x1  }
0x1bb: {  	v17 =	vor.u32 s8, v3  }
0x1bc: {  	[tilespmem:v16+s11+$0x0] =	vst.idx.msk vm1, v17  }
.LBB2_26:
0x1bd: {  	_ = 	snop  }
.Ltmp22:
0x1be: {  	_ = 	snop;
	(pc) =	sbr.rel .LBB2_27-.Ltmp22, $2  }
0x1bf: {  	_ =	sdelay $0x2  }
0x1c0: {  	[tilespmem:v16+s12+$0x0] =	vst.idx.msk vm1, v13  }
.LBB2_23:
0x1c1: {  	v14 =	vimm.s32 $0x0  }
.LBB2_27:
0x1c2: {  	(v2sf) =	vpush v14, $0x0;
	_ =	sdelay $0xe  }
0x1c3: {  	s30 =	spop (v2sf)  }
0x1c4: {  	p0 =	sgt.u32 s30, $0x7FFFFFFE  }
.Ltmp23:
0x1c5: {  	_ = 	snop;
	(pc) =	sbr.rel @p0 .LBB2_28-.Ltmp23, $1  }
0x1c6: {  	_ =	sdelay $0x3  }
.Ltmp24:
0x1c7: {  	(pc) =	sbr.rel .LBB2_30-.Ltmp24, $4  }
0x1c8: {  	_ = 	snop  }
0x1c9: {  	p0 =	sgt.s32 s3, $0x0;
	s4 =	smax.u32 s30, $0x1;
	s0 =	ssub.s32 s23, s0  }
0x1ca: {  	s10 =	simm.s32 $0x0;
	s13 =	simm.s32 $0x0;
	s3 =	simm.s32 @!p0 $0x0  }
0x1cb: {  	s4 =	sadd.s32 $0xFFFFFFFF, s4;
	s31 =	smin.u32 s3, $0x140;
	s3 =	simm.s32 $0x0  }
.LBB2_37:
0x1cc: {  	s28 =	smov.u32 s3  }
0x1cd: {  	s28 =	smov.u32 @p0 s29;
	p0 =	sne.s32 s13, s30  }
.Ltmp25:
0x1ce: {  	_ = 	snop;
	(pc) =	sbr.rel @!p0 .LBB2_38-.Ltmp25, $3  }
0x1cf: {  	_ =	sdelay $0x1  }
0x1d0: {  	s6 =	sadd.s32 $0x1, s13;
	s3 =	smov.u32 s8  }
0x1d1: {  	s10 =	smov.u32 s5;
	s13 =	smov.u32 s6;
	s29 =	smov.u32 s28  }
.LBB2_30:
0x1d2: {  	p0 =	slt.s32 s13, s4;
	s5 =	smov.u32 s4  }
0x1d3: {  	s5 =	smov.u32 @p0 s13  }
0x1d4: {  	v13 =	vld [tilespmem:s5+$0x1E380];
	_ =	sdelay $0x4  }
0x1d5: {  	(v2sf) =	vpush v13, $0x0;
	_ =	sdelay $0x7  }
0x1d6: {  	v13 =	vld [tilespmem:s5+$0x1E500];
	_ =	sdelay $0x2  }
0x1d7: {  	p0 =	seq.s32 s13, $0x0;
	s5 =	ssub.s32 s29, s7  }
0x1d8: {  	p1 =	sgt.u32 @!p0 s5, $0x13F  }
0x1d9: {  	p1 =	por p1, p0;
	(v2sf) =	vpush v13, $0x0  }
0x1da: {  	p2 =	slt.s32 s13, s30;
	s6 =	sshll.u32 @!p1 s5, $0x7  }
0x1db: {  	s5 =	smov.u32 s31;
	s14 =	sand.u32 @!p1 $0x3FFFFF80, s6;
	s8 =	spop (v2sf)  }
0x1dc: {  	[tilespmem:s14+$0x14380] =	vst @!p1 v6;
	s5 =	smov.u32 @p2 s8  }
0x1dd: {  	[tilespmem:s14+$0x14390] =	vst @!p1 v5;
	s28 =	ssub.s32 s5, s10  }
0x1de: {  	[tilespmem:s14+$0x143A0] =	vst @!p1 v9;
	s9 =	sshra.s32 s28, $0x1F  }
0x1df: {  	[tilespmem:s14+$0x143B0] =	vst @!p1 v8;
	s6 =	sshrl.u32 s9, $0x1D  }
0x1e0: {  	[tilespmem:s14+$0x143C0] =	vst @!p1 v7;
	s6 =	sadd.s32 s6, s28  }
0x1e1: {  	[tilespmem:s14+$0x143D0] =	vst @!p1 v12;
	s9 =	sand.u32 $0xFFFFFFF8, s6  }
0x1e2: {  	[tilespmem:s14+$0x143E0] =	vst @!p1 v11;
	s6 =	sadd.s32 s10, s9  }
0x1e3: {  	[tilespmem:s14+$0x143F0] =	vst @!p1 v10;
	p1 =	sge.s32 s10, s6  }
.Ltmp26:
0x1e4: {  	_ = 	snop;
	(pc) =	sbr.rel @p1 .LBB2_34-.Ltmp26, $4  }
0x1e5: {  	_ = 	snop  }
0x1e6: {  	v6 =	vpsel !p0, $0xFF800000, v6;
	v5 =	vpsel !p0, $0xFF800000, v5  }
0x1e7: {  	v9 =	vpsel !p0, $0xFF800000, v9;
	v8 =	vpsel !p0, $0xFF800000, v8;
	v7 =	vpsel !p0, $0xFF800000, v7  }
0x1e8: {  	v12 =	vpsel !p0, $0xFF800000, v12;
	v11 =	vpsel !p0, $0xFF800000, v11;
	v10 =	vpsel !p0, $0xFF800000, v10;
	s8 =	spop (v2sf)  }
0x1e9: {  	s14 =	sadd.s32 s10, s0  }
0x1ea: {  	s14 =	sshll.u32 s14, $0x9  }
0x1eb: {  	s14 =	sshra.s32 s14, $0x2  }
0x1ec: {  	s14 =	sadd.s32 $0xA0F0, s14  }
0x1ed: {  	v23 =	vld [tilespmem:s14+$0x310]  }
0x1ee: {  	v24 =	vld [tilespmem:s14+$0x320]  }
0x1ef: {  	v25 =	vld [tilespmem:s14+$0x330]  }
0x1f0: {  	v27 =	vld [tilespmem:s14+$0x340]  }
0x1f1: {  	v28 =	vld [tilespmem:s14+$0x350]  }
0x1f2: {  	v13 =	vld [tilespmem:s14+$0x360]  }
0x1f3: {  	v14 =	vld [tilespmem:s14+$0x370]  }
0x1f4: {  	v26 =	vld [tilespmem:s14+$0x290]  }
0x1f5: {  	v29 =	vld [tilespmem:s14+$0x2A0]  }
0x1f6: {  	v31 =	vld [tilespmem:s14+$0x2B0]  }
0x1f7: {  	v32 =	vld [tilespmem:s14+$0x2C0]  }
0x1f8: {  	v33 =	vld [tilespmem:s14+$0x2D0]  }
0x1f9: {  	v15 =	vld [tilespmem:s14+$0x2E0]  }
0x1fa: {  	v16 =	vld [tilespmem:s14+$0x2F0]  }
0x1fb: {  	v30 =	vld [tilespmem:s14+$0x210]  }
0x1fc: {  	v34 =	vld [tilespmem:s14+$0x220]  }
0x1fd: {  	v35 =	vld [tilespmem:s14+$0x230]  }
0x1fe: {  	v36 =	vld [tilespmem:s14+$0x240]  }
0x1ff: {  	v37 =	vld [tilespmem:s14+$0x250]  }
0x200: {  	v17 =	vld [tilespmem:s14+$0x260]  }
0x201: {  	v18 =	vld [tilespmem:s14+$0x270]  }
0x202: {  	v38 =	vld [tilespmem:s14+$0x190]  }
0x203: {  	v39 =	vld [tilespmem:s14+$0x1A0]  }
0x204: {  	v40 =	vld [tilespmem:s14+$0x1B0]  }
0x205: {  	v41 =	vld [tilespmem:s14+$0x1C0]  }
0x206: {  	v42 =	vld [tilespmem:s14+$0x1D0]  }
0x207: {  	v19 =	vld [tilespmem:s14+$0x1E0]  }
0x208: {  	v20 =	vld [tilespmem:s14+$0x1F0]  }
0x209: {  	v43 =	vld [tilespmem:s14+$0x110]  }
0x20a: {  	v44 =	vld [tilespmem:s14+$0x120]  }
0x20b: {  	v45 =	vld [tilespmem:s14+$0x130]  }
0x20c: {  	v46 =	vld [tilespmem:s14+$0x140]  }
0x20d: {  	v47 =	vld [tilespmem:s14+$0x150]  }
0x20e: {  	v21 =	vld [tilespmem:s14+$0x160]  }
0x20f: {  	v48 =	vld [tilespmem:s14+$0x90]  }
0x210: {  	v49 =	vld [tilespmem:s14+$0xA0]  }
0x211: {  	v50 =	vld [tilespmem:s14+$0xB0]  }
0x212: {  	v51 =	vld [tilespmem:s14+$0x10]  }
0x213: {  	v52 =	vld [tilespmem:s14+$0xFFFFFF90]  }
0x214: {  	v53 =	vld [tilespmem:s14+$0xFFFFFFA0]  }
0x215: {  	v54 =	vld [tilespmem:s14+$0x20]  }
0x216: {  	v57 =	vld [tilespmem:s14+$0x30]  }
0x217: {  	v61 =	vld [tilespmem:s14+$0xFFFFFFB0]  }
0x218: {  	v62 =	vld [tilespmem:s14+$0xFFFFFFC0]  }
0x219: {  	v63 =	vld [tilespmem:s14+$0xFFFFFFD0]  }
0x21a: {  	v60 =	vld [tilespmem:s14+$0x40]  }
0x21b: {  	v55 =	vld [tilespmem:s14+$0xC0]  }
0x21c: {  	v22 =	vld [tilespmem:s14+$0x170];
	v6 =	vmax.f32 v6, v52  }
0x21d: {  	v56 =	vld [tilespmem:s14+$0xD0];
	v5 =	vmax.f32 v5, v53;
	v9 =	vmax.f32 v9, v61;
	v8 =	vmax.f32 v8, v62  }
0x21e: {  	v58 =	vld [tilespmem:s14+$0xE0];
	v7 =	vmax.f32 v7, v63;
	v6 =	vmax.f32 v6, v51;
	v5 =	vmax.f32 v5, v54  }
0x21f: {  	v54 =	vld [tilespmem:s14+$0x50];
	v9 =	vmax.f32 v9, v57;
	v8 =	vmax.f32 v8, v60;
	v6 =	vmax.f32 v6, v48  }
0x220: {  	v59 =	vld [tilespmem:s14+$0xF0];
	v5 =	vmax.f32 v5, v49;
	v9 =	vmax.f32 v9, v50;
	v8 =	vmax.f32 v8, v55  }
0x221: {  	v61 =	vld [tilespmem:s14+$0x0];
	v6 =	vmax.f32 v6, v43;
	v5 =	vmax.f32 v5, v44;
	v9 =	vmax.f32 v9, v45  }
0x222: {  	v62 =	vld [tilespmem:s14+$0x80];
	v8 =	vmax.f32 v8, v46;
	v6 =	vmax.f32 v6, v38;
	v5 =	vmax.f32 v5, v39  }
0x223: {  	v60 =	vld [tilespmem:s14+$0xFFFFFFF0];
	v9 =	vmax.f32 v9, v40;
	v8 =	vmax.f32 v8, v41;
	v5 =	vmax.f32 v5, v34  }
0x224: {  	v6 =	vmax.f32 v6, v30;
	v5 =	vmax.f32 v5, v29;
	v29 =	vld [tilespmem:s14+$0x60];
	v7 =	vmax.f32 v7, v54  }
0x225: {  	v6 =	vmax.f32 v6, v26;
	v5 =	vmax.f32 v5, v24;
	v24 =	vld [tilespmem:s14+$0xFFFFFFE0];
	v7 =	vmax.f32 v7, v56  }
0x226: {  	s10 =	sadd.s32 $0x8, s10;
	v9 =	vmax.f32 v9, v35;
	v6 =	vmax.f32 v6, v23;
	v23 =	vld [tilespmem:s14+$0x70];
	v7 =	vmax.f32 v7, v47  }
0x227: {  	p1 =	slt.s32 s10, s6;
	v63 =	vld [tilespmem:s14+$0x100];
	v8 =	vmax.f32 v8, v36;
	v10 =	vmax.f32 v10, v61;
	v7 =	vmax.f32 v7, v42  }
.Ltmp27:
0x228: {  	v30 =	vld [tilespmem:s14+$0x180];
	v9 =	vmax.f32 v9, v31;
	v8 =	vmax.f32 v8, v32;
	v7 =	vmax.f32 v7, v37;
	(pc) =	sbr.rel @!p1 .LBB2_33-.Ltmp27, $4  }
0x229: {  	v26 =	vld [tilespmem:s14+$0x200];
	v9 =	vmax.f32 v9, v25;
	v8 =	vmax.f32 v8, v27;
	v7 =	vmax.f32 v7, v33  }
0x22a: {  	v7 =	vmax.f32 v7, v28;
	v12 =	vmax.f32 v12, v24;
	v24 =	vmax.f32 v11, v60;
	v11 =	vld [tilespmem:s14+$0x280]  }
0x22b: {  	v25 =	vmax.f32 v12, v29;
	v23 =	vmax.f32 v24, v23;
	v24 =	vmax.f32 v10, v62;
	v12 =	vld [tilespmem:s14+$0x300]  }
0x22c: {  	v10 =	vmax.f32 v25, v58;
	v23 =	vmax.f32 v23, v59;
	v25 =	vmax.f32 v24, v63;
	v24 =	vld [tilespmem:s14+$0x380];
	s14 =	sadd.s32 $0x400, s14  }
.LBB2_32:
0x22d: {  	v29 =	vld [tilespmem:s14+$0x310];
	v10 =	vmax.f32 v10, v21;
	v21 =	vmax.f32 v23, v22;
	v22 =	vmax.f32 v25, v30  }
0x22e: {  	v30 =	vld [tilespmem:s14+$0x320];
	v19 =	vmax.f32 v10, v19;
	v20 =	vmax.f32 v21, v20;
	v21 =	vmax.f32 v22, v26  }
0x22f: {  	v10 =	vld [tilespmem:s14+$0x330];
	v17 =	vmax.f32 v19, v17;
	v18 =	vmax.f32 v20, v18;
	v19 =	vmax.f32 v21, v11  }
0x230: {  	v11 =	vld [tilespmem:s14+$0x340];
	v15 =	vmax.f32 v17, v15;
	v16 =	vmax.f32 v18, v16;
	v17 =	vmax.f32 v19, v12  }
0x231: {  	v25 =	vld [tilespmem:s14+$0x350];
	v12 =	vmax.f32 v15, v13;
	v23 =	vmax.f32 v16, v14;
	v24 =	vmax.f32 v17, v24  }
0x232: {  	v13 =	vld [tilespmem:s14+$0x360]  }
0x233: {  	v14 =	vld [tilespmem:s14+$0x370]  }
0x234: {  	v31 =	vld [tilespmem:s14+$0x290]  }
0x235: {  	v32 =	vld [tilespmem:s14+$0x2A0]  }
0x236: {  	v26 =	vld [tilespmem:s14+$0x2B0]  }
0x237: {  	v27 =	vld [tilespmem:s14+$0x2C0]  }
0x238: {  	v28 =	vld [tilespmem:s14+$0x2D0]  }
0x239: {  	v15 =	vld [tilespmem:s14+$0x2E0]  }
0x23a: {  	v16 =	vld [tilespmem:s14+$0x2F0]  }
0x23b: {  	v33 =	vld [tilespmem:s14+$0x210]  }
0x23c: {  	v34 =	vld [tilespmem:s14+$0x220]  }
0x23d: {  	v35 =	vld [tilespmem:s14+$0x230]  }
0x23e: {  	v36 =	vld [tilespmem:s14+$0x240]  }
0x23f: {  	v37 =	vld [tilespmem:s14+$0x250]  }
0x240: {  	v17 =	vld [tilespmem:s14+$0x260]  }
0x241: {  	v18 =	vld [tilespmem:s14+$0x270]  }
0x242: {  	v38 =	vld [tilespmem:s14+$0x190]  }
0x243: {  	v39 =	vld [tilespmem:s14+$0x1A0]  }
0x244: {  	v40 =	vld [tilespmem:s14+$0x1B0]  }
0x245: {  	v41 =	vld [tilespmem:s14+$0x1C0]  }
0x246: {  	v42 =	vld [tilespmem:s14+$0x1D0]  }
0x247: {  	v19 =	vld [tilespmem:s14+$0x1E0]  }
0x248: {  	v20 =	vld [tilespmem:s14+$0x1F0]  }
0x249: {  	v43 =	vld [tilespmem:s14+$0x110]  }
0x24a: {  	v44 =	vld [tilespmem:s14+$0x120]  }
0x24b: {  	v45 =	vld [tilespmem:s14+$0x130]  }
0x24c: {  	v46 =	vld [tilespmem:s14+$0x140]  }
0x24d: {  	v47 =	vld [tilespmem:s14+$0x150]  }
0x24e: {  	v21 =	vld [tilespmem:s14+$0x160]  }
0x24f: {  	v22 =	vld [tilespmem:s14+$0x170]  }
0x250: {  	v48 =	vld [tilespmem:s14+$0x90]  }
0x251: {  	v49 =	vld [tilespmem:s14+$0xA0]  }
0x252: {  	v50 =	vld [tilespmem:s14+$0xB0]  }
0x253: {  	v51 =	vld [tilespmem:s14+$0x10]  }
0x254: {  	v52 =	vld [tilespmem:s14+$0xFFFFFF90]  }
0x255: {  	v53 =	vld [tilespmem:s14+$0xFFFFFFA0]  }
0x256: {  	v54 =	vld [tilespmem:s14+$0x20]  }
0x257: {  	v55 =	vld [tilespmem:s14+$0xC0]  }
0x258: {  	v56 =	vld [tilespmem:s14+$0xD0]  }
0x259: {  	v57 =	vld [tilespmem:s14+$0x30]  }
0x25a: {  	v6 =	vmax.f32 v6, v52;
	v5 =	vmax.f32 v5, v53;
	v52 =	vld [tilespmem:s14+$0x40]  }
0x25b: {  	v6 =	vmax.f32 v6, v51;
	v53 =	vld [tilespmem:s14+$0xFFFFFFB0];
	v5 =	vmax.f32 v5, v54  }
0x25c: {  	v6 =	vmax.f32 v6, v48;
	v51 =	vld [tilespmem:s14+$0xFFFFFFC0];
	v5 =	vmax.f32 v5, v49  }
0x25d: {  	v6 =	vmax.f32 v6, v43;
	v48 =	vld [tilespmem:s14+$0xFFFFFFD0];
	v5 =	vmax.f32 v5, v44  }
0x25e: {  	v6 =	vmax.f32 v6, v38;
	v43 =	vld [tilespmem:s14+$0x50];
	v5 =	vmax.f32 v5, v39  }
0x25f: {  	v6 =	vmax.f32 v6, v33;
	v38 =	vld [tilespmem:s14+$0xE0];
	v5 =	vmax.f32 v5, v34  }
0x260: {  	v6 =	vmax.f32 v6, v31;
	v33 =	vld [tilespmem:s14+$0xF0];
	v5 =	vmax.f32 v5, v32  }
0x261: {  	v6 =	vmax.f32 v6, v29;
	v31 =	vld [tilespmem:s14+$0x60];
	v5 =	vmax.f32 v5, v30  }
0x262: {  	v9 =	vmax.f32 v9, v53;
	v8 =	vmax.f32 v8, v51;
	v7 =	vmax.f32 v7, v48;
	v29 =	vld [tilespmem:s14+$0x70]  }
0x263: {  	v9 =	vmax.f32 v9, v57;
	v8 =	vmax.f32 v8, v52;
	v32 =	vld [tilespmem:s14+$0xFFFFFFE0];
	v7 =	vmax.f32 v7, v43  }
0x264: {  	v9 =	vmax.f32 v9, v50;
	v8 =	vmax.f32 v8, v55;
	v34 =	vld [tilespmem:s14+$0xFFFFFFF0];
	v7 =	vmax.f32 v7, v56  }
0x265: {  	s10 =	sadd.s32 $0x8, s10;
	v9 =	vmax.f32 v9, v45;
	v8 =	vmax.f32 v8, v46;
	v39 =	vld [tilespmem:s14+$0x0];
	v7 =	vmax.f32 v7, v47  }
0x266: {  	p1 =	slt.s32 s10, s6;
	v9 =	vmax.f32 v9, v40;
	v8 =	vmax.f32 v8, v41;
	v43 =	vld [tilespmem:s14+$0x80];
	v7 =	vmax.f32 v7, v42  }
0x267: {  	v9 =	vmax.f32 v9, v35;
	v8 =	vmax.f32 v8, v36;
	v40 =	vld [tilespmem:s14+$0x100];
	v7 =	vmax.f32 v7, v37  }
.Ltmp28:
0x268: {  	v9 =	vmax.f32 v9, v26;
	v8 =	vmax.f32 v8, v27;
	v30 =	vld [tilespmem:s14+$0x180];
	v7 =	vmax.f32 v7, v28;
	(pc) =	sbr.rel @p1 .LBB2_32-.Ltmp28, $4  }
0x269: {  	v9 =	vmax.f32 v9, v10;
	v8 =	vmax.f32 v8, v11;
	v26 =	vld [tilespmem:s14+$0x200];
	v7 =	vmax.f32 v7, v25  }
0x26a: {  	v10 =	vmax.f32 v12, v32;
	v12 =	vmax.f32 v23, v34;
	v23 =	vmax.f32 v24, v39;
	v11 =	vld [tilespmem:s14+$0x280]  }
0x26b: {  	v10 =	vmax.f32 v10, v31;
	v24 =	vmax.f32 v12, v29;
	v25 =	vmax.f32 v23, v43;
	v12 =	vld [tilespmem:s14+$0x300]  }
0x26c: {  	v10 =	vmax.f32 v10, v38;
	v23 =	vmax.f32 v24, v33;
	v25 =	vmax.f32 v25, v40;
	v24 =	vld [tilespmem:s14+$0x380];
	s14 =	sadd.s32 $0x400, s14  }
.LBB2_33:
0x26d: {  	v10 =	vmax.f32 v10, v21;
	v58 =	vmax.f32 v23, v22;
	v59 =	vmax.f32 v25, v30  }
0x26e: {  	v10 =	vmax.f32 v10, v19;
	v60 =	vmax.f32 v58, v20;
	v61 =	vmax.f32 v59, v26  }
0x26f: {  	v10 =	vmax.f32 v10, v17;
	v62 =	vmax.f32 v60, v18;
	v11 =	vmax.f32 v61, v11  }
0x270: {  	v10 =	vmax.f32 v10, v15;
	v15 =	vmax.f32 v62, v16;
	v63 =	vmax.f32 v11, v12  }
0x271: {  	v12 =	vmax.f32 v10, v13;
	v11 =	vmax.f32 v15, v14;
	v10 =	vmax.f32 v63, v24  }
.LBB2_34:
0x272: {  	p1 =	sge.s32 s6, s5  }
.Ltmp29:
0x273: {  	_ = 	snop;
	(pc) =	sbr.rel @p1 .LBB2_37-.Ltmp29, $1  }
0x274: {  	_ =	sdelay $0x3  }
0x275: {  	s6 =	ssub.s32 s28, s9;
	s28 =	sadd.s32 s5, s0  }
0x276: {  	s9 =	ssub.s32 s28, s6  }
0x277: {  	s9 =	sshll.u32 s9, $0x9  }
0x278: {  	s9 =	sshra.s32 s9, $0x2  }
0x279: {  	s9 =	sadd.s32 $0xA0C0, s9  }
.LBB2_36:
0x27a: {  	v13 =	vld [tilespmem:s9+$0xFFFFFFC0]  }
0x27b: {  	v14 =	vld [tilespmem:s9+$0xFFFFFFD0]  }
0x27c: {  	v15 =	vld [tilespmem:s9+$0xFFFFFFE0]  }
0x27d: {  	v16 =	vld [tilespmem:s9+$0xFFFFFFF0]  }
0x27e: {  	v17 =	vld [tilespmem:s9+$0x0]  }
0x27f: {  	v18 =	vld [tilespmem:s9+$0x10]  }
0x280: {  	v19 =	vld [tilespmem:s9+$0x20]  }
0x281: {  	v20 =	vld [tilespmem:s9+$0x30];
	p1 =	sne.s32 s6, $0x1  }
.Ltmp30:
0x282: {  	_ = 	snop;
	(pc) =	sbr.rel @p1 .LBB2_36-.Ltmp30, $4  }
0x283: {  	_ = 	snop  }
0x284: {  	v6 =	vmax.f32 v6, v13;
	v5 =	vmax.f32 v5, v14  }
0x285: {  	v9 =	vmax.f32 v9, v15;
	v8 =	vmax.f32 v8, v16;
	v7 =	vmax.f32 v7, v17  }
0x286: {  	s9 =	sadd.s32 $0x80, s9;
	s6 =	sadd.s32 $0xFFFFFFFF, s6;
	v12 =	vmax.f32 v12, v18;
	v11 =	vmax.f32 v11, v19;
	v10 =	vmax.f32 v10, v20  }
.Ltmp31:
0x287: {  	_ = 	snop;
	(pc) =	sbr.rel .LBB2_37-.Ltmp31, $1  }
0x288: {  	_ =	sdelay $0x3  }
.LBB2_40:
0x289: {  	_ =	sfence.sel $0x180000  }
0x28a: {  	[bflag:$0x0] =	sbarrier.arrive $0xFFFF  }
0x28b: {  	_ =	strace $0x90000047  }
0x28c: {  	s0 =	stileid.u32;
	[bflag:$0x2] =	sbarrier.arrive $0xFFFF  }
0x28d: {  	p0 =	sne.s32 s0, $0x0;
	s0 =	rddreg [dreg:$0x4]  }
0x28e: {  	s0 =	sadd.s32 @!p0 $0x100000, s0  }
0x28f: {  	[sflag:s0] =	ssyncadd.tile.s32 @!p0 $0x1;
	_ =	shalt  }
.Lfunc_end2:
_tile_overlayer_lowered:
.L_overlay_start_2:
0x290: {  	(tag) =	ssettag $0x2  }
0x291: {  	s0 =	rddreg [dreg:$0x0];
	s2 =	stileid.u32  }
0x292: {  	s1 =	rddreg [dreg:$0x1];
	p0 =	sne.s32 s2, $0x0  }
0x293: {  	s3 =	rddreg [dreg:$0x2];
	[bflag:$0x3] =	sbarrier.arrive $0xFFFF;
	s2 =	simm.s32 @!p0 $0x1C03  }
0x294: {  	[timem:s3], [sflag:s2] =	dma.local @!p0 [hbm:s0], s1  }
0x295: {  	s0 =	simm.s32 @!p0 $0x3  }
0x296: {  	_ =	swait.ge @!p0 [sflag:s0], s1  }
0x297: {  	s1 =	ssub.s32 @!p0 $0x0, s1;
	[sflag:s0] =	ssyncset.done @!p0 $0x0  }
0x298: {  	[sflag:s0] =	ssyncadd.s32 @!p0 s1  }
0x299: {  	[bflag:$0x3] =	sbarrier.arrive $0xFFFF  }
0x29a: {  	_ =	shalt  }

</sc_bundles>
